<compile_context>
chip_gen: v7x
topology: tpu7x:2x2x1
jax: 0.10.2.dev20260603
libtpu: 0.0.44.dev20260713+nightly
codegen_flags: <defaults>
</compile_context>

<pallas_src>
import functools

import jax
import jax.numpy as jnp
from jax import lax
from jax.experimental import pallas as pl
from jax.experimental.pallas import tpu as pltpu
from jax.experimental.pallas import tpu_sc as plsc

HIDDEN = 4096
NUM_EXPERTS = 64
TOP_K = 8
N_GROUPS = 8
EPG = NUM_EXPERTS // N_GROUPS
TOPK_GROUPS = 4
ROUTED_SCALING_FACTOR = 2.5

NC = 2
NS = 16
NW = NC * NS
L = 16
CB = 128


def _score_block(x_ref, w_ref, b_ref, sb_ref):
    x = x_ref[...]
    w = w_ref[...]
    s = jax.nn.sigmoid(jnp.dot(x, w, preferred_element_type=jnp.float32))
    sb_ref[...] = s + b_ref[...]


def _scores_tc(x_TD, kernel_DE, bias_E, tb=512):
    t = x_TD.shape[0]
    bias_2d = jnp.reshape(bias_E, (1, NUM_EXPERTS)).astype(jnp.float32)
    return pl.pallas_call(
        _score_block,
        grid=(t // tb,),
        in_specs=[
            pl.BlockSpec((tb, HIDDEN), lambda i: (i, 0)),
            pl.BlockSpec((HIDDEN, NUM_EXPERTS), lambda i: (0, 0)),
            pl.BlockSpec((1, NUM_EXPERTS), lambda i: (0, 0)),
        ],
        out_specs=pl.BlockSpec((tb, NUM_EXPERTS), lambda i: (i, 0)),
        out_shape=jax.ShapeDtypeStruct((t, NUM_EXPERTS), jnp.float32),
    )(x_TD, kernel_DE, bias_2d)


def _sc_router_body(sb_hbm, b2_hbm, wout_hbm, iout_hbm,
                    sb_chunk, ms_ref, bias_v, wv, iv):
    wid = lax.axis_index("s") * NC + lax.axis_index("c")
    t_total = sb_hbm.shape[0]
    tw = t_total // NW
    nst = tw // CB
    nsb = CB // L
    pltpu.sync_copy(b2_hbm, bias_v)
    iota = lax.iota(jnp.int32, L)
    zero16 = jnp.zeros((L,), jnp.int32)
    neg = jnp.full((L,), -1e30, jnp.float32)
    zero = jnp.full((L,), 0.0, jnp.float32)
    one = jnp.full((L,), 1, jnp.int32)
    esplat = [jnp.full((L,), e, jnp.int32) for e in range(NUM_EXPERTS)]

    def stage_body(st, carry0):
        t0 = wid * tw + st * CB
        pltpu.sync_copy(sb_hbm.at[pl.ds(t0, CB)], sb_chunk)

        def _merge(va, ia, vb, ib):
            c = vb > va
            return jnp.where(c, vb, va), jnp.where(c, ib, ia)

        def sub_body(i, carry):
            row = iota + i * L

            vals = [None] * NUM_EXPERTS
            gs = []
            for g in range(N_GROUPS):
                m1 = m2 = None
                for o in range(EPG):
                    e = EPG * g + o
                    sb = plsc.load_gather(sb_chunk, [row, esplat[e]])
                    vals[e] = sb
                    if o == 0:
                        m1, m2 = sb, neg
                    else:
                        m2 = jnp.maximum(m2, jnp.minimum(sb, m1))
                        m1 = jnp.maximum(m1, sb)
                gs.append(m1 + m2)

            rank = [jnp.zeros((L,), jnp.int32) for _ in range(N_GROUPS)]
            for g in range(N_GROUPS):
                for h in range(g + 1, N_GROUPS):
                    c = (gs[h] > gs[g]).astype(jnp.int32)
                    rank[g] = rank[g] + c
                    rank[h] = rank[h] + (one - c)
            sel = [rank[g] < TOPK_GROUPS for g in range(N_GROUPS)]

            for e in range(NUM_EXPERTS):
                vals[e] = jnp.where(sel[e // EPG], vals[e], zero)
                ms_ref[e] = vals[e]

            gm_v, gm_i = [], []
            for g in range(N_GROUPS):
                vcur = vals[EPG * g:EPG * (g + 1)]
                icur = esplat[EPG * g:EPG * (g + 1)]
                while len(vcur) > 1:
                    nv, ni = [], []
                    for k in range(0, len(vcur), 2):
                        v, ix = _merge(vcur[k], icur[k],
                                       vcur[k + 1], icur[k + 1])
                        nv.append(v)
                        ni.append(ix)
                    vcur, icur = nv, ni
                gm_v.append(vcur[0])
                gm_i.append(icur[0])
            gsplat = [jnp.full((L,), g, jnp.int32) for g in range(N_GROUPS)]

            wcols, icols = [], []
            for j in range(TOP_K):
                vcur = list(gm_v)
                icur = list(gm_i)
                gcur = list(gsplat)
                while len(vcur) > 1:
                    nv, ni, ng = [], [], []
                    for k in range(0, len(vcur), 2):
                        c = vcur[k + 1] > vcur[k]
                        nv.append(jnp.where(c, vcur[k + 1], vcur[k]))
                        ni.append(jnp.where(c, icur[k + 1], icur[k]))
                        ng.append(jnp.where(c, gcur[k + 1], gcur[k]))
                    vcur, icur, gcur = nv, ni, ng
                m, mi, gw = vcur[0], icur[0], gcur[0]
                be = plsc.load_gather(bias_v, [zero16, mi])
                wcols.append(m - be)
                icols.append(mi)
                if j + 1 < TOP_K:
                    plsc.store_scatter(ms_ref, [mi, iota], neg)
                    rowbase = gw * EPG
                    vcur, icur = None, None
                    for o in range(EPG):
                        ro = rowbase + o
                        vo = plsc.load_gather(ms_ref, [ro, iota])
                        if o == 0:
                            vcur, icur = vo, ro
                        else:
                            vcur, icur = _merge(vcur, icur, vo, ro)
                    for g in range(N_GROUPS):
                        hit = gw == gsplat[g]
                        gm_v[g] = jnp.where(hit, vcur, gm_v[g])
                        gm_i[g] = jnp.where(hit, icur, gm_i[g])

            den = wcols[0]
            for j in range(1, TOP_K):
                den = den + wcols[j]
            den = den + 1e-20
            for j in range(TOP_K):
                plsc.store_scatter(
                    wv, [row, esplat[j]],
                    wcols[j] / den * ROUTED_SCALING_FACTOR)
                plsc.store_scatter(iv, [row, esplat[j]], icols[j])
            return carry

        lax.fori_loop(0, nsb, sub_body, 0)

        pltpu.sync_copy(wv, wout_hbm.at[pl.ds(t0, CB)])
        pltpu.sync_copy(iv, iout_hbm.at[pl.ds(t0, CB)])
        return carry0

    lax.fori_loop(0, nst, stage_body, 0)


def _make_sc_router(t):
    mesh = plsc.VectorSubcoreMesh(core_axis_name="c", subcore_axis_name="s")
    return pl.kernel(
        _sc_router_body,
        out_type=[
            jax.ShapeDtypeStruct((t, TOP_K), jnp.float32),
            jax.ShapeDtypeStruct((t, TOP_K), jnp.int32),
        ],
        mesh=mesh,
        compiler_params=pltpu.CompilerParams(needs_layout_passes=False),
        scratch_types=[
            pltpu.VMEM((CB, NUM_EXPERTS), jnp.float32),
            pltpu.VMEM((NUM_EXPERTS, L), jnp.float32),
            pltpu.VMEM((1, NUM_EXPERTS), jnp.float32),
            pltpu.VMEM((CB, TOP_K), jnp.float32),
            pltpu.VMEM((CB, TOP_K), jnp.int32),
        ],
    )


@functools.partial(jax.jit, static_argnames=())
def kernel(x_TD, kernel_DE, bias_E):
    x_TD = jnp.asarray(x_TD, jnp.float32)
    t = x_TD.shape[0]
    bias_2d = jnp.reshape(bias_E, (1, NUM_EXPERTS)).astype(jnp.float32)
    sb_TE = _scores_tc(x_TD, kernel_DE, bias_E)
    router = _make_sc_router(t)
    weights, indices = router(sb_TE, bias_2d)
    return weights, indices

# --- scband reference (transcript-rebuilt; emitter-appended) ---
"""Pipeline reference for scband-deep-seek-v3-32890859553420 (READ-ONLY COPY).

The authoritative reference and input builder live on the scoring server;
editing this copy changes nothing except your own understanding.
"""

import jax, jax.numpy as jnp
import numpy as np

HIDDEN = 4096
NUM_EXPERTS = 64
TOP_K = 8
N_GROUPS = 8
TOPK_GROUPS = 4
NORM_TOPK_PROB = True
ROUTED_SCALING_FACTOR = 2.5
T = 16384  # batch(4) * seq_len(4096)


def setup_inputs(seed: int = 0) -> dict:
    key = jax.random.key(seed)
    k1, k2, k3 = jax.random.split(key, 3)
    x_TD = jax.random.normal(k1, (T, HIDDEN), dtype=jnp.float32)
    kernel_DE = jax.random.normal(k2, (HIDDEN, NUM_EXPERTS), dtype=jnp.float32) * 0.02
    bias_E = jax.random.normal(k3, (NUM_EXPERTS,), dtype=jnp.float32) * 0.01
    return {"x_TD": x_TD, "kernel_DE": kernel_DE, "bias_E": bias_E}


def _get_topk_indices(scores_TE, bias_E):
    # Faithful port of DeepSeekV3Router.get_topk_indices
    scores_TE = scores_TE + bias_E
    if N_GROUPS > 1:
        experts_per_group = NUM_EXPERTS // N_GROUPS
        group_scores_TGM = jnp.reshape(scores_TE, (-1, N_GROUPS, experts_per_group))
        group_scores_TG2 = jax.lax.top_k(group_scores_TGM, k=2)[0]
        group_scores_TG = jnp.sum(group_scores_TG2, axis=-1)
        indices = jax.lax.top_k(group_scores_TG, k=TOPK_GROUPS)[1]
        mask_TG = jnp.any(jnp.arange(N_GROUPS)[:, None] == indices[..., None, :], axis=-1)
        mask_TE = jnp.repeat(mask_TG, scores_TE.shape[-1] // mask_TG.shape[-1], -1)
        scores_TE = jnp.where(mask_TE, scores_TE, 0.0)
    indices_TX = jax.lax.top_k(scores_TE, k=TOP_K)[1]
    return indices_TX


def reference(x_TD, kernel_DE, bias_E):
    # Faithful port of DeepSeekV3Router.__call__ (DENSE_MAT backend path)
    x_TD = jnp.asarray(x_TD, jnp.float32)
    scores_TE = jnp.einsum('TD,DE -> TE', x_TD, kernel_DE)
    scores_TE = jax.nn.sigmoid(scores_TE)
    original_scores_TE = scores_TE
    topk_indices_TX = _get_topk_indices(scores_TE, bias_E)
    weights_TX = jnp.take_along_axis(original_scores_TE, topk_indices_TX, axis=-1)
    if NORM_TOPK_PROB:
        weights_TX = weights_TX / (jnp.sum(weights_TX, axis=-1)[..., None] + 1e-20)
    weights_TX = weights_TX * ROUTED_SCALING_FACTOR
    return (weights_TX, topk_indices_TX)

if __name__ == "__main__":
    import jax
    _d = setup_inputs()
    print(jax.jit(kernel)(*tuple(_d.values())))

</pallas_src>

<mosaic_0001>
#map = affine_map<(d0, d1) -> (0, 0)>
module attributes {stable_mosaic.version = 14 : i64} {
  func.func @_sc_router_body(%arg0: i32, %arg1: i32, %arg2: memref<16384x64xf32, #tpu.memory_space<hbm>>, %arg3: memref<1x64xf32, #tpu.memory_space<hbm>>, %arg4: memref<16384x8xf32, #tpu.memory_space<hbm>>, %arg5: memref<16384x8xi32, #tpu.memory_space<hbm>>, %arg6: memref<128x64xf32, #tpu.memory_space<vmem>>, %arg7: memref<64x16xf32, #tpu.memory_space<vmem>>, %arg8: memref<1x64xf32, #tpu.memory_space<vmem>>, %arg9: memref<128x8xf32, #tpu.memory_space<vmem>>, %arg10: memref<128x8xi32, #tpu.memory_space<vmem>>) attributes {dimension_semantics = [#tpu.dimension_semantics<core_parallel>, #tpu.dimension_semantics<subcore_parallel>], iteration_bounds = array<i64: 2, 16>, scalar_prefetch = 0 : i64, scratch_operands = 5 : i64, tpu.core_type = #tpu.core_type<sc_vector_subcore>, window_params = [{transform_indices = #map}, {transform_indices = #map}, {transform_indices = #map}, {transform_indices = #map}]} {
    %mul3A = arith.constant 2 : i32
    %mul3A_0 = arith.muli %arg1, %mul3A : i32
    %add3A = arith.addi %mul3A_0, %arg0 : i32
    "tpu.region"() ({
      %run_scoped3A = tpu.sem_alloc : memref<!tpu.dma_semaphore, #tpu.memory_space<semaphore_mem>>
      tpu.enqueue_dma source(%arg3 : memref<1x64xf32, #tpu.memory_space<hbm>>) target(%arg8 : memref<1x64xf32, #tpu.memory_space<vmem>>) target_semaphore(%run_scoped3A : memref<!tpu.dma_semaphore, #tpu.memory_space<semaphore_mem>>)
      tpu.wait_dma2 semaphore(%run_scoped3A : memref<!tpu.dma_semaphore, #tpu.memory_space<semaphore_mem>>) src(%arg3 : memref<1x64xf32, #tpu.memory_space<hbm>>) dst(%arg8 : memref<1x64xf32, #tpu.memory_space<vmem>>)
      tpu.yield
    }) : () -> ()
    %iota3A = tpu.iota {dimensions = array<i32: 0>} : vector<16xi32>
    %broadcast_in_dim3A = arith.constant 0 : i32
    %broadcast_in_dim3A_1 = vector.broadcast %broadcast_in_dim3A : i32 to vector<16xi32>
    %broadcast_in_dim3A_2 = arith.constant -1.000000e+30 : f32
    %broadcast_in_dim3A_3 = vector.broadcast %broadcast_in_dim3A_2 : f32 to vector<16xf32>
    %broadcast_in_dim3A_4 = arith.constant 0.000000e+00 : f32
    %broadcast_in_dim3A_5 = vector.broadcast %broadcast_in_dim3A_4 : f32 to vector<16xf32>
    %broadcast_in_dim3A_6 = arith.constant 1 : i32
    %broadcast_in_dim3A_7 = vector.broadcast %broadcast_in_dim3A_6 : i32 to vector<16xi32>
    %broadcast_in_dim3A_8 = arith.constant 0 : i32
    %broadcast_in_dim3A_9 = vector.broadcast %broadcast_in_dim3A_8 : i32 to vector<16xi32>
    %broadcast_in_dim3A_10 = arith.constant 1 : i32
    %broadcast_in_dim3A_11 = vector.broadcast %broadcast_in_dim3A_10 : i32 to vector<16xi32>
    %broadcast_in_dim3A_12 = arith.constant 2 : i32
    %broadcast_in_dim3A_13 = vector.broadcast %broadcast_in_dim3A_12 : i32 to vector<16xi32>
    %broadcast_in_dim3A_14 = arith.constant 3 : i32
    %broadcast_in_dim3A_15 = vector.broadcast %broadcast_in_dim3A_14 : i32 to vector<16xi32>
    %broadcast_in_dim3A_16 = arith.constant 4 : i32
    %broadcast_in_dim3A_17 = vector.broadcast %broadcast_in_dim3A_16 : i32 to vector<16xi32>
    %broadcast_in_dim3A_18 = arith.constant 5 : i32
    %broadcast_in_dim3A_19 = vector.broadcast %broadcast_in_dim3A_18 : i32 to vector<16xi32>
    %broadcast_in_dim3A_20 = arith.constant 6 : i32
    %broadcast_in_dim3A_21 = vector.broadcast %broadcast_in_dim3A_20 : i32 to vector<16xi32>
    %broadcast_in_dim3A_22 = arith.constant 7 : i32
    %broadcast_in_dim3A_23 = vector.broadcast %broadcast_in_dim3A_22 : i32 to vector<16xi32>
    %broadcast_in_dim3A_24 = arith.constant 8 : i32
    %broadcast_in_dim3A_25 = vector.broadcast %broadcast_in_dim3A_24 : i32 to vector<16xi32>
    %broadcast_in_dim3A_26 = arith.constant 9 : i32
    %broadcast_in_dim3A_27 = vector.broadcast %broadcast_in_dim3A_26 : i32 to vector<16xi32>
    %broadcast_in_dim3A_28 = arith.constant 10 : i32
    %broadcast_in_dim3A_29 = vector.broadcast %broadcast_in_dim3A_28 : i32 to vector<16xi32>
    %broadcast_in_dim3A_30 = arith.constant 11 : i32
    %broadcast_in_dim3A_31 = vector.broadcast %broadcast_in_dim3A_30 : i32 to vector<16xi32>
    %broadcast_in_dim3A_32 = arith.constant 12 : i32
    %broadcast_in_dim3A_33 = vector.broadcast %broadcast_in_dim3A_32 : i32 to vector<16xi32>
    %broadcast_in_dim3A_34 = arith.constant 13 : i32
    %broadcast_in_dim3A_35 = vector.broadcast %broadcast_in_dim3A_34 : i32 to vector<16xi32>
    %broadcast_in_dim3A_36 = arith.constant 14 : i32
    %broadcast_in_dim3A_37 = vector.broadcast %broadcast_in_dim3A_36 : i32 to vector<16xi32>
    %broadcast_in_dim3A_38 = arith.constant 15 : i32
    %broadcast_in_dim3A_39 = vector.broadcast %broadcast_in_dim3A_38 : i32 to vector<16xi32>
    %broadcast_in_dim3A_40 = arith.constant 16 : i32
    %broadcast_in_dim3A_41 = vector.broadcast %broadcast_in_dim3A_40 : i32 to vector<16xi32>
    %broadcast_in_dim3A_42 = arith.constant 17 : i32
    %broadcast_in_dim3A_43 = vector.broadcast %broadcast_in_dim3A_42 : i32 to vector<16xi32>
    %broadcast_in_dim3A_44 = arith.constant 18 : i32
    %broadcast_in_dim3A_45 = vector.broadcast %broadcast_in_dim3A_44 : i32 to vector<16xi32>
    %broadcast_in_dim3A_46 = arith.constant 19 : i32
    %broadcast_in_dim3A_47 = vector.broadcast %broadcast_in_dim3A_46 : i32 to vector<16xi32>
    %broadcast_in_dim3A_48 = arith.constant 20 : i32
    %broadcast_in_dim3A_49 = vector.broadcast %broadcast_in_dim3A_48 : i32 to vector<16xi32>
    %broadcast_in_dim3A_50 = arith.constant 21 : i32
    %broadcast_in_dim3A_51 = vector.broadcast %broadcast_in_dim3A_50 : i32 to vector<16xi32>
    %broadcast_in_dim3A_52 = arith.constant 22 : i32
    %broadcast_in_dim3A_53 = vector.broadcast %broadcast_in_dim3A_52 : i32 to vector<16xi32>
    %broadcast_in_dim3A_54 = arith.constant 23 : i32
    %broadcast_in_dim3A_55 = vector.broadcast %broadcast_in_dim3A_54 : i32 to vector<16xi32>
    %broadcast_in_dim3A_56 = arith.constant 24 : i32
    %broadcast_in_dim3A_57 = vector.broadcast %broadcast_in_dim3A_56 : i32 to vector<16xi32>
    %broadcast_in_dim3A_58 = arith.constant 25 : i32
    %broadcast_in_dim3A_59 = vector.broadcast %broadcast_in_dim3A_58 : i32 to vector<16xi32>
    %broadcast_in_dim3A_60 = arith.constant 26 : i32
    %broadcast_in_dim3A_61 = vector.broadcast %broadcast_in_dim3A_60 : i32 to vector<16xi32>
    %broadcast_in_dim3A_62 = arith.constant 27 : i32
    %broadcast_in_dim3A_63 = vector.broadcast %broadcast_in_dim3A_62 : i32 to vector<16xi32>
    %broadcast_in_dim3A_64 = arith.constant 28 : i32
    %broadcast_in_dim3A_65 = vector.broadcast %broadcast_in_dim3A_64 : i32 to vector<16xi32>
    %broadcast_in_dim3A_66 = arith.constant 29 : i32
    %broadcast_in_dim3A_67 = vector.broadcast %broadcast_in_dim3A_66 : i32 to vector<16xi32>
    %broadcast_in_dim3A_68 = arith.constant 30 : i32
    %broadcast_in_dim3A_69 = vector.broadcast %broadcast_in_dim3A_68 : i32 to vector<16xi32>
    %broadcast_in_dim3A_70 = arith.constant 31 : i32
    %broadcast_in_dim3A_71 = vector.broadcast %broadcast_in_dim3A_70 : i32 to vector<16xi32>
    %broadcast_in_dim3A_72 = arith.constant 32 : i32
    %broadcast_in_dim3A_73 = vector.broadcast %broadcast_in_dim3A_72 : i32 to vector<16xi32>
    %broadcast_in_dim3A_74 = arith.constant 33 : i32
    %broadcast_in_dim3A_75 = vector.broadcast %broadcast_in_dim3A_74 : i32 to vector<16xi32>
    %broadcast_in_dim3A_76 = arith.constant 34 : i32
    %broadcast_in_dim3A_77 = vector.broadcast %broadcast_in_dim3A_76 : i32 to vector<16xi32>
    %broadcast_in_dim3A_78 = arith.constant 35 : i32
    %broadcast_in_dim3A_79 = vector.broadcast %broadcast_in_dim3A_78 : i32 to vector<16xi32>
    %broadcast_in_dim3A_80 = arith.constant 36 : i32
    %broadcast_in_dim3A_81 = vector.broadcast %broadcast_in_dim3A_80 : i32 to vector<16xi32>
    %broadcast_in_dim3A_82 = arith.constant 37 : i32
    %broadcast_in_dim3A_83 = vector.broadcast %broadcast_in_dim3A_82 : i32 to vector<16xi32>
    %broadcast_in_dim3A_84 = arith.constant 38 : i32
    %broadcast_in_dim3A_85 = vector.broadcast %broadcast_in_dim3A_84 : i32 to vector<16xi32>
    %broadcast_in_dim3A_86 = arith.constant 39 : i32
    %broadcast_in_dim3A_87 = vector.broadcast %broadcast_in_dim3A_86 : i32 to vector<16xi32>
    %broadcast_in_dim3A_88 = arith.constant 40 : i32
    %broadcast_in_dim3A_89 = vector.broadcast %broadcast_in_dim3A_88 : i32 to vector<16xi32>
    %broadcast_in_dim3A_90 = arith.constant 41 : i32
    %broadcast_in_dim3A_91 = vector.broadcast %broadcast_in_dim3A_90 : i32 to vector<16xi32>
    %broadcast_in_dim3A_92 = arith.constant 42 : i32
    %broadcast_in_dim3A_93 = vector.broadcast %broadcast_in_dim3A_92 : i32 to vector<16xi32>
    %broadcast_in_dim3A_94 = arith.constant 43 : i32
    %broadcast_in_dim3A_95 = vector.broadcast %broadcast_in_dim3A_94 : i32 to vector<16xi32>
    %broadcast_in_dim3A_96 = arith.constant 44 : i32
    %broadcast_in_dim3A_97 = vector.broadcast %broadcast_in_dim3A_96 : i32 to vector<16xi32>
    %broadcast_in_dim3A_98 = arith.constant 45 : i32
    %broadcast_in_dim3A_99 = vector.broadcast %broadcast_in_dim3A_98 : i32 to vector<16xi32>
    %broadcast_in_dim3A_100 = arith.constant 46 : i32
    %broadcast_in_dim3A_101 = vector.broadcast %broadcast_in_dim3A_100 : i32 to vector<16xi32>
    %broadcast_in_dim3A_102 = arith.constant 47 : i32
    %broadcast_in_dim3A_103 = vector.broadcast %broadcast_in_dim3A_102 : i32 to vector<16xi32>
    %broadcast_in_dim3A_104 = arith.constant 48 : i32
    %broadcast_in_dim3A_105 = vector.broadcast %broadcast_in_dim3A_104 : i32 to vector<16xi32>
    %broadcast_in_dim3A_106 = arith.constant 49 : i32
    %broadcast_in_dim3A_107 = vector.broadcast %broadcast_in_dim3A_106 : i32 to vector<16xi32>
    %broadcast_in_dim3A_108 = arith.constant 50 : i32
    %broadcast_in_dim3A_109 = vector.broadcast %broadcast_in_dim3A_108 : i32 to vector<16xi32>
    %broadcast_in_dim3A_110 = arith.constant 51 : i32
    %broadcast_in_dim3A_111 = vector.broadcast %broadcast_in_dim3A_110 : i32 to vector<16xi32>
    %broadcast_in_dim3A_112 = arith.constant 52 : i32
    %broadcast_in_dim3A_113 = vector.broadcast %broadcast_in_dim3A_112 : i32 to vector<16xi32>
    %broadcast_in_dim3A_114 = arith.constant 53 : i32
    %broadcast_in_dim3A_115 = vector.broadcast %broadcast_in_dim3A_114 : i32 to vector<16xi32>
    %broadcast_in_dim3A_116 = arith.constant 54 : i32
    %broadcast_in_dim3A_117 = vector.broadcast %broadcast_in_dim3A_116 : i32 to vector<16xi32>
    %broadcast_in_dim3A_118 = arith.constant 55 : i32
    %broadcast_in_dim3A_119 = vector.broadcast %broadcast_in_dim3A_118 : i32 to vector<16xi32>
    %broadcast_in_dim3A_120 = arith.constant 56 : i32
    %broadcast_in_dim3A_121 = vector.broadcast %broadcast_in_dim3A_120 : i32 to vector<16xi32>
    %broadcast_in_dim3A_122 = arith.constant 57 : i32
    %broadcast_in_dim3A_123 = vector.broadcast %broadcast_in_dim3A_122 : i32 to vector<16xi32>
    %broadcast_in_dim3A_124 = arith.constant 58 : i32
    %broadcast_in_dim3A_125 = vector.broadcast %broadcast_in_dim3A_124 : i32 to vector<16xi32>
    %broadcast_in_dim3A_126 = arith.constant 59 : i32
    %broadcast_in_dim3A_127 = vector.broadcast %broadcast_in_dim3A_126 : i32 to vector<16xi32>
    %broadcast_in_dim3A_128 = arith.constant 60 : i32
    %broadcast_in_dim3A_129 = vector.broadcast %broadcast_in_dim3A_128 : i32 to vector<16xi32>
    %broadcast_in_dim3A_130 = arith.constant 61 : i32
    %broadcast_in_dim3A_131 = vector.broadcast %broadcast_in_dim3A_130 : i32 to vector<16xi32>
    %broadcast_in_dim3A_132 = arith.constant 62 : i32
    %broadcast_in_dim3A_133 = vector.broadcast %broadcast_in_dim3A_132 : i32 to vector<16xi32>
    %broadcast_in_dim3A_134 = arith.constant 63 : i32
    %broadcast_in_dim3A_135 = vector.broadcast %broadcast_in_dim3A_134 : i32 to vector<16xi32>
    %scan3A = arith.constant 0 : i32
    %scan3A_136 = arith.constant 0 : i32
    %scan3A_137 = arith.constant 4 : i32
    %scan3A_138 = arith.addi %scan3A_136, %scan3A_137 : i32
    %scan3A_139 = arith.constant 1 : i32
    scf.for %scan3A_141 = %scan3A_136 to %scan3A_138 step %scan3A_139  : i32 {
      %mul3A_142 = arith.constant 512 : i32
      %mul3A_143 = arith.muli %add3A, %mul3A_142 : i32
      %mul3A_144 = arith.constant 128 : i32
      %mul3A_145 = arith.muli %scan3A_141, %mul3A_144 : i32
      %add3A_146 = arith.addi %mul3A_143, %mul3A_145 : i32
      "tpu.region"() ({
        %run_scoped3A = tpu.sem_alloc : memref<!tpu.dma_semaphore, #tpu.memory_space<semaphore_mem>>
        %dma_start3A = arith.constant 0 : i32
        %dma_start3A_153 = tpu.memref_slice %arg2[%add3A_146, %dma_start3A] : memref<16384x64xf32, #tpu.memory_space<hbm>> -> memref<128x64xf32, #tpu.memory_space<hbm>>
        %dma_start3A_154 = arith.constant 0 : i32
        %dma_start3A_155 = tpu.memref_slice %arg2[%add3A_146, %dma_start3A_154] : memref<16384x64xf32, #tpu.memory_space<hbm>> -> memref<128x64xf32, #tpu.memory_space<hbm>>
        tpu.enqueue_dma source(%dma_start3A_155 : memref<128x64xf32, #tpu.memory_space<hbm>>) target(%arg6 : memref<128x64xf32, #tpu.memory_space<vmem>>) target_semaphore(%run_scoped3A : memref<!tpu.dma_semaphore, #tpu.memory_space<semaphore_mem>>)
        %dma_wait3A = arith.constant 0 : i32
        %dma_wait3A_156 = tpu.memref_slice %arg2[%add3A_146, %dma_wait3A] : memref<16384x64xf32, #tpu.memory_space<hbm>> -> memref<128x64xf32, #tpu.memory_space<hbm>>
        %dma_wait3A_157 = arith.constant 0 : i32
        %dma_wait3A_158 = tpu.memref_slice %arg2[%add3A_146, %dma_wait3A_157] : memref<16384x64xf32, #tpu.memory_space<hbm>> -> memref<128x64xf32, #tpu.memory_space<hbm>>
        tpu.wait_dma2 semaphore(%run_scoped3A : memref<!tpu.dma_semaphore, #tpu.memory_space<semaphore_mem>>) src(%dma_wait3A_158 : memref<128x64xf32, #tpu.memory_space<hbm>>) dst(%arg6 : memref<128x64xf32, #tpu.memory_space<vmem>>)
        tpu.yield
      }) : () -> ()
      %scan3A_147 = arith.constant 0 : i32
      %scan3A_148 = arith.constant 0 : i32
      %scan3A_149 = arith.constant 8 : i32
      %scan3A_150 = arith.addi %scan3A_148, %scan3A_149 : i32
      %scan3A_151 = arith.constant 1 : i32
      scf.for %scan3A_153 = %scan3A_148 to %scan3A_150 step %scan3A_151  : i32 {
        %mul3A_154 = arith.constant 16 : i32
        %mul3A_155 = arith.muli %scan3A_153, %mul3A_154 : i32
        %add3A_156 = vector.broadcast %mul3A_155 : i32 to vector<16xi32>
        %add3A_157 = arith.addi %iota3A, %add3A_156 : vector<16xi32>
        %gather3A = tpu.vector_load_idx %arg6[%add3A_157, %broadcast_in_dim3A_9] : memref<128x64xf32, #tpu.memory_space<vmem>>[vector<16xi32>, vector<16xi32>], vector<16xf32>,
        %gather3A_158 = tpu.vector_load_idx %arg6[%add3A_157, %broadcast_in_dim3A_11] : memref<128x64xf32, #tpu.memory_space<vmem>>[vector<16xi32>, vector<16xi32>], vector<16xf32>,
        %min3A = arith.minimumf %gather3A_158, %gather3A : vector<16xf32>
        %max3A = arith.maximumf %broadcast_in_dim3A_3, %min3A : vector<16xf32>
        %max3A_159 = arith.maximumf %gather3A, %gather3A_158 : vector<16xf32>
        %gather3A_160 = tpu.vector_load_idx %arg6[%add3A_157, %broadcast_in_dim3A_13] : memref<128x64xf32, #tpu.memory_space<vmem>>[vector<16xi32>, vector<16xi32>], vector<16xf32>,
        %min3A_161 = arith.minimumf %gather3A_160, %max3A_159 : vector<16xf32>
        %max3A_162 = arith.maximumf %max3A, %min3A_161 : vector<16xf32>
        %max3A_163 = arith.maximumf %max3A_159, %gather3A_160 : vector<16xf32>
        %gather3A_164 = tpu.vector_load_idx %arg6[%add3A_157, %broadcast_in_dim3A_15] : memref<128x64xf32, #tpu.memory_space<vmem>>[vector<16xi32>, vector<16xi32>], vector<16xf32>,
        %min3A_165 = arith.minimumf %gather3A_164, %max3A_163 : vector<16xf32>
        %max3A_166 = arith.maximumf %max3A_162, %min3A_165 : vector<16xf32>
        %max3A_167 = arith.maximumf %max3A_163, %gather3A_164 : vector<16xf32>
        %gather3A_168 = tpu.vector_load_idx %arg6[%add3A_157, %broadcast_in_dim3A_17] : memref<128x64xf32, #tpu.memory_space<vmem>>[vector<16xi32>, vector<16xi32>], vector<16xf32>,
        %min3A_169 = arith.minimumf %gather3A_168, %max3A_167 : vector<16xf32>
        %max3A_170 = arith.maximumf %max3A_166, %min3A_169 : vector<16xf32>
        %max3A_171 = arith.maximumf %max3A_167, %gather3A_168 : vector<16xf32>
        %gather3A_172 = tpu.vector_load_idx %arg6[%add3A_157, %broadcast_in_dim3A_19] : memref<128x64xf32, #tpu.memory_space<vmem>>[vector<16xi32>, vector<16xi32>], vector<16xf32>,
        %min3A_173 = arith.minimumf %gather3A_172, %max3A_171 : vector<16xf32>
        %max3A_174 = arith.maximumf %max3A_170, %min3A_173 : vector<16xf32>
        %max3A_175 = arith.maximumf %max3A_171, %gather3A_172 : vector<16xf32>
        %gather3A_176 = tpu.vector_load_idx %arg6[%add3A_157, %broadcast_in_dim3A_21] : memref<128x64xf32, #tpu.memory_space<vmem>>[vector<16xi32>, vector<16xi32>], vector<16xf32>,
        %min3A_177 = arith.minimumf %gather3A_176, %max3A_175 : vector<16xf32>
        %max3A_178 = arith.maximumf %max3A_174, %min3A_177 : vector<16xf32>
        %max3A_179 = arith.maximumf %max3A_175, %gather3A_176 : vector<16xf32>
        %gather3A_180 = tpu.vector_load_idx %arg6[%add3A_157, %broadcast_in_dim3A_23] : memref<128x64xf32, #tpu.memory_space<vmem>>[vector<16xi32>, vector<16xi32>], vector<16xf32>,
        %min3A_181 = arith.minimumf %gather3A_180, %max3A_179 : vector<16xf32>
        %max3A_182 = arith.maximumf %max3A_178, %min3A_181 : vector<16xf32>
        %max3A_183 = arith.maximumf %max3A_179, %gather3A_180 : vector<16xf32>
        %add3A_184 = arith.addf %max3A_183, %max3A_182 : vector<16xf32>
        %gather3A_185 = tpu.vector_load_idx %arg6[%add3A_157, %broadcast_in_dim3A_25] : memref<128x64xf32, #tpu.memory_space<vmem>>[vector<16xi32>, vector<16xi32>], vector<16xf32>,
        %gather3A_186 = tpu.vector_load_idx %arg6[%add3A_157, %broadcast_in_dim3A_27] : memref<128x64xf32, #tpu.memory_space<vmem>>[vector<16xi32>, vector<16xi32>], vector<16xf32>,
        %min3A_187 = arith.minimumf %gather3A_186, %gather3A_185 : vector<16xf32>
        %max3A_188 = arith.maximumf %broadcast_in_dim3A_3, %min3A_187 : vector<16xf32>
        %max3A_189 = arith.maximumf %gather3A_185, %gather3A_186 : vector<16xf32>
        %gather3A_190 = tpu.vector_load_idx %arg6[%add3A_157, %broadcast_in_dim3A_29] : memref<128x64xf32, #tpu.memory_space<vmem>>[vector<16xi32>, vector<16xi32>], vector<16xf32>,
        %min3A_191 = arith.minimumf %gather3A_190, %max3A_189 : vector<16xf32>
        %max3A_192 = arith.maximumf %max3A_188, %min3A_191 : vector<16xf32>
        %max3A_193 = arith.maximumf %max3A_189, %gather3A_190 : vector<16xf32>
        %gather3A_194 = tpu.vector_load_idx %arg6[%add3A_157, %broadcast_in_dim3A_31] : memref<128x64xf32, #tpu.memory_space<vmem>>[vector<16xi32>, vector<16xi32>], vector<16xf32>,
        %min3A_195 = arith.minimumf %gather3A_194, %max3A_193 : vector<16xf32>
        %max3A_196 = arith.maximumf %max3A_192, %min3A_195 : vector<16xf32>
        %max3A_197 = arith.maximumf %max3A_193, %gather3A_194 : vector<16xf32>
        %gather3A_198 = tpu.vector_load_idx %arg6[%add3A_157, %broadcast_in_dim3A_33] : memref<128x64xf32, #tpu.memory_space<vmem>>[vector<16xi32>, vector<16xi32>], vector<16xf32>,
        %min3A_199 = arith.minimumf %gather3A_198, %max3A_197 : vector<16xf32>
        %max3A_200 = arith.maximumf %max3A_196, %min3A_199 : vector<16xf32>
        %max3A_201 = arith.maximumf %max3A_197, %gather3A_198 : vector<16xf32>
        %gather3A_202 = tpu.vector_load_idx %arg6[%add3A_157, %broadcast_in_dim3A_35] : memref<128x64xf32, #tpu.memory_space<vmem>>[vector<16xi32>, vector<16xi32>], vector<16xf32>,
        %min3A_203 = arith.minimumf %gather3A_202, %max3A_201 : vector<16xf32>
        %max3A_204 = arith.maximumf %max3A_200, %min3A_203 : vector<16xf32>
        %max3A_205 = arith.maximumf %max3A_201, %gather3A_202 : vector<16xf32>
        %gather3A_206 = tpu.vector_load_idx %arg6[%add3A_157, %broadcast_in_dim3A_37] : memref<128x64xf32, #tpu.memory_space<vmem>>[vector<16xi32>, vector<16xi32>], vector<16xf32>,
        %min3A_207 = arith.minimumf %gather3A_206, %max3A_205 : vector<16xf32>
        %max3A_208 = arith.maximumf %max3A_204, %min3A_207 : vector<16xf32>
        %max3A_209 = arith.maximumf %max3A_205, %gather3A_206 : vector<16xf32>
        %gather3A_210 = tpu.vector_load_idx %arg6[%add3A_157, %broadcast_in_dim3A_39] : memref<128x64xf32, #tpu.memory_space<vmem>>[vector<16xi32>, vector<16xi32>], vector<16xf32>,
        %min3A_211 = arith.minimumf %gather3A_210, %max3A_209 : vector<16xf32>
        %max3A_212 = arith.maximumf %max3A_208, %min3A_211 : vector<16xf32>
        %max3A_213 = arith.maximumf %max3A_209, %gather3A_210 : vector<16xf32>
        %add3A_214 = arith.addf %max3A_213, %max3A_212 : vector<16xf32>
        %gather3A_215 = tpu.vector_load_idx %arg6[%add3A_157, %broadcast_in_dim3A_41] : memref<128x64xf32, #tpu.memory_space<vmem>>[vector<16xi32>, vector<16xi32>], vector<16xf32>,
        %gather3A_216 = tpu.vector_load_idx %arg6[%add3A_157, %broadcast_in_dim3A_43] : memref<128x64xf32, #tpu.memory_space<vmem>>[vector<16xi32>, vector<16xi32>], vector<16xf32>,
        %min3A_217 = arith.minimumf %gather3A_216, %gather3A_215 : vector<16xf32>
        %max3A_218 = arith.maximumf %broadcast_in_dim3A_3, %min3A_217 : vector<16xf32>
        %max3A_219 = arith.maximumf %gather3A_215, %gather3A_216 : vector<16xf32>
        %gather3A_220 = tpu.vector_load_idx %arg6[%add3A_157, %broadcast_in_dim3A_45] : memref<128x64xf32, #tpu.memory_space<vmem>>[vector<16xi32>, vector<16xi32>], vector<16xf32>,
        %min3A_221 = arith.minimumf %gather3A_220, %max3A_219 : vector<16xf32>
        %max3A_222 = arith.maximumf %max3A_218, %min3A_221 : vector<16xf32>
        %max3A_223 = arith.maximumf %max3A_219, %gather3A_220 : vector<16xf32>
        %gather3A_224 = tpu.vector_load_idx %arg6[%add3A_157, %broadcast_in_dim3A_47] : memref<128x64xf32, #tpu.memory_space<vmem>>[vector<16xi32>, vector<16xi32>], vector<16xf32>,
        %min3A_225 = arith.minimumf %gather3A_224, %max3A_223 : vector<16xf32>
        %max3A_226 = arith.maximumf %max3A_222, %min3A_225 : vector<16xf32>
        %max3A_227 = arith.maximumf %max3A_223, %gather3A_224 : vector<16xf32>
        %gather3A_228 = tpu.vector_load_idx %arg6[%add3A_157, %broadcast_in_dim3A_49] : memref<128x64xf32, #tpu.memory_space<vmem>>[vector<16xi32>, vector<16xi32>], vector<16xf32>,
        %min3A_229 = arith.minimumf %gather3A_228, %max3A_227 : vector<16xf32>
        %max3A_230 = arith.maximumf %max3A_226, %min3A_229 : vector<16xf32>
        %max3A_231 = arith.maximumf %max3A_227, %gather3A_228 : vector<16xf32>
        %gather3A_232 = tpu.vector_load_idx %arg6[%add3A_157, %broadcast_in_dim3A_51] : memref<128x64xf32, #tpu.memory_space<vmem>>[vector<16xi32>, vector<16xi32>], vector<16xf32>,
        %min3A_233 = arith.minimumf %gather3A_232, %max3A_231 : vector<16xf32>
        %max3A_234 = arith.maximumf %max3A_230, %min3A_233 : vector<16xf32>
        %max3A_235 = arith.maximumf %max3A_231, %gather3A_232 : vector<16xf32>
        %gather3A_236 = tpu.vector_load_idx %arg6[%add3A_157, %broadcast_in_dim3A_53] : memref<128x64xf32, #tpu.memory_space<vmem>>[vector<16xi32>, vector<16xi32>], vector<16xf32>,
        %min3A_237 = arith.minimumf %gather3A_236, %max3A_235 : vector<16xf32>
        %max3A_238 = arith.maximumf %max3A_234, %min3A_237 : vector<16xf32>
        %max3A_239 = arith.maximumf %max3A_235, %gather3A_236 : vector<16xf32>
        %gather3A_240 = tpu.vector_load_idx %arg6[%add3A_157, %broadcast_in_dim3A_55] : memref<128x64xf32, #tpu.memory_space<vmem>>[vector<16xi32>, vector<16xi32>], vector<16xf32>,
        %min3A_241 = arith.minimumf %gather3A_240, %max3A_239 : vector<16xf32>
        %max3A_242 = arith.maximumf %max3A_238, %min3A_241 : vector<16xf32>
        %max3A_243 = arith.maximumf %max3A_239, %gather3A_240 : vector<16xf32>
        %add3A_244 = arith.addf %max3A_243, %max3A_242 : vector<16xf32>
        %gather3A_245 = tpu.vector_load_idx %arg6[%add3A_157, %broadcast_in_dim3A_57] : memref<128x64xf32, #tpu.memory_space<vmem>>[vector<16xi32>, vector<16xi32>], vector<16xf32>,
        %gather3A_246 = tpu.vector_load_idx %arg6[%add3A_157, %broadcast_in_dim3A_59] : memref<128x64xf32, #tpu.memory_space<vmem>>[vector<16xi32>, vector<16xi32>], vector<16xf32>,
        %min3A_247 = arith.minimumf %gather3A_246, %gather3A_245 : vector<16xf32>
        %max3A_248 = arith.maximumf %broadcast_in_dim3A_3, %min3A_247 : vector<16xf32>
        %max3A_249 = arith.maximumf %gather3A_245, %gather3A_246 : vector<16xf32>
        %gather3A_250 = tpu.vector_load_idx %arg6[%add3A_157, %broadcast_in_dim3A_61] : memref<128x64xf32, #tpu.memory_space<vmem>>[vector<16xi32>, vector<16xi32>], vector<16xf32>,
        %min3A_251 = arith.minimumf %gather3A_250, %max3A_249 : vector<16xf32>
        %max3A_252 = arith.maximumf %max3A_248, %min3A_251 : vector<16xf32>
        %max3A_253 = arith.maximumf %max3A_249, %gather3A_250 : vector<16xf32>
        %gather3A_254 = tpu.vector_load_idx %arg6[%add3A_157, %broadcast_in_dim3A_63] : memref<128x64xf32, #tpu.memory_space<vmem>>[vector<16xi32>, vector<16xi32>], vector<16xf32>,
        %min3A_255 = arith.minimumf %gather3A_254, %max3A_253 : vector<16xf32>
        %max3A_256 = arith.maximumf %max3A_252, %min3A_255 : vector<16xf32>
        %max3A_257 = arith.maximumf %max3A_253, %gather3A_254 : vector<16xf32>
        %gather3A_258 = tpu.vector_load_idx %arg6[%add3A_157, %broadcast_in_dim3A_65] : memref<128x64xf32, #tpu.memory_space<vmem>>[vector<16xi32>, vector<16xi32>], vector<16xf32>,
        %min3A_259 = arith.minimumf %gather3A_258, %max3A_257 : vector<16xf32>
        %max3A_260 = arith.maximumf %max3A_256, %min3A_259 : vector<16xf32>
        %max3A_261 = arith.maximumf %max3A_257, %gather3A_258 : vector<16xf32>
        %gather3A_262 = tpu.vector_load_idx %arg6[%add3A_157, %broadcast_in_dim3A_67] : memref<128x64xf32, #tpu.memory_space<vmem>>[vector<16xi32>, vector<16xi32>], vector<16xf32>,
        %min3A_263 = arith.minimumf %gather3A_262, %max3A_261 : vector<16xf32>
        %max3A_264 = arith.maximumf %max3A_260, %min3A_263 : vector<16xf32>
        %max3A_265 = arith.maximumf %max3A_261, %gather3A_262 : vector<16xf32>
        %gather3A_266 = tpu.vector_load_idx %arg6[%add3A_157, %broadcast_in_dim3A_69] : memref<128x64xf32, #tpu.memory_space<vmem>>[vector<16xi32>, vector<16xi32>], vector<16xf32>,
        %min3A_267 = arith.minimumf %gather3A_266, %max3A_265 : vector<16xf32>
        %max3A_268 = arith.maximumf %max3A_264, %min3A_267 : vector<16xf32>
        %max3A_269 = arith.maximumf %max3A_265, %gather3A_266 : vector<16xf32>
        %gather3A_270 = tpu.vector_load_idx %arg6[%add3A_157, %broadcast_in_dim3A_71] : memref<128x64xf32, #tpu.memory_space<vmem>>[vector<16xi32>, vector<16xi32>], vector<16xf32>,
        %min3A_271 = arith.minimumf %gather3A_270, %max3A_269 : vector<16xf32>
        %max3A_272 = arith.maximumf %max3A_268, %min3A_271 : vector<16xf32>
        %max3A_273 = arith.maximumf %max3A_269, %gather3A_270 : vector<16xf32>
        %add3A_274 = arith.addf %max3A_273, %max3A_272 : vector<16xf32>
        %gather3A_275 = tpu.vector_load_idx %arg6[%add3A_157, %broadcast_in_dim3A_73] : memref<128x64xf32, #tpu.memory_space<vmem>>[vector<16xi32>, vector<16xi32>], vector<16xf32>,
        %gather3A_276 = tpu.vector_load_idx %arg6[%add3A_157, %broadcast_in_dim3A_75] : memref<128x64xf32, #tpu.memory_space<vmem>>[vector<16xi32>, vector<16xi32>], vector<16xf32>,
        %min3A_277 = arith.minimumf %gather3A_276, %gather3A_275 : vector<16xf32>
        %max3A_278 = arith.maximumf %broadcast_in_dim3A_3, %min3A_277 : vector<16xf32>
        %max3A_279 = arith.maximumf %gather3A_275, %gather3A_276 : vector<16xf32>
        %gather3A_280 = tpu.vector_load_idx %arg6[%add3A_157, %broadcast_in_dim3A_77] : memref<128x64xf32, #tpu.memory_space<vmem>>[vector<16xi32>, vector<16xi32>], vector<16xf32>,
        %min3A_281 = arith.minimumf %gather3A_280, %max3A_279 : vector<16xf32>
        %max3A_282 = arith.maximumf %max3A_278, %min3A_281 : vector<16xf32>
        %max3A_283 = arith.maximumf %max3A_279, %gather3A_280 : vector<16xf32>
        %gather3A_284 = tpu.vector_load_idx %arg6[%add3A_157, %broadcast_in_dim3A_79] : memref<128x64xf32, #tpu.memory_space<vmem>>[vector<16xi32>, vector<16xi32>], vector<16xf32>,
        %min3A_285 = arith.minimumf %gather3A_284, %max3A_283 : vector<16xf32>
        %max3A_286 = arith.maximumf %max3A_282, %min3A_285 : vector<16xf32>
        %max3A_287 = arith.maximumf %max3A_283, %gather3A_284 : vector<16xf32>
        %gather3A_288 = tpu.vector_load_idx %arg6[%add3A_157, %broadcast_in_dim3A_81] : memref<128x64xf32, #tpu.memory_space<vmem>>[vector<16xi32>, vector<16xi32>], vector<16xf32>,
        %min3A_289 = arith.minimumf %gather3A_288, %max3A_287 : vector<16xf32>
        %max3A_290 = arith.maximumf %max3A_286, %min3A_289 : vector<16xf32>
        %max3A_291 = arith.maximumf %max3A_287, %gather3A_288 : vector<16xf32>
        %gather3A_292 = tpu.vector_load_idx %arg6[%add3A_157, %broadcast_in_dim3A_83] : memref<128x64xf32, #tpu.memory_space<vmem>>[vector<16xi32>, vector<16xi32>], vector<16xf32>,
        %min3A_293 = arith.minimumf %gather3A_292, %max3A_291 : vector<16xf32>
        %max3A_294 = arith.maximumf %max3A_290, %min3A_293 : vector<16xf32>
        %max3A_295 = arith.maximumf %max3A_291, %gather3A_292 : vector<16xf32>
        %gather3A_296 = tpu.vector_load_idx %arg6[%add3A_157, %broadcast_in_dim3A_85] : memref<128x64xf32, #tpu.memory_space<vmem>>[vector<16xi32>, vector<16xi32>], vector<16xf32>,
        %min3A_297 = arith.minimumf %gather3A_296, %max3A_295 : vector<16xf32>
        %max3A_298 = arith.maximumf %max3A_294, %min3A_297 : vector<16xf32>
        %max3A_299 = arith.maximumf %max3A_295, %gather3A_296 : vector<16xf32>
        %gather3A_300 = tpu.vector_load_idx %arg6[%add3A_157, %broadcast_in_dim3A_87] : memref<128x64xf32, #tpu.memory_space<vmem>>[vector<16xi32>, vector<16xi32>], vector<16xf32>,
        %min3A_301 = arith.minimumf %gather3A_300, %max3A_299 : vector<16xf32>
        %max3A_302 = arith.maximumf %max3A_298, %min3A_301 : vector<16xf32>
        %max3A_303 = arith.maximumf %max3A_299, %gather3A_300 : vector<16xf32>
        %add3A_304 = arith.addf %max3A_303, %max3A_302 : vector<16xf32>
        %gather3A_305 = tpu.vector_load_idx %arg6[%add3A_157, %broadcast_in_dim3A_89] : memref<128x64xf32, #tpu.memory_space<vmem>>[vector<16xi32>, vector<16xi32>], vector<16xf32>,
        %gather3A_306 = tpu.vector_load_idx %arg6[%add3A_157, %broadcast_in_dim3A_91] : memref<128x64xf32, #tpu.memory_space<vmem>>[vector<16xi32>, vector<16xi32>], vector<16xf32>,
        %min3A_307 = arith.minimumf %gather3A_306, %gather3A_305 : vector<16xf32>
        %max3A_308 = arith.maximumf %broadcast_in_dim3A_3, %min3A_307 : vector<16xf32>
        %max3A_309 = arith.maximumf %gather3A_305, %gather3A_306 : vector<16xf32>
        %gather3A_310 = tpu.vector_load_idx %arg6[%add3A_157, %broadcast_in_dim3A_93] : memref<128x64xf32, #tpu.memory_space<vmem>>[vector<16xi32>, vector<16xi32>], vector<16xf32>,
        %min3A_311 = arith.minimumf %gather3A_310, %max3A_309 : vector<16xf32>
        %max3A_312 = arith.maximumf %max3A_308, %min3A_311 : vector<16xf32>
        %max3A_313 = arith.maximumf %max3A_309, %gather3A_310 : vector<16xf32>
        %gather3A_314 = tpu.vector_load_idx %arg6[%add3A_157, %broadcast_in_dim3A_95] : memref<128x64xf32, #tpu.memory_space<vmem>>[vector<16xi32>, vector<16xi32>], vector<16xf32>,
        %min3A_315 = arith.minimumf %gather3A_314, %max3A_313 : vector<16xf32>
        %max3A_316 = arith.maximumf %max3A_312, %min3A_315 : vector<16xf32>
        %max3A_317 = arith.maximumf %max3A_313, %gather3A_314 : vector<16xf32>
        %gather3A_318 = tpu.vector_load_idx %arg6[%add3A_157, %broadcast_in_dim3A_97] : memref<128x64xf32, #tpu.memory_space<vmem>>[vector<16xi32>, vector<16xi32>], vector<16xf32>,
        %min3A_319 = arith.minimumf %gather3A_318, %max3A_317 : vector<16xf32>
        %max3A_320 = arith.maximumf %max3A_316, %min3A_319 : vector<16xf32>
        %max3A_321 = arith.maximumf %max3A_317, %gather3A_318 : vector<16xf32>
        %gather3A_322 = tpu.vector_load_idx %arg6[%add3A_157, %broadcast_in_dim3A_99] : memref<128x64xf32, #tpu.memory_space<vmem>>[vector<16xi32>, vector<16xi32>], vector<16xf32>,
        %min3A_323 = arith.minimumf %gather3A_322, %max3A_321 : vector<16xf32>
        %max3A_324 = arith.maximumf %max3A_320, %min3A_323 : vector<16xf32>
        %max3A_325 = arith.maximumf %max3A_321, %gather3A_322 : vector<16xf32>
        %gather3A_326 = tpu.vector_load_idx %arg6[%add3A_157, %broadcast_in_dim3A_101] : memref<128x64xf32, #tpu.memory_space<vmem>>[vector<16xi32>, vector<16xi32>], vector<16xf32>,
        %min3A_327 = arith.minimumf %gather3A_326, %max3A_325 : vector<16xf32>
        %max3A_328 = arith.maximumf %max3A_324, %min3A_327 : vector<16xf32>
        %max3A_329 = arith.maximumf %max3A_325, %gather3A_326 : vector<16xf32>
        %gather3A_330 = tpu.vector_load_idx %arg6[%add3A_157, %broadcast_in_dim3A_103] : memref<128x64xf32, #tpu.memory_space<vmem>>[vector<16xi32>, vector<16xi32>], vector<16xf32>,
        %min3A_331 = arith.minimumf %gather3A_330, %max3A_329 : vector<16xf32>
        %max3A_332 = arith.maximumf %max3A_328, %min3A_331 : vector<16xf32>
        %max3A_333 = arith.maximumf %max3A_329, %gather3A_330 : vector<16xf32>
        %add3A_334 = arith.addf %max3A_333, %max3A_332 : vector<16xf32>
        %gather3A_335 = tpu.vector_load_idx %arg6[%add3A_157, %broadcast_in_dim3A_105] : memref<128x64xf32, #tpu.memory_space<vmem>>[vector<16xi32>, vector<16xi32>], vector<16xf32>,
        %gather3A_336 = tpu.vector_load_idx %arg6[%add3A_157, %broadcast_in_dim3A_107] : memref<128x64xf32, #tpu.memory_space<vmem>>[vector<16xi32>, vector<16xi32>], vector<16xf32>,
        %min3A_337 = arith.minimumf %gather3A_336, %gather3A_335 : vector<16xf32>
        %max3A_338 = arith.maximumf %broadcast_in_dim3A_3, %min3A_337 : vector<16xf32>
        %max3A_339 = arith.maximumf %gather3A_335, %gather3A_336 : vector<16xf32>
        %gather3A_340 = tpu.vector_load_idx %arg6[%add3A_157, %broadcast_in_dim3A_109] : memref<128x64xf32, #tpu.memory_space<vmem>>[vector<16xi32>, vector<16xi32>], vector<16xf32>,
        %min3A_341 = arith.minimumf %gather3A_340, %max3A_339 : vector<16xf32>
        %max3A_342 = arith.maximumf %max3A_338, %min3A_341 : vector<16xf32>
        %max3A_343 = arith.maximumf %max3A_339, %gather3A_340 : vector<16xf32>
        %gather3A_344 = tpu.vector_load_idx %arg6[%add3A_157, %broadcast_in_dim3A_111] : memref<128x64xf32, #tpu.memory_space<vmem>>[vector<16xi32>, vector<16xi32>], vector<16xf32>,
        %min3A_345 = arith.minimumf %gather3A_344, %max3A_343 : vector<16xf32>
        %max3A_346 = arith.maximumf %max3A_342, %min3A_345 : vector<16xf32>
        %max3A_347 = arith.maximumf %max3A_343, %gather3A_344 : vector<16xf32>
        %gather3A_348 = tpu.vector_load_idx %arg6[%add3A_157, %broadcast_in_dim3A_113] : memref<128x64xf32, #tpu.memory_space<vmem>>[vector<16xi32>, vector<16xi32>], vector<16xf32>,
        %min3A_349 = arith.minimumf %gather3A_348, %max3A_347 : vector<16xf32>
        %max3A_350 = arith.maximumf %max3A_346, %min3A_349 : vector<16xf32>
        %max3A_351 = arith.maximumf %max3A_347, %gather3A_348 : vector<16xf32>
        %gather3A_352 = tpu.vector_load_idx %arg6[%add3A_157, %broadcast_in_dim3A_115] : memref<128x64xf32, #tpu.memory_space<vmem>>[vector<16xi32>, vector<16xi32>], vector<16xf32>,
        %min3A_353 = arith.minimumf %gather3A_352, %max3A_351 : vector<16xf32>
        %max3A_354 = arith.maximumf %max3A_350, %min3A_353 : vector<16xf32>
        %max3A_355 = arith.maximumf %max3A_351, %gather3A_352 : vector<16xf32>
        %gather3A_356 = tpu.vector_load_idx %arg6[%add3A_157, %broadcast_in_dim3A_117] : memref<128x64xf32, #tpu.memory_space<vmem>>[vector<16xi32>, vector<16xi32>], vector<16xf32>,
        %min3A_357 = arith.minimumf %gather3A_356, %max3A_355 : vector<16xf32>
        %max3A_358 = arith.maximumf %max3A_354, %min3A_357 : vector<16xf32>
        %max3A_359 = arith.maximumf %max3A_355, %gather3A_356 : vector<16xf32>
        %gather3A_360 = tpu.vector_load_idx %arg6[%add3A_157, %broadcast_in_dim3A_119] : memref<128x64xf32, #tpu.memory_space<vmem>>[vector<16xi32>, vector<16xi32>], vector<16xf32>,
        %min3A_361 = arith.minimumf %gather3A_360, %max3A_359 : vector<16xf32>
        %max3A_362 = arith.maximumf %max3A_358, %min3A_361 : vector<16xf32>
        %max3A_363 = arith.maximumf %max3A_359, %gather3A_360 : vector<16xf32>
        %add3A_364 = arith.addf %max3A_363, %max3A_362 : vector<16xf32>
        %gather3A_365 = tpu.vector_load_idx %arg6[%add3A_157, %broadcast_in_dim3A_121] : memref<128x64xf32, #tpu.memory_space<vmem>>[vector<16xi32>, vector<16xi32>], vector<16xf32>,
        %gather3A_366 = tpu.vector_load_idx %arg6[%add3A_157, %broadcast_in_dim3A_123] : memref<128x64xf32, #tpu.memory_space<vmem>>[vector<16xi32>, vector<16xi32>], vector<16xf32>,
        %min3A_367 = arith.minimumf %gather3A_366, %gather3A_365 : vector<16xf32>
        %max3A_368 = arith.maximumf %broadcast_in_dim3A_3, %min3A_367 : vector<16xf32>
        %max3A_369 = arith.maximumf %gather3A_365, %gather3A_366 : vector<16xf32>
        %gather3A_370 = tpu.vector_load_idx %arg6[%add3A_157, %broadcast_in_dim3A_125] : memref<128x64xf32, #tpu.memory_space<vmem>>[vector<16xi32>, vector<16xi32>], vector<16xf32>,
        %min3A_371 = arith.minimumf %gather3A_370, %max3A_369 : vector<16xf32>
        %max3A_372 = arith.maximumf %max3A_368, %min3A_371 : vector<16xf32>
        %max3A_373 = arith.maximumf %max3A_369, %gather3A_370 : vector<16xf32>
        %gather3A_374 = tpu.vector_load_idx %arg6[%add3A_157, %broadcast_in_dim3A_127] : memref<128x64xf32, #tpu.memory_space<vmem>>[vector<16xi32>, vector<16xi32>], vector<16xf32>,
        %min3A_375 = arith.minimumf %gather3A_374, %max3A_373 : vector<16xf32>
        %max3A_376 = arith.maximumf %max3A_372, %min3A_375 : vector<16xf32>
        %max3A_377 = arith.maximumf %max3A_373, %gather3A_374 : vector<16xf32>
        %gather3A_378 = tpu.vector_load_idx %arg6[%add3A_157, %broadcast_in_dim3A_129] : memref<128x64xf32, #tpu.memory_space<vmem>>[vector<16xi32>, vector<16xi32>], vector<16xf32>,
        %min3A_379 = arith.minimumf %gather3A_378, %max3A_377 : vector<16xf32>
        %max3A_380 = arith.maximumf %max3A_376, %min3A_379 : vector<16xf32>
        %max3A_381 = arith.maximumf %max3A_377, %gather3A_378 : vector<16xf32>
        %gather3A_382 = tpu.vector_load_idx %arg6[%add3A_157, %broadcast_in_dim3A_131] : memref<128x64xf32, #tpu.memory_space<vmem>>[vector<16xi32>, vector<16xi32>], vector<16xf32>,
        %min3A_383 = arith.minimumf %gather3A_382, %max3A_381 : vector<16xf32>
        %max3A_384 = arith.maximumf %max3A_380, %min3A_383 : vector<16xf32>
        %max3A_385 = arith.maximumf %max3A_381, %gather3A_382 : vector<16xf32>
        %gather3A_386 = tpu.vector_load_idx %arg6[%add3A_157, %broadcast_in_dim3A_133] : memref<128x64xf32, #tpu.memory_space<vmem>>[vector<16xi32>, vector<16xi32>], vector<16xf32>,
        %min3A_387 = arith.minimumf %gather3A_386, %max3A_385 : vector<16xf32>
        %max3A_388 = arith.maximumf %max3A_384, %min3A_387 : vector<16xf32>
        %max3A_389 = arith.maximumf %max3A_385, %gather3A_386 : vector<16xf32>
        %gather3A_390 = tpu.vector_load_idx %arg6[%add3A_157, %broadcast_in_dim3A_135] : memref<128x64xf32, #tpu.memory_space<vmem>>[vector<16xi32>, vector<16xi32>], vector<16xf32>,
        %min3A_391 = arith.minimumf %gather3A_390, %max3A_389 : vector<16xf32>
        %max3A_392 = arith.maximumf %max3A_388, %min3A_391 : vector<16xf32>
        %max3A_393 = arith.maximumf %max3A_389, %gather3A_390 : vector<16xf32>
        %add3A_394 = arith.addf %max3A_393, %max3A_392 : vector<16xf32>
        %broadcast_in_dim3A_395 = arith.constant 0 : i32
        %broadcast_in_dim3A_396 = vector.broadcast %broadcast_in_dim3A_395 : i32 to vector<16xi32>
        %broadcast_in_dim3A_397 = arith.constant 0 : i32
        %broadcast_in_dim3A_398 = vector.broadcast %broadcast_in_dim3A_397 : i32 to vector<16xi32>
        %broadcast_in_dim3A_399 = arith.constant 0 : i32
        %broadcast_in_dim3A_400 = vector.broadcast %broadcast_in_dim3A_399 : i32 to vector<16xi32>
        %broadcast_in_dim3A_401 = arith.constant 0 : i32
        %broadcast_in_dim3A_402 = vector.broadcast %broadcast_in_dim3A_401 : i32 to vector<16xi32>
        %broadcast_in_dim3A_403 = arith.constant 0 : i32
        %broadcast_in_dim3A_404 = vector.broadcast %broadcast_in_dim3A_403 : i32 to vector<16xi32>
        %broadcast_in_dim3A_405 = arith.constant 0 : i32
        %broadcast_in_dim3A_406 = vector.broadcast %broadcast_in_dim3A_405 : i32 to vector<16xi32>
        %broadcast_in_dim3A_407 = arith.constant 0 : i32
        %broadcast_in_dim3A_408 = vector.broadcast %broadcast_in_dim3A_407 : i32 to vector<16xi32>
        %broadcast_in_dim3A_409 = arith.constant 0 : i32
        %broadcast_in_dim3A_410 = vector.broadcast %broadcast_in_dim3A_409 : i32 to vector<16xi32>
        %gt3A = arith.cmpf ogt, %add3A_214, %add3A_184 : vector<16xf32>
        %convert_element_type3A = arith.extui %gt3A : vector<16xi1> to vector<16xi32>
        %add3A_411 = arith.addi %broadcast_in_dim3A_396, %convert_element_type3A : vector<16xi32>
        %sub3A = arith.subi %broadcast_in_dim3A_7, %convert_element_type3A : vector<16xi32>
        %add3A_412 = arith.addi %broadcast_in_dim3A_398, %sub3A : vector<16xi32>
        %gt3A_413 = arith.cmpf ogt, %add3A_244, %add3A_184 : vector<16xf32>
        %convert_element_type3A_414 = arith.extui %gt3A_413 : vector<16xi1> to vector<16xi32>
        %add3A_415 = arith.addi %add3A_411, %convert_element_type3A_414 : vector<16xi32>
        %sub3A_416 = arith.subi %broadcast_in_dim3A_7, %convert_element_type3A_414 : vector<16xi32>
        %add3A_417 = arith.addi %broadcast_in_dim3A_400, %sub3A_416 : vector<16xi32>
        %gt3A_418 = arith.cmpf ogt, %add3A_274, %add3A_184 : vector<16xf32>
        %convert_element_type3A_419 = arith.extui %gt3A_418 : vector<16xi1> to vector<16xi32>
        %add3A_420 = arith.addi %add3A_415, %convert_element_type3A_419 : vector<16xi32>
        %sub3A_421 = arith.subi %broadcast_in_dim3A_7, %convert_element_type3A_419 : vector<16xi32>
        %add3A_422 = arith.addi %broadcast_in_dim3A_402, %sub3A_421 : vector<16xi32>
        %gt3A_423 = arith.cmpf ogt, %add3A_304, %add3A_184 : vector<16xf32>
        %convert_element_type3A_424 = arith.extui %gt3A_423 : vector<16xi1> to vector<16xi32>
        %add3A_425 = arith.addi %add3A_420, %convert_element_type3A_424 : vector<16xi32>
        %sub3A_426 = arith.subi %broadcast_in_dim3A_7, %convert_element_type3A_424 : vector<16xi32>
        %add3A_427 = arith.addi %broadcast_in_dim3A_404, %sub3A_426 : vector<16xi32>
        %gt3A_428 = arith.cmpf ogt, %add3A_334, %add3A_184 : vector<16xf32>
        %convert_element_type3A_429 = arith.extui %gt3A_428 : vector<16xi1> to vector<16xi32>
        %add3A_430 = arith.addi %add3A_425, %convert_element_type3A_429 : vector<16xi32>
        %sub3A_431 = arith.subi %broadcast_in_dim3A_7, %convert_element_type3A_429 : vector<16xi32>
        %add3A_432 = arith.addi %broadcast_in_dim3A_406, %sub3A_431 : vector<16xi32>
        %gt3A_433 = arith.cmpf ogt, %add3A_364, %add3A_184 : vector<16xf32>
        %convert_element_type3A_434 = arith.extui %gt3A_433 : vector<16xi1> to vector<16xi32>
        %add3A_435 = arith.addi %add3A_430, %convert_element_type3A_434 : vector<16xi32>
        %sub3A_436 = arith.subi %broadcast_in_dim3A_7, %convert_element_type3A_434 : vector<16xi32>
        %add3A_437 = arith.addi %broadcast_in_dim3A_408, %sub3A_436 : vector<16xi32>
        %gt3A_438 = arith.cmpf ogt, %add3A_394, %add3A_184 : vector<16xf32>
        %convert_element_type3A_439 = arith.extui %gt3A_438 : vector<16xi1> to vector<16xi32>
        %add3A_440 = arith.addi %add3A_435, %convert_element_type3A_439 : vector<16xi32>
        %sub3A_441 = arith.subi %broadcast_in_dim3A_7, %convert_element_type3A_439 : vector<16xi32>
        %add3A_442 = arith.addi %broadcast_in_dim3A_410, %sub3A_441 : vector<16xi32>
        %gt3A_443 = arith.cmpf ogt, %add3A_244, %add3A_214 : vector<16xf32>
        %convert_element_type3A_444 = arith.extui %gt3A_443 : vector<16xi1> to vector<16xi32>
        %add3A_445 = arith.addi %add3A_412, %convert_element_type3A_444 : vector<16xi32>
        %sub3A_446 = arith.subi %broadcast_in_dim3A_7, %convert_element_type3A_444 : vector<16xi32>
        %add3A_447 = arith.addi %add3A_417, %sub3A_446 : vector<16xi32>
        %gt3A_448 = arith.cmpf ogt, %add3A_274, %add3A_214 : vector<16xf32>
        %convert_element_type3A_449 = arith.extui %gt3A_448 : vector<16xi1> to vector<16xi32>
        %add3A_450 = arith.addi %add3A_445, %convert_element_type3A_449 : vector<16xi32>
        %sub3A_451 = arith.subi %broadcast_in_dim3A_7, %convert_element_type3A_449 : vector<16xi32>
        %add3A_452 = arith.addi %add3A_422, %sub3A_451 : vector<16xi32>
        %gt3A_453 = arith.cmpf ogt, %add3A_304, %add3A_214 : vector<16xf32>
        %convert_element_type3A_454 = arith.extui %gt3A_453 : vector<16xi1> to vector<16xi32>
        %add3A_455 = arith.addi %add3A_450, %convert_element_type3A_454 : vector<16xi32>
        %sub3A_456 = arith.subi %broadcast_in_dim3A_7, %convert_element_type3A_454 : vector<16xi32>
        %add3A_457 = arith.addi %add3A_427, %sub3A_456 : vector<16xi32>
        %gt3A_458 = arith.cmpf ogt, %add3A_334, %add3A_214 : vector<16xf32>
        %convert_element_type3A_459 = arith.extui %gt3A_458 : vector<16xi1> to vector<16xi32>
        %add3A_460 = arith.addi %add3A_455, %convert_element_type3A_459 : vector<16xi32>
        %sub3A_461 = arith.subi %broadcast_in_dim3A_7, %convert_element_type3A_459 : vector<16xi32>
        %add3A_462 = arith.addi %add3A_432, %sub3A_461 : vector<16xi32>
        %gt3A_463 = arith.cmpf ogt, %add3A_364, %add3A_214 : vector<16xf32>
        %convert_element_type3A_464 = arith.extui %gt3A_463 : vector<16xi1> to vector<16xi32>
        %add3A_465 = arith.addi %add3A_460, %convert_element_type3A_464 : vector<16xi32>
        %sub3A_466 = arith.subi %broadcast_in_dim3A_7, %convert_element_type3A_464 : vector<16xi32>
        %add3A_467 = arith.addi %add3A_437, %sub3A_466 : vector<16xi32>
        %gt3A_468 = arith.cmpf ogt, %add3A_394, %add3A_214 : vector<16xf32>
        %convert_element_type3A_469 = arith.extui %gt3A_468 : vector<16xi1> to vector<16xi32>
        %add3A_470 = arith.addi %add3A_465, %convert_element_type3A_469 : vector<16xi32>
        %sub3A_471 = arith.subi %broadcast_in_dim3A_7, %convert_element_type3A_469 : vector<16xi32>
        %add3A_472 = arith.addi %add3A_442, %sub3A_471 : vector<16xi32>
        %gt3A_473 = arith.cmpf ogt, %add3A_274, %add3A_244 : vector<16xf32>
        %convert_element_type3A_474 = arith.extui %gt3A_473 : vector<16xi1> to vector<16xi32>
        %add3A_475 = arith.addi %add3A_447, %convert_element_type3A_474 : vector<16xi32>
        %sub3A_476 = arith.subi %broadcast_in_dim3A_7, %convert_element_type3A_474 : vector<16xi32>
        %add3A_477 = arith.addi %add3A_452, %sub3A_476 : vector<16xi32>
        %gt3A_478 = arith.cmpf ogt, %add3A_304, %add3A_244 : vector<16xf32>
        %convert_element_type3A_479 = arith.extui %gt3A_478 : vector<16xi1> to vector<16xi32>
        %add3A_480 = arith.addi %add3A_475, %convert_element_type3A_479 : vector<16xi32>
        %sub3A_481 = arith.subi %broadcast_in_dim3A_7, %convert_element_type3A_479 : vector<16xi32>
        %add3A_482 = arith.addi %add3A_457, %sub3A_481 : vector<16xi32>
        %gt3A_483 = arith.cmpf ogt, %add3A_334, %add3A_244 : vector<16xf32>
        %convert_element_type3A_484 = arith.extui %gt3A_483 : vector<16xi1> to vector<16xi32>
        %add3A_485 = arith.addi %add3A_480, %convert_element_type3A_484 : vector<16xi32>
        %sub3A_486 = arith.subi %broadcast_in_dim3A_7, %convert_element_type3A_484 : vector<16xi32>
        %add3A_487 = arith.addi %add3A_462, %sub3A_486 : vector<16xi32>
        %gt3A_488 = arith.cmpf ogt, %add3A_364, %add3A_244 : vector<16xf32>
        %convert_element_type3A_489 = arith.extui %gt3A_488 : vector<16xi1> to vector<16xi32>
        %add3A_490 = arith.addi %add3A_485, %convert_element_type3A_489 : vector<16xi32>
        %sub3A_491 = arith.subi %broadcast_in_dim3A_7, %convert_element_type3A_489 : vector<16xi32>
        %add3A_492 = arith.addi %add3A_467, %sub3A_491 : vector<16xi32>
        %gt3A_493 = arith.cmpf ogt, %add3A_394, %add3A_244 : vector<16xf32>
        %convert_element_type3A_494 = arith.extui %gt3A_493 : vector<16xi1> to vector<16xi32>
        %add3A_495 = arith.addi %add3A_490, %convert_element_type3A_494 : vector<16xi32>
        %sub3A_496 = arith.subi %broadcast_in_dim3A_7, %convert_element_type3A_494 : vector<16xi32>
        %add3A_497 = arith.addi %add3A_472, %sub3A_496 : vector<16xi32>
        %gt3A_498 = arith.cmpf ogt, %add3A_304, %add3A_274 : vector<16xf32>
        %convert_element_type3A_499 = arith.extui %gt3A_498 : vector<16xi1> to vector<16xi32>
        %add3A_500 = arith.addi %add3A_477, %convert_element_type3A_499 : vector<16xi32>
        %sub3A_501 = arith.subi %broadcast_in_dim3A_7, %convert_element_type3A_499 : vector<16xi32>
        %add3A_502 = arith.addi %add3A_482, %sub3A_501 : vector<16xi32>
        %gt3A_503 = arith.cmpf ogt, %add3A_334, %add3A_274 : vector<16xf32>
        %convert_element_type3A_504 = arith.extui %gt3A_503 : vector<16xi1> to vector<16xi32>
        %add3A_505 = arith.addi %add3A_500, %convert_element_type3A_504 : vector<16xi32>
        %sub3A_506 = arith.subi %broadcast_in_dim3A_7, %convert_element_type3A_504 : vector<16xi32>
        %add3A_507 = arith.addi %add3A_487, %sub3A_506 : vector<16xi32>
        %gt3A_508 = arith.cmpf ogt, %add3A_364, %add3A_274 : vector<16xf32>
        %convert_element_type3A_509 = arith.extui %gt3A_508 : vector<16xi1> to vector<16xi32>
        %add3A_510 = arith.addi %add3A_505, %convert_element_type3A_509 : vector<16xi32>
        %sub3A_511 = arith.subi %broadcast_in_dim3A_7, %convert_element_type3A_509 : vector<16xi32>
        %add3A_512 = arith.addi %add3A_492, %sub3A_511 : vector<16xi32>
        %gt3A_513 = arith.cmpf ogt, %add3A_394, %add3A_274 : vector<16xf32>
        %convert_element_type3A_514 = arith.extui %gt3A_513 : vector<16xi1> to vector<16xi32>
        %add3A_515 = arith.addi %add3A_510, %convert_element_type3A_514 : vector<16xi32>
        %sub3A_516 = arith.subi %broadcast_in_dim3A_7, %convert_element_type3A_514 : vector<16xi32>
        %add3A_517 = arith.addi %add3A_497, %sub3A_516 : vector<16xi32>
        %gt3A_518 = arith.cmpf ogt, %add3A_334, %add3A_304 : vector<16xf32>
        %convert_element_type3A_519 = arith.extui %gt3A_518 : vector<16xi1> to vector<16xi32>
        %add3A_520 = arith.addi %add3A_502, %convert_element_type3A_519 : vector<16xi32>
        %sub3A_521 = arith.subi %broadcast_in_dim3A_7, %convert_element_type3A_519 : vector<16xi32>
        %add3A_522 = arith.addi %add3A_507, %sub3A_521 : vector<16xi32>
        %gt3A_523 = arith.cmpf ogt, %add3A_364, %add3A_304 : vector<16xf32>
        %convert_element_type3A_524 = arith.extui %gt3A_523 : vector<16xi1> to vector<16xi32>
        %add3A_525 = arith.addi %add3A_520, %convert_element_type3A_524 : vector<16xi32>
        %sub3A_526 = arith.subi %broadcast_in_dim3A_7, %convert_element_type3A_524 : vector<16xi32>
        %add3A_527 = arith.addi %add3A_512, %sub3A_526 : vector<16xi32>
        %gt3A_528 = arith.cmpf ogt, %add3A_394, %add3A_304 : vector<16xf32>
        %convert_element_type3A_529 = arith.extui %gt3A_528 : vector<16xi1> to vector<16xi32>
        %add3A_530 = arith.addi %add3A_525, %convert_element_type3A_529 : vector<16xi32>
        %sub3A_531 = arith.subi %broadcast_in_dim3A_7, %convert_element_type3A_529 : vector<16xi32>
        %add3A_532 = arith.addi %add3A_517, %sub3A_531 : vector<16xi32>
        %gt3A_533 = arith.cmpf ogt, %add3A_364, %add3A_334 : vector<16xf32>
        %convert_element_type3A_534 = arith.extui %gt3A_533 : vector<16xi1> to vector<16xi32>
        %add3A_535 = arith.addi %add3A_522, %convert_element_type3A_534 : vector<16xi32>
        %sub3A_536 = arith.subi %broadcast_in_dim3A_7, %convert_element_type3A_534 : vector<16xi32>
        %add3A_537 = arith.addi %add3A_527, %sub3A_536 : vector<16xi32>
        %gt3A_538 = arith.cmpf ogt, %add3A_394, %add3A_334 : vector<16xf32>
        %convert_element_type3A_539 = arith.extui %gt3A_538 : vector<16xi1> to vector<16xi32>
        %add3A_540 = arith.addi %add3A_535, %convert_element_type3A_539 : vector<16xi32>
        %sub3A_541 = arith.subi %broadcast_in_dim3A_7, %convert_element_type3A_539 : vector<16xi32>
        %add3A_542 = arith.addi %add3A_532, %sub3A_541 : vector<16xi32>
        %gt3A_543 = arith.cmpf ogt, %add3A_394, %add3A_364 : vector<16xf32>
        %convert_element_type3A_544 = arith.extui %gt3A_543 : vector<16xi1> to vector<16xi32>
        %add3A_545 = arith.addi %add3A_537, %convert_element_type3A_544 : vector<16xi32>
        %sub3A_546 = arith.subi %broadcast_in_dim3A_7, %convert_element_type3A_544 : vector<16xi32>
        %add3A_547 = arith.addi %add3A_542, %sub3A_546 : vector<16xi32>
        %lt3A = arith.constant 4 : i32
        %lt3A_548 = vector.broadcast %lt3A : i32 to vector<16xi32>
        %lt3A_549 = arith.cmpi slt, %add3A_440, %lt3A_548 : vector<16xi32>
        %lt3A_550 = arith.constant 4 : i32
        %lt3A_551 = vector.broadcast %lt3A_550 : i32 to vector<16xi32>
        %lt3A_552 = arith.cmpi slt, %add3A_470, %lt3A_551 : vector<16xi32>
        %lt3A_553 = arith.constant 4 : i32
        %lt3A_554 = vector.broadcast %lt3A_553 : i32 to vector<16xi32>
        %lt3A_555 = arith.cmpi slt, %add3A_495, %lt3A_554 : vector<16xi32>
        %lt3A_556 = arith.constant 4 : i32
        %lt3A_557 = vector.broadcast %lt3A_556 : i32 to vector<16xi32>
        %lt3A_558 = arith.cmpi slt, %add3A_515, %lt3A_557 : vector<16xi32>
        %lt3A_559 = arith.constant 4 : i32
        %lt3A_560 = vector.broadcast %lt3A_559 : i32 to vector<16xi32>
        %lt3A_561 = arith.cmpi slt, %add3A_530, %lt3A_560 : vector<16xi32>
        %lt3A_562 = arith.constant 4 : i32
        %lt3A_563 = vector.broadcast %lt3A_562 : i32 to vector<16xi32>
        %lt3A_564 = arith.cmpi slt, %add3A_540, %lt3A_563 : vector<16xi32>
        %lt3A_565 = arith.constant 4 : i32
        %lt3A_566 = vector.broadcast %lt3A_565 : i32 to vector<16xi32>
        %lt3A_567 = arith.cmpi slt, %add3A_545, %lt3A_566 : vector<16xi32>
        %lt3A_568 = arith.constant 4 : i32
        %lt3A_569 = vector.broadcast %lt3A_568 : i32 to vector<16xi32>
        %lt3A_570 = arith.cmpi slt, %add3A_547, %lt3A_569 : vector<16xi32>
        %select_n3A = arith.select %lt3A_549, %gather3A, %broadcast_in_dim3A_5 : vector<16xi1>, vector<16xf32>
        %swap3A = arith.constant 0 : i32
        %swap3A_571 = arith.index_cast %swap3A : i32 to index
        %swap3A_572 = arith.constant 0 : index
        %swap3A_573 = tpu.vector_load %arg7[%swap3A_571, %swap3A_572] {strides = array<i32>} : memref<64x16xf32, #tpu.memory_space<vmem>>, vector<16xf32>,
        tpu.vector_store %arg7[%swap3A_571, %swap3A_572], %select_n3A {strides = array<i32>} : memref<64x16xf32, #tpu.memory_space<vmem>>, vector<16xf32>,
        %select_n3A_574 = arith.select %lt3A_549, %gather3A_158, %broadcast_in_dim3A_5 : vector<16xi1>, vector<16xf32>
        %swap3A_575 = arith.constant 1 : i32
        %swap3A_576 = arith.index_cast %swap3A_575 : i32 to index
        %swap3A_577 = arith.constant 0 : index
        %swap3A_578 = tpu.vector_load %arg7[%swap3A_576, %swap3A_577] {strides = array<i32>} : memref<64x16xf32, #tpu.memory_space<vmem>>, vector<16xf32>,
        tpu.vector_store %arg7[%swap3A_576, %swap3A_577], %select_n3A_574 {strides = array<i32>} : memref<64x16xf32, #tpu.memory_space<vmem>>, vector<16xf32>,
        %select_n3A_579 = arith.select %lt3A_549, %gather3A_160, %broadcast_in_dim3A_5 : vector<16xi1>, vector<16xf32>
        %swap3A_580 = arith.constant 2 : i32
        %swap3A_581 = arith.index_cast %swap3A_580 : i32 to index
        %swap3A_582 = arith.constant 0 : index
        %swap3A_583 = tpu.vector_load %arg7[%swap3A_581, %swap3A_582] {strides = array<i32>} : memref<64x16xf32, #tpu.memory_space<vmem>>, vector<16xf32>,
        tpu.vector_store %arg7[%swap3A_581, %swap3A_582], %select_n3A_579 {strides = array<i32>} : memref<64x16xf32, #tpu.memory_space<vmem>>, vector<16xf32>,
        %select_n3A_584 = arith.select %lt3A_549, %gather3A_164, %broadcast_in_dim3A_5 : vector<16xi1>, vector<16xf32>
        %swap3A_585 = arith.constant 3 : i32
        %swap3A_586 = arith.index_cast %swap3A_585 : i32 to index
        %swap3A_587 = arith.constant 0 : index
        %swap3A_588 = tpu.vector_load %arg7[%swap3A_586, %swap3A_587] {strides = array<i32>} : memref<64x16xf32, #tpu.memory_space<vmem>>, vector<16xf32>,
        tpu.vector_store %arg7[%swap3A_586, %swap3A_587], %select_n3A_584 {strides = array<i32>} : memref<64x16xf32, #tpu.memory_space<vmem>>, vector<16xf32>,
        %select_n3A_589 = arith.select %lt3A_549, %gather3A_168, %broadcast_in_dim3A_5 : vector<16xi1>, vector<16xf32>
        %swap3A_590 = arith.constant 4 : i32
        %swap3A_591 = arith.index_cast %swap3A_590 : i32 to index
        %swap3A_592 = arith.constant 0 : index
        %swap3A_593 = tpu.vector_load %arg7[%swap3A_591, %swap3A_592] {strides = array<i32>} : memref<64x16xf32, #tpu.memory_space<vmem>>, vector<16xf32>,
        tpu.vector_store %arg7[%swap3A_591, %swap3A_592], %select_n3A_589 {strides = array<i32>} : memref<64x16xf32, #tpu.memory_space<vmem>>, vector<16xf32>,
        %select_n3A_594 = arith.select %lt3A_549, %gather3A_172, %broadcast_in_dim3A_5 : vector<16xi1>, vector<16xf32>
        %swap3A_595 = arith.constant 5 : i32
        %swap3A_596 = arith.index_cast %swap3A_595 : i32 to index
        %swap3A_597 = arith.constant 0 : index
        %swap3A_598 = tpu.vector_load %arg7[%swap3A_596, %swap3A_597] {strides = array<i32>} : memref<64x16xf32, #tpu.memory_space<vmem>>, vector<16xf32>,
        tpu.vector_store %arg7[%swap3A_596, %swap3A_597], %select_n3A_594 {strides = array<i32>} : memref<64x16xf32, #tpu.memory_space<vmem>>, vector<16xf32>,
        %select_n3A_599 = arith.select %lt3A_549, %gather3A_176, %broadcast_in_dim3A_5 : vector<16xi1>, vector<16xf32>
        %swap3A_600 = arith.constant 6 : i32
        %swap3A_601 = arith.index_cast %swap3A_600 : i32 to index
        %swap3A_602 = arith.constant 0 : index
        %swap3A_603 = tpu.vector_load %arg7[%swap3A_601, %swap3A_602] {strides = array<i32>} : memref<64x16xf32, #tpu.memory_space<vmem>>, vector<16xf32>,
        tpu.vector_store %arg7[%swap3A_601, %swap3A_602], %select_n3A_599 {strides = array<i32>} : memref<64x16xf32, #tpu.memory_space<vmem>>, vector<16xf32>,
        %select_n3A_604 = arith.select %lt3A_549, %gather3A_180, %broadcast_in_dim3A_5 : vector<16xi1>, vector<16xf32>
        %swap3A_605 = arith.constant 7 : i32
        %swap3A_606 = arith.index_cast %swap3A_605 : i32 to index
        %swap3A_607 = arith.constant 0 : index
        %swap3A_608 = tpu.vector_load %arg7[%swap3A_606, %swap3A_607] {strides = array<i32>} : memref<64x16xf32, #tpu.memory_space<vmem>>, vector<16xf32>,
        tpu.vector_store %arg7[%swap3A_606, %swap3A_607], %select_n3A_604 {strides = array<i32>} : memref<64x16xf32, #tpu.memory_space<vmem>>, vector<16xf32>,
        %select_n3A_609 = arith.select %lt3A_552, %gather3A_185, %broadcast_in_dim3A_5 : vector<16xi1>, vector<16xf32>
        %swap3A_610 = arith.constant 8 : i32
        %swap3A_611 = arith.index_cast %swap3A_610 : i32 to index
        %swap3A_612 = arith.constant 0 : index
        %swap3A_613 = tpu.vector_load %arg7[%swap3A_611, %swap3A_612] {strides = array<i32>} : memref<64x16xf32, #tpu.memory_space<vmem>>, vector<16xf32>,
        tpu.vector_store %arg7[%swap3A_611, %swap3A_612], %select_n3A_609 {strides = array<i32>} : memref<64x16xf32, #tpu.memory_space<vmem>>, vector<16xf32>,
        %select_n3A_614 = arith.select %lt3A_552, %gather3A_186, %broadcast_in_dim3A_5 : vector<16xi1>, vector<16xf32>
        %swap3A_615 = arith.constant 9 : i32
        %swap3A_616 = arith.index_cast %swap3A_615 : i32 to index
        %swap3A_617 = arith.constant 0 : index
        %swap3A_618 = tpu.vector_load %arg7[%swap3A_616, %swap3A_617] {strides = array<i32>} : memref<64x16xf32, #tpu.memory_space<vmem>>, vector<16xf32>,
        tpu.vector_store %arg7[%swap3A_616, %swap3A_617], %select_n3A_614 {strides = array<i32>} : memref<64x16xf32, #tpu.memory_space<vmem>>, vector<16xf32>,
        %select_n3A_619 = arith.select %lt3A_552, %gather3A_190, %broadcast_in_dim3A_5 : vector<16xi1>, vector<16xf32>
        %swap3A_620 = arith.constant 10 : i32
        %swap3A_621 = arith.index_cast %swap3A_620 : i32 to index
        %swap3A_622 = arith.constant 0 : index
        %swap3A_623 = tpu.vector_load %arg7[%swap3A_621, %swap3A_622] {strides = array<i32>} : memref<64x16xf32, #tpu.memory_space<vmem>>, vector<16xf32>,
        tpu.vector_store %arg7[%swap3A_621, %swap3A_622], %select_n3A_619 {strides = array<i32>} : memref<64x16xf32, #tpu.memory_space<vmem>>, vector<16xf32>,
        %select_n3A_624 = arith.select %lt3A_552, %gather3A_194, %broadcast_in_dim3A_5 : vector<16xi1>, vector<16xf32>
        %swap3A_625 = arith.constant 11 : i32
        %swap3A_626 = arith.index_cast %swap3A_625 : i32 to index
        %swap3A_627 = arith.constant 0 : index
        %swap3A_628 = tpu.vector_load %arg7[%swap3A_626, %swap3A_627] {strides = array<i32>} : memref<64x16xf32, #tpu.memory_space<vmem>>, vector<16xf32>,
        tpu.vector_store %arg7[%swap3A_626, %swap3A_627], %select_n3A_624 {strides = array<i32>} : memref<64x16xf32, #tpu.memory_space<vmem>>, vector<16xf32>,
        %select_n3A_629 = arith.select %lt3A_552, %gather3A_198, %broadcast_in_dim3A_5 : vector<16xi1>, vector<16xf32>
        %swap3A_630 = arith.constant 12 : i32
        %swap3A_631 = arith.index_cast %swap3A_630 : i32 to index
        %swap3A_632 = arith.constant 0 : index
        %swap3A_633 = tpu.vector_load %arg7[%swap3A_631, %swap3A_632] {strides = array<i32>} : memref<64x16xf32, #tpu.memory_space<vmem>>, vector<16xf32>,
        tpu.vector_store %arg7[%swap3A_631, %swap3A_632], %select_n3A_629 {strides = array<i32>} : memref<64x16xf32, #tpu.memory_space<vmem>>, vector<16xf32>,
        %select_n3A_634 = arith.select %lt3A_552, %gather3A_202, %broadcast_in_dim3A_5 : vector<16xi1>, vector<16xf32>
        %swap3A_635 = arith.constant 13 : i32
        %swap3A_636 = arith.index_cast %swap3A_635 : i32 to index
        %swap3A_637 = arith.constant 0 : index
        %swap3A_638 = tpu.vector_load %arg7[%swap3A_636, %swap3A_637] {strides = array<i32>} : memref<64x16xf32, #tpu.memory_space<vmem>>, vector<16xf32>,
        tpu.vector_store %arg7[%swap3A_636, %swap3A_637], %select_n3A_634 {strides = array<i32>} : memref<64x16xf32, #tpu.memory_space<vmem>>, vector<16xf32>,
        %select_n3A_639 = arith.select %lt3A_552, %gather3A_206, %broadcast_in_dim3A_5 : vector<16xi1>, vector<16xf32>
        %swap3A_640 = arith.constant 14 : i32
        %swap3A_641 = arith.index_cast %swap3A_640 : i32 to index
        %swap3A_642 = arith.constant 0 : index
        %swap3A_643 = tpu.vector_load %arg7[%swap3A_641, %swap3A_642] {strides = array<i32>} : memref<64x16xf32, #tpu.memory_space<vmem>>, vector<16xf32>,
        tpu.vector_store %arg7[%swap3A_641, %swap3A_642], %select_n3A_639 {strides = array<i32>} : memref<64x16xf32, #tpu.memory_space<vmem>>, vector<16xf32>,
        %select_n3A_644 = arith.select %lt3A_552, %gather3A_210, %broadcast_in_dim3A_5 : vector<16xi1>, vector<16xf32>
        %swap3A_645 = arith.constant 15 : i32
        %swap3A_646 = arith.index_cast %swap3A_645 : i32 to index
        %swap3A_647 = arith.constant 0 : index
        %swap3A_648 = tpu.vector_load %arg7[%swap3A_646, %swap3A_647] {strides = array<i32>} : memref<64x16xf32, #tpu.memory_space<vmem>>, vector<16xf32>,
        tpu.vector_store %arg7[%swap3A_646, %swap3A_647], %select_n3A_644 {strides = array<i32>} : memref<64x16xf32, #tpu.memory_space<vmem>>, vector<16xf32>,
        %select_n3A_649 = arith.select %lt3A_555, %gather3A_215, %broadcast_in_dim3A_5 : vector<16xi1>, vector<16xf32>
        %swap3A_650 = arith.constant 16 : i32
        %swap3A_651 = arith.index_cast %swap3A_650 : i32 to index
        %swap3A_652 = arith.constant 0 : index
        %swap3A_653 = tpu.vector_load %arg7[%swap3A_651, %swap3A_652] {strides = array<i32>} : memref<64x16xf32, #tpu.memory_space<vmem>>, vector<16xf32>,
        tpu.vector_store %arg7[%swap3A_651, %swap3A_652], %select_n3A_649 {strides = array<i32>} : memref<64x16xf32, #tpu.memory_space<vmem>>, vector<16xf32>,
        %select_n3A_654 = arith.select %lt3A_555, %gather3A_216, %broadcast_in_dim3A_5 : vector<16xi1>, vector<16xf32>
        %swap3A_655 = arith.constant 17 : i32
        %swap3A_656 = arith.index_cast %swap3A_655 : i32 to index
        %swap3A_657 = arith.constant 0 : index
        %swap3A_658 = tpu.vector_load %arg7[%swap3A_656, %swap3A_657] {strides = array<i32>} : memref<64x16xf32, #tpu.memory_space<vmem>>, vector<16xf32>,
        tpu.vector_store %arg7[%swap3A_656, %swap3A_657], %select_n3A_654 {strides = array<i32>} : memref<64x16xf32, #tpu.memory_space<vmem>>, vector<16xf32>,
        %select_n3A_659 = arith.select %lt3A_555, %gather3A_220, %broadcast_in_dim3A_5 : vector<16xi1>, vector<16xf32>
        %swap3A_660 = arith.constant 18 : i32
        %swap3A_661 = arith.index_cast %swap3A_660 : i32 to index
        %swap3A_662 = arith.constant 0 : index
        %swap3A_663 = tpu.vector_load %arg7[%swap3A_661, %swap3A_662] {strides = array<i32>} : memref<64x16xf32, #tpu.memory_space<vmem>>, vector<16xf32>,
        tpu.vector_store %arg7[%swap3A_661, %swap3A_662], %select_n3A_659 {strides = array<i32>} : memref<64x16xf32, #tpu.memory_space<vmem>>, vector<16xf32>,
        %select_n3A_664 = arith.select %lt3A_555, %gather3A_224, %broadcast_in_dim3A_5 : vector<16xi1>, vector<16xf32>
        %swap3A_665 = arith.constant 19 : i32
        %swap3A_666 = arith.index_cast %swap3A_665 : i32 to index
        %swap3A_667 = arith.constant 0 : index
        %swap3A_668 = tpu.vector_load %arg7[%swap3A_666, %swap3A_667] {strides = array<i32>} : memref<64x16xf32, #tpu.memory_space<vmem>>, vector<16xf32>,
        tpu.vector_store %arg7[%swap3A_666, %swap3A_667], %select_n3A_664 {strides = array<i32>} : memref<64x16xf32, #tpu.memory_space<vmem>>, vector<16xf32>,
        %select_n3A_669 = arith.select %lt3A_555, %gather3A_228, %broadcast_in_dim3A_5 : vector<16xi1>, vector<16xf32>
        %swap3A_670 = arith.constant 20 : i32
        %swap3A_671 = arith.index_cast %swap3A_670 : i32 to index
        %swap3A_672 = arith.constant 0 : index
        %swap3A_673 = tpu.vector_load %arg7[%swap3A_671, %swap3A_672] {strides = array<i32>} : memref<64x16xf32, #tpu.memory_space<vmem>>, vector<16xf32>,
        tpu.vector_store %arg7[%swap3A_671, %swap3A_672], %select_n3A_669 {strides = array<i32>} : memref<64x16xf32, #tpu.memory_space<vmem>>, vector<16xf32>,
        %select_n3A_674 = arith.select %lt3A_555, %gather3A_232, %broadcast_in_dim3A_5 : vector<16xi1>, vector<16xf32>
        %swap3A_675 = arith.constant 21 : i32
        %swap3A_676 = arith.index_cast %swap3A_675 : i32 to index
        %swap3A_677 = arith.constant 0 : index
        %swap3A_678 = tpu.vector_load %arg7[%swap3A_676, %swap3A_677] {strides = array<i32>} : memref<64x16xf32, #tpu.memory_space<vmem>>, vector<16xf32>,
        tpu.vector_store %arg7[%swap3A_676, %swap3A_677], %select_n3A_674 {strides = array<i32>} : memref<64x16xf32, #tpu.memory_space<vmem>>, vector<16xf32>,
        %select_n3A_679 = arith.select %lt3A_555, %gather3A_236, %broadcast_in_dim3A_5 : vector<16xi1>, vector<16xf32>
        %swap3A_680 = arith.constant 22 : i32
        %swap3A_681 = arith.index_cast %swap3A_680 : i32 to index
        %swap3A_682 = arith.constant 0 : index
        %swap3A_683 = tpu.vector_load %arg7[%swap3A_681, %swap3A_682] {strides = array<i32>} : memref<64x16xf32, #tpu.memory_space<vmem>>, vector<16xf32>,
        tpu.vector_store %arg7[%swap3A_681, %swap3A_682], %select_n3A_679 {strides = array<i32>} : memref<64x16xf32, #tpu.memory_space<vmem>>, vector<16xf32>,
        %select_n3A_684 = arith.select %lt3A_555, %gather3A_240, %broadcast_in_dim3A_5 : vector<16xi1>, vector<16xf32>
        %swap3A_685 = arith.constant 23 : i32
        %swap3A_686 = arith.index_cast %swap3A_685 : i32 to index
        %swap3A_687 = arith.constant 0 : index
        %swap3A_688 = tpu.vector_load %arg7[%swap3A_686, %swap3A_687] {strides = array<i32>} : memref<64x16xf32, #tpu.memory_space<vmem>>, vector<16xf32>,
        tpu.vector_store %arg7[%swap3A_686, %swap3A_687], %select_n3A_684 {strides = array<i32>} : memref<64x16xf32, #tpu.memory_space<vmem>>, vector<16xf32>,
        %select_n3A_689 = arith.select %lt3A_558, %gather3A_245, %broadcast_in_dim3A_5 : vector<16xi1>, vector<16xf32>
        %swap3A_690 = arith.constant 24 : i32
        %swap3A_691 = arith.index_cast %swap3A_690 : i32 to index
        %swap3A_692 = arith.constant 0 : index
        %swap3A_693 = tpu.vector_load %arg7[%swap3A_691, %swap3A_692] {strides = array<i32>} : memref<64x16xf32, #tpu.memory_space<vmem>>, vector<16xf32>,
        tpu.vector_store %arg7[%swap3A_691, %swap3A_692], %select_n3A_689 {strides = array<i32>} : memref<64x16xf32, #tpu.memory_space<vmem>>, vector<16xf32>,
        %select_n3A_694 = arith.select %lt3A_558, %gather3A_246, %broadcast_in_dim3A_5 : vector<16xi1>, vector<16xf32>
        %swap3A_695 = arith.constant 25 : i32
        %swap3A_696 = arith.index_cast %swap3A_695 : i32 to index
        %swap3A_697 = arith.constant 0 : index
        %swap3A_698 = tpu.vector_load %arg7[%swap3A_696, %swap3A_697] {strides = array<i32>} : memref<64x16xf32, #tpu.memory_space<vmem>>, vector<16xf32>,
        tpu.vector_store %arg7[%swap3A_696, %swap3A_697], %select_n3A_694 {strides = array<i32>} : memref<64x16xf32, #tpu.memory_space<vmem>>, vector<16xf32>,
        %select_n3A_699 = arith.select %lt3A_558, %gather3A_250, %broadcast_in_dim3A_5 : vector<16xi1>, vector<16xf32>
        %swap3A_700 = arith.constant 26 : i32
        %swap3A_701 = arith.index_cast %swap3A_700 : i32 to index
        %swap3A_702 = arith.constant 0 : index
        %swap3A_703 = tpu.vector_load %arg7[%swap3A_701, %swap3A_702] {strides = array<i32>} : memref<64x16xf32, #tpu.memory_space<vmem>>, vector<16xf32>,
        tpu.vector_store %arg7[%swap3A_701, %swap3A_702], %select_n3A_699 {strides = array<i32>} : memref<64x16xf32, #tpu.memory_space<vmem>>, vector<16xf32>,
        %select_n3A_704 = arith.select %lt3A_558, %gather3A_254, %broadcast_in_dim3A_5 : vector<16xi1>, vector<16xf32>
        %swap3A_705 = arith.constant 27 : i32
        %swap3A_706 = arith.index_cast %swap3A_705 : i32 to index
        %swap3A_707 = arith.constant 0 : index
        %swap3A_708 = tpu.vector_load %arg7[%swap3A_706, %swap3A_707] {strides = array<i32>} : memref<64x16xf32, #tpu.memory_space<vmem>>, vector<16xf32>,
        tpu.vector_store %arg7[%swap3A_706, %swap3A_707], %select_n3A_704 {strides = array<i32>} : memref<64x16xf32, #tpu.memory_space<vmem>>, vector<16xf32>,
        %select_n3A_709 = arith.select %lt3A_558, %gather3A_258, %broadcast_in_dim3A_5 : vector<16xi1>, vector<16xf32>
        %swap3A_710 = arith.constant 28 : i32
        %swap3A_711 = arith.index_cast %swap3A_710 : i32 to index
        %swap3A_712 = arith.constant 0 : index
        %swap3A_713 = tpu.vector_load %arg7[%swap3A_711, %swap3A_712] {strides = array<i32>} : memref<64x16xf32, #tpu.memory_space<vmem>>, vector<16xf32>,
        tpu.vector_store %arg7[%swap3A_711, %swap3A_712], %select_n3A_709 {strides = array<i32>} : memref<64x16xf32, #tpu.memory_space<vmem>>, vector<16xf32>,
        %select_n3A_714 = arith.select %lt3A_558, %gather3A_262, %broadcast_in_dim3A_5 : vector<16xi1>, vector<16xf32>
        %swap3A_715 = arith.constant 29 : i32
        %swap3A_716 = arith.index_cast %swap3A_715 : i32 to index
        %swap3A_717 = arith.constant 0 : index
        %swap3A_718 = tpu.vector_load %arg7[%swap3A_716, %swap3A_717] {strides = array<i32>} : memref<64x16xf32, #tpu.memory_space<vmem>>, vector<16xf32>,
        tpu.vector_store %arg7[%swap3A_716, %swap3A_717], %select_n3A_714 {strides = array<i32>} : memref<64x16xf32, #tpu.memory_space<vmem>>, vector<16xf32>,
        %select_n3A_719 = arith.select %lt3A_558, %gather3A_266, %broadcast_in_dim3A_5 : vector<16xi1>, vector<16xf32>
        %swap3A_720 = arith.constant 30 : i32
        %swap3A_721 = arith.index_cast %swap3A_720 : i32 to index
        %swap3A_722 = arith.constant 0 : index
        %swap3A_723 = tpu.vector_load %arg7[%swap3A_721, %swap3A_722] {strides = array<i32>} : memref<64x16xf32, #tpu.memory_space<vmem>>, vector<16xf32>,
        tpu.vector_store %arg7[%swap3A_721, %swap3A_722], %select_n3A_719 {strides = array<i32>} : memref<64x16xf32, #tpu.memory_space<vmem>>, vector<16xf32>,
        %select_n3A_724 = arith.select %lt3A_558, %gather3A_270, %broadcast_in_dim3A_5 : vector<16xi1>, vector<16xf32>
        %swap3A_725 = arith.constant 31 : i32
        %swap3A_726 = arith.index_cast %swap3A_725 : i32 to index
        %swap3A_727 = arith.constant 0 : index
        %swap3A_728 = tpu.vector_load %arg7[%swap3A_726, %swap3A_727] {strides = array<i32>} : memref<64x16xf32, #tpu.memory_space<vmem>>, vector<16xf32>,
        tpu.vector_store %arg7[%swap3A_726, %swap3A_727], %select_n3A_724 {strides = array<i32>} : memref<64x16xf32, #tpu.memory_space<vmem>>, vector<16xf32>,
        %select_n3A_729 = arith.select %lt3A_561, %gather3A_275, %broadcast_in_dim3A_5 : vector<16xi1>, vector<16xf32>
        %swap3A_730 = arith.constant 32 : i32
        %swap3A_731 = arith.index_cast %swap3A_730 : i32 to index
        %swap3A_732 = arith.constant 0 : index
        %swap3A_733 = tpu.vector_load %arg7[%swap3A_731, %swap3A_732] {strides = array<i32>} : memref<64x16xf32, #tpu.memory_space<vmem>>, vector<16xf32>,
        tpu.vector_store %arg7[%swap3A_731, %swap3A_732], %select_n3A_729 {strides = array<i32>} : memref<64x16xf32, #tpu.memory_space<vmem>>, vector<16xf32>,
        %select_n3A_734 = arith.select %lt3A_561, %gather3A_276, %broadcast_in_dim3A_5 : vector<16xi1>, vector<16xf32>
        %swap3A_735 = arith.constant 33 : i32
        %swap3A_736 = arith.index_cast %swap3A_735 : i32 to index
        %swap3A_737 = arith.constant 0 : index
        %swap3A_738 = tpu.vector_load %arg7[%swap3A_736, %swap3A_737] {strides = array<i32>} : memref<64x16xf32, #tpu.memory_space<vmem>>, vector<16xf32>,
        tpu.vector_store %arg7[%swap3A_736, %swap3A_737], %select_n3A_734 {strides = array<i32>} : memref<64x16xf32, #tpu.memory_space<vmem>>, vector<16xf32>,
        %select_n3A_739 = arith.select %lt3A_561, %gather3A_280, %broadcast_in_dim3A_5 : vector<16xi1>, vector<16xf32>
        %swap3A_740 = arith.constant 34 : i32
        %swap3A_741 = arith.index_cast %swap3A_740 : i32 to index
        %swap3A_742 = arith.constant 0 : index
        %swap3A_743 = tpu.vector_load %arg7[%swap3A_741, %swap3A_742] {strides = array<i32>} : memref<64x16xf32, #tpu.memory_space<vmem>>, vector<16xf32>,
        tpu.vector_store %arg7[%swap3A_741, %swap3A_742], %select_n3A_739 {strides = array<i32>} : memref<64x16xf32, #tpu.memory_space<vmem>>, vector<16xf32>,
        %select_n3A_744 = arith.select %lt3A_561, %gather3A_284, %broadcast_in_dim3A_5 : vector<16xi1>, vector<16xf32>
        %swap3A_745 = arith.constant 35 : i32
        %swap3A_746 = arith.index_cast %swap3A_745 : i32 to index
        %swap3A_747 = arith.constant 0 : index
        %swap3A_748 = tpu.vector_load %arg7[%swap3A_746, %swap3A_747] {strides = array<i32>} : memref<64x16xf32, #tpu.memory_space<vmem>>, vector<16xf32>,
        tpu.vector_store %arg7[%swap3A_746, %swap3A_747], %select_n3A_744 {strides = array<i32>} : memref<64x16xf32, #tpu.memory_space<vmem>>, vector<16xf32>,
        %select_n3A_749 = arith.select %lt3A_561, %gather3A_288, %broadcast_in_dim3A_5 : vector<16xi1>, vector<16xf32>
        %swap3A_750 = arith.constant 36 : i32
        %swap3A_751 = arith.index_cast %swap3A_750 : i32 to index
        %swap3A_752 = arith.constant 0 : index
        %swap3A_753 = tpu.vector_load %arg7[%swap3A_751, %swap3A_752] {strides = array<i32>} : memref<64x16xf32, #tpu.memory_space<vmem>>, vector<16xf32>,
        tpu.vector_store %arg7[%swap3A_751, %swap3A_752], %select_n3A_749 {strides = array<i32>} : memref<64x16xf32, #tpu.memory_space<vmem>>, vector<16xf32>,
        %select_n3A_754 = arith.select %lt3A_561, %gather3A_292, %broadcast_in_dim3A_5 : vector<16xi1>, vector<16xf32>
        %swap3A_755 = arith.constant 37 : i32
        %swap3A_756 = arith.index_cast %swap3A_755 : i32 to index
        %swap3A_757 = arith.constant 0 : index
        %swap3A_758 = tpu.vector_load %arg7[%swap3A_756, %swap3A_757] {strides = array<i32>} : memref<64x16xf32, #tpu.memory_space<vmem>>, vector<16xf32>,
        tpu.vector_store %arg7[%swap3A_756, %swap3A_757], %select_n3A_754 {strides = array<i32>} : memref<64x16xf32, #tpu.memory_space<vmem>>, vector<16xf32>,
        %select_n3A_759 = arith.select %lt3A_561, %gather3A_296, %broadcast_in_dim3A_5 : vector<16xi1>, vector<16xf32>
        %swap3A_760 = arith.constant 38 : i32
        %swap3A_761 = arith.index_cast %swap3A_760 : i32 to index
        %swap3A_762 = arith.constant 0 : index
        %swap3A_763 = tpu.vector_load %arg7[%swap3A_761, %swap3A_762] {strides = array<i32>} : memref<64x16xf32, #tpu.memory_space<vmem>>, vector<16xf32>,
        tpu.vector_store %arg7[%swap3A_761, %swap3A_762], %select_n3A_759 {strides = array<i32>} : memref<64x16xf32, #tpu.memory_space<vmem>>, vector<16xf32>,
        %select_n3A_764 = arith.select %lt3A_561, %gather3A_300, %broadcast_in_dim3A_5 : vector<16xi1>, vector<16xf32>
        %swap3A_765 = arith.constant 39 : i32
        %swap3A_766 = arith.index_cast %swap3A_765 : i32 to index
        %swap3A_767 = arith.constant 0 : index
        %swap3A_768 = tpu.vector_load %arg7[%swap3A_766, %swap3A_767] {strides = array<i32>} : memref<64x16xf32, #tpu.memory_space<vmem>>, vector<16xf32>,
        tpu.vector_store %arg7[%swap3A_766, %swap3A_767], %select_n3A_764 {strides = array<i32>} : memref<64x16xf32, #tpu.memory_space<vmem>>, vector<16xf32>,
        %select_n3A_769 = arith.select %lt3A_564, %gather3A_305, %broadcast_in_dim3A_5 : vector<16xi1>, vector<16xf32>
        %swap3A_770 = arith.constant 40 : i32
        %swap3A_771 = arith.index_cast %swap3A_770 : i32 to index
        %swap3A_772 = arith.constant 0 : index
        %swap3A_773 = tpu.vector_load %arg7[%swap3A_771, %swap3A_772] {strides = array<i32>} : memref<64x16xf32, #tpu.memory_space<vmem>>, vector<16xf32>,
        tpu.vector_store %arg7[%swap3A_771, %swap3A_772], %select_n3A_769 {strides = array<i32>} : memref<64x16xf32, #tpu.memory_space<vmem>>, vector<16xf32>,
        %select_n3A_774 = arith.select %lt3A_564, %gather3A_306, %broadcast_in_dim3A_5 : vector<16xi1>, vector<16xf32>
        %swap3A_775 = arith.constant 41 : i32
        %swap3A_776 = arith.index_cast %swap3A_775 : i32 to index
        %swap3A_777 = arith.constant 0 : index
        %swap3A_778 = tpu.vector_load %arg7[%swap3A_776, %swap3A_777] {strides = array<i32>} : memref<64x16xf32, #tpu.memory_space<vmem>>, vector<16xf32>,
        tpu.vector_store %arg7[%swap3A_776, %swap3A_777], %select_n3A_774 {strides = array<i32>} : memref<64x16xf32, #tpu.memory_space<vmem>>, vector<16xf32>,
        %select_n3A_779 = arith.select %lt3A_564, %gather3A_310, %broadcast_in_dim3A_5 : vector<16xi1>, vector<16xf32>
        %swap3A_780 = arith.constant 42 : i32
        %swap3A_781 = arith.index_cast %swap3A_780 : i32 to index
        %swap3A_782 = arith.constant 0 : index
        %swap3A_783 = tpu.vector_load %arg7[%swap3A_781, %swap3A_782] {strides = array<i32>} : memref<64x16xf32, #tpu.memory_space<vmem>>, vector<16xf32>,
        tpu.vector_store %arg7[%swap3A_781, %swap3A_782], %select_n3A_779 {strides = array<i32>} : memref<64x16xf32, #tpu.memory_space<vmem>>, vector<16xf32>,
        %select_n3A_784 = arith.select %lt3A_564, %gather3A_314, %broadcast_in_dim3A_5 : vector<16xi1>, vector<16xf32>
        %swap3A_785 = arith.constant 43 : i32
        %swap3A_786 = arith.index_cast %swap3A_785 : i32 to index
        %swap3A_787 = arith.constant 0 : index
        %swap3A_788 = tpu.vector_load %arg7[%swap3A_786, %swap3A_787] {strides = array<i32>} : memref<64x16xf32, #tpu.memory_space<vmem>>, vector<16xf32>,
        tpu.vector_store %arg7[%swap3A_786, %swap3A_787], %select_n3A_784 {strides = array<i32>} : memref<64x16xf32, #tpu.memory_space<vmem>>, vector<16xf32>,
        %select_n3A_789 = arith.select %lt3A_564, %gather3A_318, %broadcast_in_dim3A_5 : vector<16xi1>, vector<16xf32>
        %swap3A_790 = arith.constant 44 : i32
        %swap3A_791 = arith.index_cast %swap3A_790 : i32 to index
        %swap3A_792 = arith.constant 0 : index
        %swap3A_793 = tpu.vector_load %arg7[%swap3A_791, %swap3A_792] {strides = array<i32>} : memref<64x16xf32, #tpu.memory_space<vmem>>, vector<16xf32>,
        tpu.vector_store %arg7[%swap3A_791, %swap3A_792], %select_n3A_789 {strides = array<i32>} : memref<64x16xf32, #tpu.memory_space<vmem>>, vector<16xf32>,
        %select_n3A_794 = arith.select %lt3A_564, %gather3A_322, %broadcast_in_dim3A_5 : vector<16xi1>, vector<16xf32>
        %swap3A_795 = arith.constant 45 : i32
        %swap3A_796 = arith.index_cast %swap3A_795 : i32 to index
        %swap3A_797 = arith.constant 0 : index
        %swap3A_798 = tpu.vector_load %arg7[%swap3A_796, %swap3A_797] {strides = array<i32>} : memref<64x16xf32, #tpu.memory_space<vmem>>, vector<16xf32>,
        tpu.vector_store %arg7[%swap3A_796, %swap3A_797], %select_n3A_794 {strides = array<i32>} : memref<64x16xf32, #tpu.memory_space<vmem>>, vector<16xf32>,
        %select_n3A_799 = arith.select %lt3A_564, %gather3A_326, %broadcast_in_dim3A_5 : vector<16xi1>, vector<16xf32>
        %swap3A_800 = arith.constant 46 : i32
        %swap3A_801 = arith.index_cast %swap3A_800 : i32 to index
        %swap3A_802 = arith.constant 0 : index
        %swap3A_803 = tpu.vector_load %arg7[%swap3A_801, %swap3A_802] {strides = array<i32>} : memref<64x16xf32, #tpu.memory_space<vmem>>, vector<16xf32>,
        tpu.vector_store %arg7[%swap3A_801, %swap3A_802], %select_n3A_799 {strides = array<i32>} : memref<64x16xf32, #tpu.memory_space<vmem>>, vector<16xf32>,
        %select_n3A_804 = arith.select %lt3A_564, %gather3A_330, %broadcast_in_dim3A_5 : vector<16xi1>, vector<16xf32>
        %swap3A_805 = arith.constant 47 : i32
        %swap3A_806 = arith.index_cast %swap3A_805 : i32 to index
        %swap3A_807 = arith.constant 0 : index
        %swap3A_808 = tpu.vector_load %arg7[%swap3A_806, %swap3A_807] {strides = array<i32>} : memref<64x16xf32, #tpu.memory_space<vmem>>, vector<16xf32>,
        tpu.vector_store %arg7[%swap3A_806, %swap3A_807], %select_n3A_804 {strides = array<i32>} : memref<64x16xf32, #tpu.memory_space<vmem>>, vector<16xf32>,
        %select_n3A_809 = arith.select %lt3A_567, %gather3A_335, %broadcast_in_dim3A_5 : vector<16xi1>, vector<16xf32>
        %swap3A_810 = arith.constant 48 : i32
        %swap3A_811 = arith.index_cast %swap3A_810 : i32 to index
        %swap3A_812 = arith.constant 0 : index
        %swap3A_813 = tpu.vector_load %arg7[%swap3A_811, %swap3A_812] {strides = array<i32>} : memref<64x16xf32, #tpu.memory_space<vmem>>, vector<16xf32>,
        tpu.vector_store %arg7[%swap3A_811, %swap3A_812], %select_n3A_809 {strides = array<i32>} : memref<64x16xf32, #tpu.memory_space<vmem>>, vector<16xf32>,
        %select_n3A_814 = arith.select %lt3A_567, %gather3A_336, %broadcast_in_dim3A_5 : vector<16xi1>, vector<16xf32>
        %swap3A_815 = arith.constant 49 : i32
        %swap3A_816 = arith.index_cast %swap3A_815 : i32 to index
        %swap3A_817 = arith.constant 0 : index
        %swap3A_818 = tpu.vector_load %arg7[%swap3A_816, %swap3A_817] {strides = array<i32>} : memref<64x16xf32, #tpu.memory_space<vmem>>, vector<16xf32>,
        tpu.vector_store %arg7[%swap3A_816, %swap3A_817], %select_n3A_814 {strides = array<i32>} : memref<64x16xf32, #tpu.memory_space<vmem>>, vector<16xf32>,
        %select_n3A_819 = arith.select %lt3A_567, %gather3A_340, %broadcast_in_dim3A_5 : vector<16xi1>, vector<16xf32>
        %swap3A_820 = arith.constant 50 : i32
        %swap3A_821 = arith.index_cast %swap3A_820 : i32 to index
        %swap3A_822 = arith.constant 0 : index
        %swap3A_823 = tpu.vector_load %arg7[%swap3A_821, %swap3A_822] {strides = array<i32>} : memref<64x16xf32, #tpu.memory_space<vmem>>, vector<16xf32>,
        tpu.vector_store %arg7[%swap3A_821, %swap3A_822], %select_n3A_819 {strides = array<i32>} : memref<64x16xf32, #tpu.memory_space<vmem>>, vector<16xf32>,
        %select_n3A_824 = arith.select %lt3A_567, %gather3A_344, %broadcast_in_dim3A_5 : vector<16xi1>, vector<16xf32>
        %swap3A_825 = arith.constant 51 : i32
        %swap3A_826 = arith.index_cast %swap3A_825 : i32 to index
        %swap3A_827 = arith.constant 0 : index
        %swap3A_828 = tpu.vector_load %arg7[%swap3A_826, %swap3A_827] {strides = array<i32>} : memref<64x16xf32, #tpu.memory_space<vmem>>, vector<16xf32>,
        tpu.vector_store %arg7[%swap3A_826, %swap3A_827], %select_n3A_824 {strides = array<i32>} : memref<64x16xf32, #tpu.memory_space<vmem>>, vector<16xf32>,
        %select_n3A_829 = arith.select %lt3A_567, %gather3A_348, %broadcast_in_dim3A_5 : vector<16xi1>, vector<16xf32>
        %swap3A_830 = arith.constant 52 : i32
        %swap3A_831 = arith.index_cast %swap3A_830 : i32 to index
        %swap3A_832 = arith.constant 0 : index
        %swap3A_833 = tpu.vector_load %arg7[%swap3A_831, %swap3A_832] {strides = array<i32>} : memref<64x16xf32, #tpu.memory_space<vmem>>, vector<16xf32>,
        tpu.vector_store %arg7[%swap3A_831, %swap3A_832], %select_n3A_829 {strides = array<i32>} : memref<64x16xf32, #tpu.memory_space<vmem>>, vector<16xf32>,
        %select_n3A_834 = arith.select %lt3A_567, %gather3A_352, %broadcast_in_dim3A_5 : vector<16xi1>, vector<16xf32>
        %swap3A_835 = arith.constant 53 : i32
        %swap3A_836 = arith.index_cast %swap3A_835 : i32 to index
        %swap3A_837 = arith.constant 0 : index
        %swap3A_838 = tpu.vector_load %arg7[%swap3A_836, %swap3A_837] {strides = array<i32>} : memref<64x16xf32, #tpu.memory_space<vmem>>, vector<16xf32>,
        tpu.vector_store %arg7[%swap3A_836, %swap3A_837], %select_n3A_834 {strides = array<i32>} : memref<64x16xf32, #tpu.memory_space<vmem>>, vector<16xf32>,
        %select_n3A_839 = arith.select %lt3A_567, %gather3A_356, %broadcast_in_dim3A_5 : vector<16xi1>, vector<16xf32>
        %swap3A_840 = arith.constant 54 : i32
        %swap3A_841 = arith.index_cast %swap3A_840 : i32 to index
        %swap3A_842 = arith.constant 0 : index
        %swap3A_843 = tpu.vector_load %arg7[%swap3A_841, %swap3A_842] {strides = array<i32>} : memref<64x16xf32, #tpu.memory_space<vmem>>, vector<16xf32>,
        tpu.vector_store %arg7[%swap3A_841, %swap3A_842], %select_n3A_839 {strides = array<i32>} : memref<64x16xf32, #tpu.memory_space<vmem>>, vector<16xf32>,
        %select_n3A_844 = arith.select %lt3A_567, %gather3A_360, %broadcast_in_dim3A_5 : vector<16xi1>, vector<16xf32>
        %swap3A_845 = arith.constant 55 : i32
        %swap3A_846 = arith.index_cast %swap3A_845 : i32 to index
        %swap3A_847 = arith.constant 0 : index
        %swap3A_848 = tpu.vector_load %arg7[%swap3A_846, %swap3A_847] {strides = array<i32>} : memref<64x16xf32, #tpu.memory_space<vmem>>, vector<16xf32>,
        tpu.vector_store %arg7[%swap3A_846, %swap3A_847], %select_n3A_844 {strides = array<i32>} : memref<64x16xf32, #tpu.memory_space<vmem>>, vector<16xf32>,
        %select_n3A_849 = arith.select %lt3A_570, %gather3A_365, %broadcast_in_dim3A_5 : vector<16xi1>, vector<16xf32>
        %swap3A_850 = arith.constant 56 : i32
        %swap3A_851 = arith.index_cast %swap3A_850 : i32 to index
        %swap3A_852 = arith.constant 0 : index
        %swap3A_853 = tpu.vector_load %arg7[%swap3A_851, %swap3A_852] {strides = array<i32>} : memref<64x16xf32, #tpu.memory_space<vmem>>, vector<16xf32>,
        tpu.vector_store %arg7[%swap3A_851, %swap3A_852], %select_n3A_849 {strides = array<i32>} : memref<64x16xf32, #tpu.memory_space<vmem>>, vector<16xf32>,
        %select_n3A_854 = arith.select %lt3A_570, %gather3A_366, %broadcast_in_dim3A_5 : vector<16xi1>, vector<16xf32>
        %swap3A_855 = arith.constant 57 : i32
        %swap3A_856 = arith.index_cast %swap3A_855 : i32 to index
        %swap3A_857 = arith.constant 0 : index
        %swap3A_858 = tpu.vector_load %arg7[%swap3A_856, %swap3A_857] {strides = array<i32>} : memref<64x16xf32, #tpu.memory_space<vmem>>, vector<16xf32>,
        tpu.vector_store %arg7[%swap3A_856, %swap3A_857], %select_n3A_854 {strides = array<i32>} : memref<64x16xf32, #tpu.memory_space<vmem>>, vector<16xf32>,
        %select_n3A_859 = arith.select %lt3A_570, %gather3A_370, %broadcast_in_dim3A_5 : vector<16xi1>, vector<16xf32>
        %swap3A_860 = arith.constant 58 : i32
        %swap3A_861 = arith.index_cast %swap3A_860 : i32 to index
        %swap3A_862 = arith.constant 0 : index
        %swap3A_863 = tpu.vector_load %arg7[%swap3A_861, %swap3A_862] {strides = array<i32>} : memref<64x16xf32, #tpu.memory_space<vmem>>, vector<16xf32>,
        tpu.vector_store %arg7[%swap3A_861, %swap3A_862], %select_n3A_859 {strides = array<i32>} : memref<64x16xf32, #tpu.memory_space<vmem>>, vector<16xf32>,
        %select_n3A_864 = arith.select %lt3A_570, %gather3A_374, %broadcast_in_dim3A_5 : vector<16xi1>, vector<16xf32>
        %swap3A_865 = arith.constant 59 : i32
        %swap3A_866 = arith.index_cast %swap3A_865 : i32 to index
        %swap3A_867 = arith.constant 0 : index
        %swap3A_868 = tpu.vector_load %arg7[%swap3A_866, %swap3A_867] {strides = array<i32>} : memref<64x16xf32, #tpu.memory_space<vmem>>, vector<16xf32>,
        tpu.vector_store %arg7[%swap3A_866, %swap3A_867], %select_n3A_864 {strides = array<i32>} : memref<64x16xf32, #tpu.memory_space<vmem>>, vector<16xf32>,
        %select_n3A_869 = arith.select %lt3A_570, %gather3A_378, %broadcast_in_dim3A_5 : vector<16xi1>, vector<16xf32>
        %swap3A_870 = arith.constant 60 : i32
        %swap3A_871 = arith.index_cast %swap3A_870 : i32 to index
        %swap3A_872 = arith.constant 0 : index
        %swap3A_873 = tpu.vector_load %arg7[%swap3A_871, %swap3A_872] {strides = array<i32>} : memref<64x16xf32, #tpu.memory_space<vmem>>, vector<16xf32>,
        tpu.vector_store %arg7[%swap3A_871, %swap3A_872], %select_n3A_869 {strides = array<i32>} : memref<64x16xf32, #tpu.memory_space<vmem>>, vector<16xf32>,
        %select_n3A_874 = arith.select %lt3A_570, %gather3A_382, %broadcast_in_dim3A_5 : vector<16xi1>, vector<16xf32>
        %swap3A_875 = arith.constant 61 : i32
        %swap3A_876 = arith.index_cast %swap3A_875 : i32 to index
        %swap3A_877 = arith.constant 0 : index
        %swap3A_878 = tpu.vector_load %arg7[%swap3A_876, %swap3A_877] {strides = array<i32>} : memref<64x16xf32, #tpu.memory_space<vmem>>, vector<16xf32>,
        tpu.vector_store %arg7[%swap3A_876, %swap3A_877], %select_n3A_874 {strides = array<i32>} : memref<64x16xf32, #tpu.memory_space<vmem>>, vector<16xf32>,
        %select_n3A_879 = arith.select %lt3A_570, %gather3A_386, %broadcast_in_dim3A_5 : vector<16xi1>, vector<16xf32>
        %swap3A_880 = arith.constant 62 : i32
        %swap3A_881 = arith.index_cast %swap3A_880 : i32 to index
        %swap3A_882 = arith.constant 0 : index
        %swap3A_883 = tpu.vector_load %arg7[%swap3A_881, %swap3A_882] {strides = array<i32>} : memref<64x16xf32, #tpu.memory_space<vmem>>, vector<16xf32>,
        tpu.vector_store %arg7[%swap3A_881, %swap3A_882], %select_n3A_879 {strides = array<i32>} : memref<64x16xf32, #tpu.memory_space<vmem>>, vector<16xf32>,
        %select_n3A_884 = arith.select %lt3A_570, %gather3A_390, %broadcast_in_dim3A_5 : vector<16xi1>, vector<16xf32>
        %swap3A_885 = arith.constant 63 : i32
        %swap3A_886 = arith.index_cast %swap3A_885 : i32 to index
        %swap3A_887 = arith.constant 0 : index
        %swap3A_888 = tpu.vector_load %arg7[%swap3A_886, %swap3A_887] {strides = array<i32>} : memref<64x16xf32, #tpu.memory_space<vmem>>, vector<16xf32>,
        tpu.vector_store %arg7[%swap3A_886, %swap3A_887], %select_n3A_884 {strides = array<i32>} : memref<64x16xf32, #tpu.memory_space<vmem>>, vector<16xf32>,
        %gt3A_889 = arith.cmpf ogt, %select_n3A_574, %select_n3A : vector<16xf32>
        %select_n3A_890 = arith.select %gt3A_889, %select_n3A_574, %select_n3A : vector<16xi1>, vector<16xf32>
        %select_n3A_891 = arith.select %gt3A_889, %broadcast_in_dim3A_11, %broadcast_in_dim3A_9 : vector<16xi1>, vector<16xi32>
        %gt3A_892 = arith.cmpf ogt, %select_n3A_584, %select_n3A_579 : vector<16xf32>
        %select_n3A_893 = arith.select %gt3A_892, %select_n3A_584, %select_n3A_579 : vector<16xi1>, vector<16xf32>
        %select_n3A_894 = arith.select %gt3A_892, %broadcast_in_dim3A_15, %broadcast_in_dim3A_13 : vector<16xi1>, vector<16xi32>
        %gt3A_895 = arith.cmpf ogt, %select_n3A_594, %select_n3A_589 : vector<16xf32>
        %select_n3A_896 = arith.select %gt3A_895, %select_n3A_594, %select_n3A_589 : vector<16xi1>, vector<16xf32>
        %select_n3A_897 = arith.select %gt3A_895, %broadcast_in_dim3A_19, %broadcast_in_dim3A_17 : vector<16xi1>, vector<16xi32>
        %gt3A_898 = arith.cmpf ogt, %select_n3A_604, %select_n3A_599 : vector<16xf32>
        %select_n3A_899 = arith.select %gt3A_898, %select_n3A_604, %select_n3A_599 : vector<16xi1>, vector<16xf32>
        %select_n3A_900 = arith.select %gt3A_898, %broadcast_in_dim3A_23, %broadcast_in_dim3A_21 : vector<16xi1>, vector<16xi32>
        %gt3A_901 = arith.cmpf ogt, %select_n3A_893, %select_n3A_890 : vector<16xf32>
        %select_n3A_902 = arith.select %gt3A_901, %select_n3A_893, %select_n3A_890 : vector<16xi1>, vector<16xf32>
        %select_n3A_903 = arith.select %gt3A_901, %select_n3A_894, %select_n3A_891 : vector<16xi1>, vector<16xi32>
        %gt3A_904 = arith.cmpf ogt, %select_n3A_899, %select_n3A_896 : vector<16xf32>
        %select_n3A_905 = arith.select %gt3A_904, %select_n3A_899, %select_n3A_896 : vector<16xi1>, vector<16xf32>
        %select_n3A_906 = arith.select %gt3A_904, %select_n3A_900, %select_n3A_897 : vector<16xi1>, vector<16xi32>
        %gt3A_907 = arith.cmpf ogt, %select_n3A_905, %select_n3A_902 : vector<16xf32>
        %select_n3A_908 = arith.select %gt3A_907, %select_n3A_905, %select_n3A_902 : vector<16xi1>, vector<16xf32>
        %select_n3A_909 = arith.select %gt3A_907, %select_n3A_906, %select_n3A_903 : vector<16xi1>, vector<16xi32>
        %gt3A_910 = arith.cmpf ogt, %select_n3A_614, %select_n3A_609 : vector<16xf32>
        %select_n3A_911 = arith.select %gt3A_910, %select_n3A_614, %select_n3A_609 : vector<16xi1>, vector<16xf32>
        %select_n3A_912 = arith.select %gt3A_910, %broadcast_in_dim3A_27, %broadcast_in_dim3A_25 : vector<16xi1>, vector<16xi32>
        %gt3A_913 = arith.cmpf ogt, %select_n3A_624, %select_n3A_619 : vector<16xf32>
        %select_n3A_914 = arith.select %gt3A_913, %select_n3A_624, %select_n3A_619 : vector<16xi1>, vector<16xf32>
        %select_n3A_915 = arith.select %gt3A_913, %broadcast_in_dim3A_31, %broadcast_in_dim3A_29 : vector<16xi1>, vector<16xi32>
        %gt3A_916 = arith.cmpf ogt, %select_n3A_634, %select_n3A_629 : vector<16xf32>
        %select_n3A_917 = arith.select %gt3A_916, %select_n3A_634, %select_n3A_629 : vector<16xi1>, vector<16xf32>
        %select_n3A_918 = arith.select %gt3A_916, %broadcast_in_dim3A_35, %broadcast_in_dim3A_33 : vector<16xi1>, vector<16xi32>
        %gt3A_919 = arith.cmpf ogt, %select_n3A_644, %select_n3A_639 : vector<16xf32>
        %select_n3A_920 = arith.select %gt3A_919, %select_n3A_644, %select_n3A_639 : vector<16xi1>, vector<16xf32>
        %select_n3A_921 = arith.select %gt3A_919, %broadcast_in_dim3A_39, %broadcast_in_dim3A_37 : vector<16xi1>, vector<16xi32>
        %gt3A_922 = arith.cmpf ogt, %select_n3A_914, %select_n3A_911 : vector<16xf32>
        %select_n3A_923 = arith.select %gt3A_922, %select_n3A_914, %select_n3A_911 : vector<16xi1>, vector<16xf32>
        %select_n3A_924 = arith.select %gt3A_922, %select_n3A_915, %select_n3A_912 : vector<16xi1>, vector<16xi32>
        %gt3A_925 = arith.cmpf ogt, %select_n3A_920, %select_n3A_917 : vector<16xf32>
        %select_n3A_926 = arith.select %gt3A_925, %select_n3A_920, %select_n3A_917 : vector<16xi1>, vector<16xf32>
        %select_n3A_927 = arith.select %gt3A_925, %select_n3A_921, %select_n3A_918 : vector<16xi1>, vector<16xi32>
        %gt3A_928 = arith.cmpf ogt, %select_n3A_926, %select_n3A_923 : vector<16xf32>
        %select_n3A_929 = arith.select %gt3A_928, %select_n3A_926, %select_n3A_923 : vector<16xi1>, vector<16xf32>
        %select_n3A_930 = arith.select %gt3A_928, %select_n3A_927, %select_n3A_924 : vector<16xi1>, vector<16xi32>
        %gt3A_931 = arith.cmpf ogt, %select_n3A_654, %select_n3A_649 : vector<16xf32>
        %select_n3A_932 = arith.select %gt3A_931, %select_n3A_654, %select_n3A_649 : vector<16xi1>, vector<16xf32>
        %select_n3A_933 = arith.select %gt3A_931, %broadcast_in_dim3A_43, %broadcast_in_dim3A_41 : vector<16xi1>, vector<16xi32>
        %gt3A_934 = arith.cmpf ogt, %select_n3A_664, %select_n3A_659 : vector<16xf32>
        %select_n3A_935 = arith.select %gt3A_934, %select_n3A_664, %select_n3A_659 : vector<16xi1>, vector<16xf32>
        %select_n3A_936 = arith.select %gt3A_934, %broadcast_in_dim3A_47, %broadcast_in_dim3A_45 : vector<16xi1>, vector<16xi32>
        %gt3A_937 = arith.cmpf ogt, %select_n3A_674, %select_n3A_669 : vector<16xf32>
        %select_n3A_938 = arith.select %gt3A_937, %select_n3A_674, %select_n3A_669 : vector<16xi1>, vector<16xf32>
        %select_n3A_939 = arith.select %gt3A_937, %broadcast_in_dim3A_51, %broadcast_in_dim3A_49 : vector<16xi1>, vector<16xi32>
        %gt3A_940 = arith.cmpf ogt, %select_n3A_684, %select_n3A_679 : vector<16xf32>
        %select_n3A_941 = arith.select %gt3A_940, %select_n3A_684, %select_n3A_679 : vector<16xi1>, vector<16xf32>
        %select_n3A_942 = arith.select %gt3A_940, %broadcast_in_dim3A_55, %broadcast_in_dim3A_53 : vector<16xi1>, vector<16xi32>
        %gt3A_943 = arith.cmpf ogt, %select_n3A_935, %select_n3A_932 : vector<16xf32>
        %select_n3A_944 = arith.select %gt3A_943, %select_n3A_935, %select_n3A_932 : vector<16xi1>, vector<16xf32>
        %select_n3A_945 = arith.select %gt3A_943, %select_n3A_936, %select_n3A_933 : vector<16xi1>, vector<16xi32>
        %gt3A_946 = arith.cmpf ogt, %select_n3A_941, %select_n3A_938 : vector<16xf32>
        %select_n3A_947 = arith.select %gt3A_946, %select_n3A_941, %select_n3A_938 : vector<16xi1>, vector<16xf32>
        %select_n3A_948 = arith.select %gt3A_946, %select_n3A_942, %select_n3A_939 : vector<16xi1>, vector<16xi32>
        %gt3A_949 = arith.cmpf ogt, %select_n3A_947, %select_n3A_944 : vector<16xf32>
        %select_n3A_950 = arith.select %gt3A_949, %select_n3A_947, %select_n3A_944 : vector<16xi1>, vector<16xf32>
        %select_n3A_951 = arith.select %gt3A_949, %select_n3A_948, %select_n3A_945 : vector<16xi1>, vector<16xi32>
        %gt3A_952 = arith.cmpf ogt, %select_n3A_694, %select_n3A_689 : vector<16xf32>
        %select_n3A_953 = arith.select %gt3A_952, %select_n3A_694, %select_n3A_689 : vector<16xi1>, vector<16xf32>
        %select_n3A_954 = arith.select %gt3A_952, %broadcast_in_dim3A_59, %broadcast_in_dim3A_57 : vector<16xi1>, vector<16xi32>
        %gt3A_955 = arith.cmpf ogt, %select_n3A_704, %select_n3A_699 : vector<16xf32>
        %select_n3A_956 = arith.select %gt3A_955, %select_n3A_704, %select_n3A_699 : vector<16xi1>, vector<16xf32>
        %select_n3A_957 = arith.select %gt3A_955, %broadcast_in_dim3A_63, %broadcast_in_dim3A_61 : vector<16xi1>, vector<16xi32>
        %gt3A_958 = arith.cmpf ogt, %select_n3A_714, %select_n3A_709 : vector<16xf32>
        %select_n3A_959 = arith.select %gt3A_958, %select_n3A_714, %select_n3A_709 : vector<16xi1>, vector<16xf32>
        %select_n3A_960 = arith.select %gt3A_958, %broadcast_in_dim3A_67, %broadcast_in_dim3A_65 : vector<16xi1>, vector<16xi32>
        %gt3A_961 = arith.cmpf ogt, %select_n3A_724, %select_n3A_719 : vector<16xf32>
        %select_n3A_962 = arith.select %gt3A_961, %select_n3A_724, %select_n3A_719 : vector<16xi1>, vector<16xf32>
        %select_n3A_963 = arith.select %gt3A_961, %broadcast_in_dim3A_71, %broadcast_in_dim3A_69 : vector<16xi1>, vector<16xi32>
        %gt3A_964 = arith.cmpf ogt, %select_n3A_956, %select_n3A_953 : vector<16xf32>
        %select_n3A_965 = arith.select %gt3A_964, %select_n3A_956, %select_n3A_953 : vector<16xi1>, vector<16xf32>
        %select_n3A_966 = arith.select %gt3A_964, %select_n3A_957, %select_n3A_954 : vector<16xi1>, vector<16xi32>
        %gt3A_967 = arith.cmpf ogt, %select_n3A_962, %select_n3A_959 : vector<16xf32>
        %select_n3A_968 = arith.select %gt3A_967, %select_n3A_962, %select_n3A_959 : vector<16xi1>, vector<16xf32>
        %select_n3A_969 = arith.select %gt3A_967, %select_n3A_963, %select_n3A_960 : vector<16xi1>, vector<16xi32>
        %gt3A_970 = arith.cmpf ogt, %select_n3A_968, %select_n3A_965 : vector<16xf32>
        %select_n3A_971 = arith.select %gt3A_970, %select_n3A_968, %select_n3A_965 : vector<16xi1>, vector<16xf32>
        %select_n3A_972 = arith.select %gt3A_970, %select_n3A_969, %select_n3A_966 : vector<16xi1>, vector<16xi32>
        %gt3A_973 = arith.cmpf ogt, %select_n3A_734, %select_n3A_729 : vector<16xf32>
        %select_n3A_974 = arith.select %gt3A_973, %select_n3A_734, %select_n3A_729 : vector<16xi1>, vector<16xf32>
        %select_n3A_975 = arith.select %gt3A_973, %broadcast_in_dim3A_75, %broadcast_in_dim3A_73 : vector<16xi1>, vector<16xi32>
        %gt3A_976 = arith.cmpf ogt, %select_n3A_744, %select_n3A_739 : vector<16xf32>
        %select_n3A_977 = arith.select %gt3A_976, %select_n3A_744, %select_n3A_739 : vector<16xi1>, vector<16xf32>
        %select_n3A_978 = arith.select %gt3A_976, %broadcast_in_dim3A_79, %broadcast_in_dim3A_77 : vector<16xi1>, vector<16xi32>
        %gt3A_979 = arith.cmpf ogt, %select_n3A_754, %select_n3A_749 : vector<16xf32>
        %select_n3A_980 = arith.select %gt3A_979, %select_n3A_754, %select_n3A_749 : vector<16xi1>, vector<16xf32>
        %select_n3A_981 = arith.select %gt3A_979, %broadcast_in_dim3A_83, %broadcast_in_dim3A_81 : vector<16xi1>, vector<16xi32>
        %gt3A_982 = arith.cmpf ogt, %select_n3A_764, %select_n3A_759 : vector<16xf32>
        %select_n3A_983 = arith.select %gt3A_982, %select_n3A_764, %select_n3A_759 : vector<16xi1>, vector<16xf32>
        %select_n3A_984 = arith.select %gt3A_982, %broadcast_in_dim3A_87, %broadcast_in_dim3A_85 : vector<16xi1>, vector<16xi32>
        %gt3A_985 = arith.cmpf ogt, %select_n3A_977, %select_n3A_974 : vector<16xf32>
        %select_n3A_986 = arith.select %gt3A_985, %select_n3A_977, %select_n3A_974 : vector<16xi1>, vector<16xf32>
        %select_n3A_987 = arith.select %gt3A_985, %select_n3A_978, %select_n3A_975 : vector<16xi1>, vector<16xi32>
        %gt3A_988 = arith.cmpf ogt, %select_n3A_983, %select_n3A_980 : vector<16xf32>
        %select_n3A_989 = arith.select %gt3A_988, %select_n3A_983, %select_n3A_980 : vector<16xi1>, vector<16xf32>
        %select_n3A_990 = arith.select %gt3A_988, %select_n3A_984, %select_n3A_981 : vector<16xi1>, vector<16xi32>
        %gt3A_991 = arith.cmpf ogt, %select_n3A_989, %select_n3A_986 : vector<16xf32>
        %select_n3A_992 = arith.select %gt3A_991, %select_n3A_989, %select_n3A_986 : vector<16xi1>, vector<16xf32>
        %select_n3A_993 = arith.select %gt3A_991, %select_n3A_990, %select_n3A_987 : vector<16xi1>, vector<16xi32>
        %gt3A_994 = arith.cmpf ogt, %select_n3A_774, %select_n3A_769 : vector<16xf32>
        %select_n3A_995 = arith.select %gt3A_994, %select_n3A_774, %select_n3A_769 : vector<16xi1>, vector<16xf32>
        %select_n3A_996 = arith.select %gt3A_994, %broadcast_in_dim3A_91, %broadcast_in_dim3A_89 : vector<16xi1>, vector<16xi32>
        %gt3A_997 = arith.cmpf ogt, %select_n3A_784, %select_n3A_779 : vector<16xf32>
        %select_n3A_998 = arith.select %gt3A_997, %select_n3A_784, %select_n3A_779 : vector<16xi1>, vector<16xf32>
        %select_n3A_999 = arith.select %gt3A_997, %broadcast_in_dim3A_95, %broadcast_in_dim3A_93 : vector<16xi1>, vector<16xi32>
        %gt3A_1000 = arith.cmpf ogt, %select_n3A_794, %select_n3A_789 : vector<16xf32>
        %select_n3A_1001 = arith.select %gt3A_1000, %select_n3A_794, %select_n3A_789 : vector<16xi1>, vector<16xf32>
        %select_n3A_1002 = arith.select %gt3A_1000, %broadcast_in_dim3A_99, %broadcast_in_dim3A_97 : vector<16xi1>, vector<16xi32>
        %gt3A_1003 = arith.cmpf ogt, %select_n3A_804, %select_n3A_799 : vector<16xf32>
        %select_n3A_1004 = arith.select %gt3A_1003, %select_n3A_804, %select_n3A_799 : vector<16xi1>, vector<16xf32>
        %select_n3A_1005 = arith.select %gt3A_1003, %broadcast_in_dim3A_103, %broadcast_in_dim3A_101 : vector<16xi1>, vector<16xi32>
        %gt3A_1006 = arith.cmpf ogt, %select_n3A_998, %select_n3A_995 : vector<16xf32>
        %select_n3A_1007 = arith.select %gt3A_1006, %select_n3A_998, %select_n3A_995 : vector<16xi1>, vector<16xf32>
        %select_n3A_1008 = arith.select %gt3A_1006, %select_n3A_999, %select_n3A_996 : vector<16xi1>, vector<16xi32>
        %gt3A_1009 = arith.cmpf ogt, %select_n3A_1004, %select_n3A_1001 : vector<16xf32>
        %select_n3A_1010 = arith.select %gt3A_1009, %select_n3A_1004, %select_n3A_1001 : vector<16xi1>, vector<16xf32>
        %select_n3A_1011 = arith.select %gt3A_1009, %select_n3A_1005, %select_n3A_1002 : vector<16xi1>, vector<16xi32>
        %gt3A_1012 = arith.cmpf ogt, %select_n3A_1010, %select_n3A_1007 : vector<16xf32>
        %select_n3A_1013 = arith.select %gt3A_1012, %select_n3A_1010, %select_n3A_1007 : vector<16xi1>, vector<16xf32>
        %select_n3A_1014 = arith.select %gt3A_1012, %select_n3A_1011, %select_n3A_1008 : vector<16xi1>, vector<16xi32>
        %gt3A_1015 = arith.cmpf ogt, %select_n3A_814, %select_n3A_809 : vector<16xf32>
        %select_n3A_1016 = arith.select %gt3A_1015, %select_n3A_814, %select_n3A_809 : vector<16xi1>, vector<16xf32>
        %select_n3A_1017 = arith.select %gt3A_1015, %broadcast_in_dim3A_107, %broadcast_in_dim3A_105 : vector<16xi1>, vector<16xi32>
        %gt3A_1018 = arith.cmpf ogt, %select_n3A_824, %select_n3A_819 : vector<16xf32>
        %select_n3A_1019 = arith.select %gt3A_1018, %select_n3A_824, %select_n3A_819 : vector<16xi1>, vector<16xf32>
        %select_n3A_1020 = arith.select %gt3A_1018, %broadcast_in_dim3A_111, %broadcast_in_dim3A_109 : vector<16xi1>, vector<16xi32>
        %gt3A_1021 = arith.cmpf ogt, %select_n3A_834, %select_n3A_829 : vector<16xf32>
        %select_n3A_1022 = arith.select %gt3A_1021, %select_n3A_834, %select_n3A_829 : vector<16xi1>, vector<16xf32>
        %select_n3A_1023 = arith.select %gt3A_1021, %broadcast_in_dim3A_115, %broadcast_in_dim3A_113 : vector<16xi1>, vector<16xi32>
        %gt3A_1024 = arith.cmpf ogt, %select_n3A_844, %select_n3A_839 : vector<16xf32>
        %select_n3A_1025 = arith.select %gt3A_1024, %select_n3A_844, %select_n3A_839 : vector<16xi1>, vector<16xf32>
        %select_n3A_1026 = arith.select %gt3A_1024, %broadcast_in_dim3A_119, %broadcast_in_dim3A_117 : vector<16xi1>, vector<16xi32>
        %gt3A_1027 = arith.cmpf ogt, %select_n3A_1019, %select_n3A_1016 : vector<16xf32>
        %select_n3A_1028 = arith.select %gt3A_1027, %select_n3A_1019, %select_n3A_1016 : vector<16xi1>, vector<16xf32>
        %select_n3A_1029 = arith.select %gt3A_1027, %select_n3A_1020, %select_n3A_1017 : vector<16xi1>, vector<16xi32>
        %gt3A_1030 = arith.cmpf ogt, %select_n3A_1025, %select_n3A_1022 : vector<16xf32>
        %select_n3A_1031 = arith.select %gt3A_1030, %select_n3A_1025, %select_n3A_1022 : vector<16xi1>, vector<16xf32>
        %select_n3A_1032 = arith.select %gt3A_1030, %select_n3A_1026, %select_n3A_1023 : vector<16xi1>, vector<16xi32>
        %gt3A_1033 = arith.cmpf ogt, %select_n3A_1031, %select_n3A_1028 : vector<16xf32>
        %select_n3A_1034 = arith.select %gt3A_1033, %select_n3A_1031, %select_n3A_1028 : vector<16xi1>, vector<16xf32>
        %select_n3A_1035 = arith.select %gt3A_1033, %select_n3A_1032, %select_n3A_1029 : vector<16xi1>, vector<16xi32>
        %gt3A_1036 = arith.cmpf ogt, %select_n3A_854, %select_n3A_849 : vector<16xf32>
        %select_n3A_1037 = arith.select %gt3A_1036, %select_n3A_854, %select_n3A_849 : vector<16xi1>, vector<16xf32>
        %select_n3A_1038 = arith.select %gt3A_1036, %broadcast_in_dim3A_123, %broadcast_in_dim3A_121 : vector<16xi1>, vector<16xi32>
        %gt3A_1039 = arith.cmpf ogt, %select_n3A_864, %select_n3A_859 : vector<16xf32>
        %select_n3A_1040 = arith.select %gt3A_1039, %select_n3A_864, %select_n3A_859 : vector<16xi1>, vector<16xf32>
        %select_n3A_1041 = arith.select %gt3A_1039, %broadcast_in_dim3A_127, %broadcast_in_dim3A_125 : vector<16xi1>, vector<16xi32>
        %gt3A_1042 = arith.cmpf ogt, %select_n3A_874, %select_n3A_869 : vector<16xf32>
        %select_n3A_1043 = arith.select %gt3A_1042, %select_n3A_874, %select_n3A_869 : vector<16xi1>, vector<16xf32>
        %select_n3A_1044 = arith.select %gt3A_1042, %broadcast_in_dim3A_131, %broadcast_in_dim3A_129 : vector<16xi1>, vector<16xi32>
        %gt3A_1045 = arith.cmpf ogt, %select_n3A_884, %select_n3A_879 : vector<16xf32>
        %select_n3A_1046 = arith.select %gt3A_1045, %select_n3A_884, %select_n3A_879 : vector<16xi1>, vector<16xf32>
        %select_n3A_1047 = arith.select %gt3A_1045, %broadcast_in_dim3A_135, %broadcast_in_dim3A_133 : vector<16xi1>, vector<16xi32>
        %gt3A_1048 = arith.cmpf ogt, %select_n3A_1040, %select_n3A_1037 : vector<16xf32>
        %select_n3A_1049 = arith.select %gt3A_1048, %select_n3A_1040, %select_n3A_1037 : vector<16xi1>, vector<16xf32>
        %select_n3A_1050 = arith.select %gt3A_1048, %select_n3A_1041, %select_n3A_1038 : vector<16xi1>, vector<16xi32>
        %gt3A_1051 = arith.cmpf ogt, %select_n3A_1046, %select_n3A_1043 : vector<16xf32>
        %select_n3A_1052 = arith.select %gt3A_1051, %select_n3A_1046, %select_n3A_1043 : vector<16xi1>, vector<16xf32>
        %select_n3A_1053 = arith.select %gt3A_1051, %select_n3A_1047, %select_n3A_1044 : vector<16xi1>, vector<16xi32>
        %gt3A_1054 = arith.cmpf ogt, %select_n3A_1052, %select_n3A_1049 : vector<16xf32>
        %select_n3A_1055 = arith.select %gt3A_1054, %select_n3A_1052, %select_n3A_1049 : vector<16xi1>, vector<16xf32>
        %select_n3A_1056 = arith.select %gt3A_1054, %select_n3A_1053, %select_n3A_1050 : vector<16xi1>, vector<16xi32>
        %broadcast_in_dim3A_1057 = arith.constant 0 : i32
        %broadcast_in_dim3A_1058 = vector.broadcast %broadcast_in_dim3A_1057 : i32 to vector<16xi32>
        %broadcast_in_dim3A_1059 = arith.constant 1 : i32
        %broadcast_in_dim3A_1060 = vector.broadcast %broadcast_in_dim3A_1059 : i32 to vector<16xi32>
        %broadcast_in_dim3A_1061 = arith.constant 2 : i32
        %broadcast_in_dim3A_1062 = vector.broadcast %broadcast_in_dim3A_1061 : i32 to vector<16xi32>
        %broadcast_in_dim3A_1063 = arith.constant 3 : i32
        %broadcast_in_dim3A_1064 = vector.broadcast %broadcast_in_dim3A_1063 : i32 to vector<16xi32>
        %broadcast_in_dim3A_1065 = arith.constant 4 : i32
        %broadcast_in_dim3A_1066 = vector.broadcast %broadcast_in_dim3A_1065 : i32 to vector<16xi32>
        %broadcast_in_dim3A_1067 = arith.constant 5 : i32
        %broadcast_in_dim3A_1068 = vector.broadcast %broadcast_in_dim3A_1067 : i32 to vector<16xi32>
        %broadcast_in_dim3A_1069 = arith.constant 6 : i32
        %broadcast_in_dim3A_1070 = vector.broadcast %broadcast_in_dim3A_1069 : i32 to vector<16xi32>
        %broadcast_in_dim3A_1071 = arith.constant 7 : i32
        %broadcast_in_dim3A_1072 = vector.broadcast %broadcast_in_dim3A_1071 : i32 to vector<16xi32>
        %gt3A_1073 = arith.cmpf ogt, %select_n3A_929, %select_n3A_908 : vector<16xf32>
        %select_n3A_1074 = arith.select %gt3A_1073, %select_n3A_929, %select_n3A_908 : vector<16xi1>, vector<16xf32>
        %select_n3A_1075 = arith.select %gt3A_1073, %select_n3A_930, %select_n3A_909 : vector<16xi1>, vector<16xi32>
        %select_n3A_1076 = arith.select %gt3A_1073, %broadcast_in_dim3A_1060, %broadcast_in_dim3A_1058 : vector<16xi1>, vector<16xi32>
        %gt3A_1077 = arith.cmpf ogt, %select_n3A_971, %select_n3A_950 : vector<16xf32>
        %select_n3A_1078 = arith.select %gt3A_1077, %select_n3A_971, %select_n3A_950 : vector<16xi1>, vector<16xf32>
        %select_n3A_1079 = arith.select %gt3A_1077, %select_n3A_972, %select_n3A_951 : vector<16xi1>, vector<16xi32>
        %select_n3A_1080 = arith.select %gt3A_1077, %broadcast_in_dim3A_1064, %broadcast_in_dim3A_1062 : vector<16xi1>, vector<16xi32>
        %gt3A_1081 = arith.cmpf ogt, %select_n3A_1013, %select_n3A_992 : vector<16xf32>
        %select_n3A_1082 = arith.select %gt3A_1081, %select_n3A_1013, %select_n3A_992 : vector<16xi1>, vector<16xf32>
        %select_n3A_1083 = arith.select %gt3A_1081, %select_n3A_1014, %select_n3A_993 : vector<16xi1>, vector<16xi32>
        %select_n3A_1084 = arith.select %gt3A_1081, %broadcast_in_dim3A_1068, %broadcast_in_dim3A_1066 : vector<16xi1>, vector<16xi32>
        %gt3A_1085 = arith.cmpf ogt, %select_n3A_1055, %select_n3A_1034 : vector<16xf32>
        %select_n3A_1086 = arith.select %gt3A_1085, %select_n3A_1055, %select_n3A_1034 : vector<16xi1>, vector<16xf32>
        %select_n3A_1087 = arith.select %gt3A_1085, %select_n3A_1056, %select_n3A_1035 : vector<16xi1>, vector<16xi32>
        %select_n3A_1088 = arith.select %gt3A_1085, %broadcast_in_dim3A_1072, %broadcast_in_dim3A_1070 : vector<16xi1>, vector<16xi32>
        %gt3A_1089 = arith.cmpf ogt, %select_n3A_1078, %select_n3A_1074 : vector<16xf32>
        %select_n3A_1090 = arith.select %gt3A_1089, %select_n3A_1078, %select_n3A_1074 : vector<16xi1>, vector<16xf32>
        %select_n3A_1091 = arith.select %gt3A_1089, %select_n3A_1079, %select_n3A_1075 : vector<16xi1>, vector<16xi32>
        %select_n3A_1092 = arith.select %gt3A_1089, %select_n3A_1080, %select_n3A_1076 : vector<16xi1>, vector<16xi32>
        %gt3A_1093 = arith.cmpf ogt, %select_n3A_1086, %select_n3A_1082 : vector<16xf32>
        %select_n3A_1094 = arith.select %gt3A_1093, %select_n3A_1086, %select_n3A_1082 : vector<16xi1>, vector<16xf32>
        %select_n3A_1095 = arith.select %gt3A_1093, %select_n3A_1087, %select_n3A_1083 : vector<16xi1>, vector<16xi32>
        %select_n3A_1096 = arith.select %gt3A_1093, %select_n3A_1088, %select_n3A_1084 : vector<16xi1>, vector<16xi32>
        %gt3A_1097 = arith.cmpf ogt, %select_n3A_1094, %select_n3A_1090 : vector<16xf32>
        %select_n3A_1098 = arith.select %gt3A_1097, %select_n3A_1094, %select_n3A_1090 : vector<16xi1>, vector<16xf32>
        %select_n3A_1099 = arith.select %gt3A_1097, %select_n3A_1095, %select_n3A_1091 : vector<16xi1>, vector<16xi32>
        %select_n3A_1100 = arith.select %gt3A_1097, %select_n3A_1096, %select_n3A_1092 : vector<16xi1>, vector<16xi32>
        %gather3A_1101 = tpu.vector_load_idx %arg8[%broadcast_in_dim3A_1, %select_n3A_1099] : memref<1x64xf32, #tpu.memory_space<vmem>>[vector<16xi32>, vector<16xi32>], vector<16xf32>,
        %sub3A_1102 = arith.subf %select_n3A_1098, %gather3A_1101 : vector<16xf32>
        tpu.vector_store_idx %arg7[%select_n3A_1099, %iota3A], %broadcast_in_dim3A_3 : memref<64x16xf32, #tpu.memory_space<vmem>>[vector<16xi32>, vector<16xi32>], vector<16xf32>,
        %mul3A_1103 = arith.constant 8 : i32
        %mul3A_1104 = vector.broadcast %mul3A_1103 : i32 to vector<16xi32>
        %mul3A_1105 = arith.muli %select_n3A_1100, %mul3A_1104 : vector<16xi32>
        %add3A_1106 = arith.constant 0 : i32
        %add3A_1107 = vector.broadcast %add3A_1106 : i32 to vector<16xi32>
        %add3A_1108 = arith.addi %mul3A_1105, %add3A_1107 : vector<16xi32>
        %gather3A_1109 = tpu.vector_load_idx %arg7[%add3A_1108, %iota3A] : memref<64x16xf32, #tpu.memory_space<vmem>>[vector<16xi32>, vector<16xi32>], vector<16xf32>,
        %add3A_1110 = arith.constant 1 : i32
        %add3A_1111 = vector.broadcast %add3A_1110 : i32 to vector<16xi32>
        %add3A_1112 = arith.addi %mul3A_1105, %add3A_1111 : vector<16xi32>
        %gather3A_1113 = tpu.vector_load_idx %arg7[%add3A_1112, %iota3A] : memref<64x16xf32, #tpu.memory_space<vmem>>[vector<16xi32>, vector<16xi32>], vector<16xf32>,
        %gt3A_1114 = arith.cmpf ogt, %gather3A_1113, %gather3A_1109 : vector<16xf32>
        %select_n3A_1115 = arith.select %gt3A_1114, %gather3A_1113, %gather3A_1109 : vector<16xi1>, vector<16xf32>
        %select_n3A_1116 = arith.select %gt3A_1114, %add3A_1112, %add3A_1108 : vector<16xi1>, vector<16xi32>
        %add3A_1117 = arith.constant 2 : i32
        %add3A_1118 = vector.broadcast %add3A_1117 : i32 to vector<16xi32>
        %add3A_1119 = arith.addi %mul3A_1105, %add3A_1118 : vector<16xi32>
        %gather3A_1120 = tpu.vector_load_idx %arg7[%add3A_1119, %iota3A] : memref<64x16xf32, #tpu.memory_space<vmem>>[vector<16xi32>, vector<16xi32>], vector<16xf32>,
        %gt3A_1121 = arith.cmpf ogt, %gather3A_1120, %select_n3A_1115 : vector<16xf32>
        %select_n3A_1122 = arith.select %gt3A_1121, %gather3A_1120, %select_n3A_1115 : vector<16xi1>, vector<16xf32>
        %select_n3A_1123 = arith.select %gt3A_1121, %add3A_1119, %select_n3A_1116 : vector<16xi1>, vector<16xi32>
        %add3A_1124 = arith.constant 3 : i32
        %add3A_1125 = vector.broadcast %add3A_1124 : i32 to vector<16xi32>
        %add3A_1126 = arith.addi %mul3A_1105, %add3A_1125 : vector<16xi32>
        %gather3A_1127 = tpu.vector_load_idx %arg7[%add3A_1126, %iota3A] : memref<64x16xf32, #tpu.memory_space<vmem>>[vector<16xi32>, vector<16xi32>], vector<16xf32>,
        %gt3A_1128 = arith.cmpf ogt, %gather3A_1127, %select_n3A_1122 : vector<16xf32>
        %select_n3A_1129 = arith.select %gt3A_1128, %gather3A_1127, %select_n3A_1122 : vector<16xi1>, vector<16xf32>
        %select_n3A_1130 = arith.select %gt3A_1128, %add3A_1126, %select_n3A_1123 : vector<16xi1>, vector<16xi32>
        %add3A_1131 = arith.constant 4 : i32
        %add3A_1132 = vector.broadcast %add3A_1131 : i32 to vector<16xi32>
        %add3A_1133 = arith.addi %mul3A_1105, %add3A_1132 : vector<16xi32>
        %gather3A_1134 = tpu.vector_load_idx %arg7[%add3A_1133, %iota3A] : memref<64x16xf32, #tpu.memory_space<vmem>>[vector<16xi32>, vector<16xi32>], vector<16xf32>,
        %gt3A_1135 = arith.cmpf ogt, %gather3A_1134, %select_n3A_1129 : vector<16xf32>
        %select_n3A_1136 = arith.select %gt3A_1135, %gather3A_1134, %select_n3A_1129 : vector<16xi1>, vector<16xf32>
        %select_n3A_1137 = arith.select %gt3A_1135, %add3A_1133, %select_n3A_1130 : vector<16xi1>, vector<16xi32>
        %add3A_1138 = arith.constant 5 : i32
        %add3A_1139 = vector.broadcast %add3A_1138 : i32 to vector<16xi32>
        %add3A_1140 = arith.addi %mul3A_1105, %add3A_1139 : vector<16xi32>
        %gather3A_1141 = tpu.vector_load_idx %arg7[%add3A_1140, %iota3A] : memref<64x16xf32, #tpu.memory_space<vmem>>[vector<16xi32>, vector<16xi32>], vector<16xf32>,
        %gt3A_1142 = arith.cmpf ogt, %gather3A_1141, %select_n3A_1136 : vector<16xf32>
        %select_n3A_1143 = arith.select %gt3A_1142, %gather3A_1141, %select_n3A_1136 : vector<16xi1>, vector<16xf32>
        %select_n3A_1144 = arith.select %gt3A_1142, %add3A_1140, %select_n3A_1137 : vector<16xi1>, vector<16xi32>
        %add3A_1145 = arith.constant 6 : i32
        %add3A_1146 = vector.broadcast %add3A_1145 : i32 to vector<16xi32>
        %add3A_1147 = arith.addi %mul3A_1105, %add3A_1146 : vector<16xi32>
        %gather3A_1148 = tpu.vector_load_idx %arg7[%add3A_1147, %iota3A] : memref<64x16xf32, #tpu.memory_space<vmem>>[vector<16xi32>, vector<16xi32>], vector<16xf32>,
        %gt3A_1149 = arith.cmpf ogt, %gather3A_1148, %select_n3A_1143 : vector<16xf32>
        %select_n3A_1150 = arith.select %gt3A_1149, %gather3A_1148, %select_n3A_1143 : vector<16xi1>, vector<16xf32>
        %select_n3A_1151 = arith.select %gt3A_1149, %add3A_1147, %select_n3A_1144 : vector<16xi1>, vector<16xi32>
        %add3A_1152 = arith.constant 7 : i32
        %add3A_1153 = vector.broadcast %add3A_1152 : i32 to vector<16xi32>
        %add3A_1154 = arith.addi %mul3A_1105, %add3A_1153 : vector<16xi32>
        %gather3A_1155 = tpu.vector_load_idx %arg7[%add3A_1154, %iota3A] : memref<64x16xf32, #tpu.memory_space<vmem>>[vector<16xi32>, vector<16xi32>], vector<16xf32>,
        %gt3A_1156 = arith.cmpf ogt, %gather3A_1155, %select_n3A_1150 : vector<16xf32>
        %select_n3A_1157 = arith.select %gt3A_1156, %gather3A_1155, %select_n3A_1150 : vector<16xi1>, vector<16xf32>
        %select_n3A_1158 = arith.select %gt3A_1156, %add3A_1154, %select_n3A_1151 : vector<16xi1>, vector<16xi32>
        %eq3A = arith.cmpi eq, %select_n3A_1100, %broadcast_in_dim3A_1058 : vector<16xi32>
        %select_n3A_1159 = arith.select %eq3A, %select_n3A_1157, %select_n3A_908 : vector<16xi1>, vector<16xf32>
        %select_n3A_1160 = arith.select %eq3A, %select_n3A_1158, %select_n3A_909 : vector<16xi1>, vector<16xi32>
        %eq3A_1161 = arith.cmpi eq, %select_n3A_1100, %broadcast_in_dim3A_1060 : vector<16xi32>
        %select_n3A_1162 = arith.select %eq3A_1161, %select_n3A_1157, %select_n3A_929 : vector<16xi1>, vector<16xf32>
        %select_n3A_1163 = arith.select %eq3A_1161, %select_n3A_1158, %select_n3A_930 : vector<16xi1>, vector<16xi32>
        %eq3A_1164 = arith.cmpi eq, %select_n3A_1100, %broadcast_in_dim3A_1062 : vector<16xi32>
        %select_n3A_1165 = arith.select %eq3A_1164, %select_n3A_1157, %select_n3A_950 : vector<16xi1>, vector<16xf32>
        %select_n3A_1166 = arith.select %eq3A_1164, %select_n3A_1158, %select_n3A_951 : vector<16xi1>, vector<16xi32>
        %eq3A_1167 = arith.cmpi eq, %select_n3A_1100, %broadcast_in_dim3A_1064 : vector<16xi32>
        %select_n3A_1168 = arith.select %eq3A_1167, %select_n3A_1157, %select_n3A_971 : vector<16xi1>, vector<16xf32>
        %select_n3A_1169 = arith.select %eq3A_1167, %select_n3A_1158, %select_n3A_972 : vector<16xi1>, vector<16xi32>
        %eq3A_1170 = arith.cmpi eq, %select_n3A_1100, %broadcast_in_dim3A_1066 : vector<16xi32>
        %select_n3A_1171 = arith.select %eq3A_1170, %select_n3A_1157, %select_n3A_992 : vector<16xi1>, vector<16xf32>
        %select_n3A_1172 = arith.select %eq3A_1170, %select_n3A_1158, %select_n3A_993 : vector<16xi1>, vector<16xi32>
        %eq3A_1173 = arith.cmpi eq, %select_n3A_1100, %broadcast_in_dim3A_1068 : vector<16xi32>
        %select_n3A_1174 = arith.select %eq3A_1173, %select_n3A_1157, %select_n3A_1013 : vector<16xi1>, vector<16xf32>
        %select_n3A_1175 = arith.select %eq3A_1173, %select_n3A_1158, %select_n3A_1014 : vector<16xi1>, vector<16xi32>
        %eq3A_1176 = arith.cmpi eq, %select_n3A_1100, %broadcast_in_dim3A_1070 : vector<16xi32>
        %select_n3A_1177 = arith.select %eq3A_1176, %select_n3A_1157, %select_n3A_1034 : vector<16xi1>, vector<16xf32>
        %select_n3A_1178 = arith.select %eq3A_1176, %select_n3A_1158, %select_n3A_1035 : vector<16xi1>, vector<16xi32>
        %eq3A_1179 = arith.cmpi eq, %select_n3A_1100, %broadcast_in_dim3A_1072 : vector<16xi32>
        %select_n3A_1180 = arith.select %eq3A_1179, %select_n3A_1157, %select_n3A_1055 : vector<16xi1>, vector<16xf32>
        %select_n3A_1181 = arith.select %eq3A_1179, %select_n3A_1158, %select_n3A_1056 : vector<16xi1>, vector<16xi32>
        %gt3A_1182 = arith.cmpf ogt, %select_n3A_1162, %select_n3A_1159 : vector<16xf32>
        %select_n3A_1183 = arith.select %gt3A_1182, %select_n3A_1162, %select_n3A_1159 : vector<16xi1>, vector<16xf32>
        %select_n3A_1184 = arith.select %gt3A_1182, %select_n3A_1163, %select_n3A_1160 : vector<16xi1>, vector<16xi32>
        %select_n3A_1185 = arith.select %gt3A_1182, %broadcast_in_dim3A_1060, %broadcast_in_dim3A_1058 : vector<16xi1>, vector<16xi32>
        %gt3A_1186 = arith.cmpf ogt, %select_n3A_1168, %select_n3A_1165 : vector<16xf32>
        %select_n3A_1187 = arith.select %gt3A_1186, %select_n3A_1168, %select_n3A_1165 : vector<16xi1>, vector<16xf32>
        %select_n3A_1188 = arith.select %gt3A_1186, %select_n3A_1169, %select_n3A_1166 : vector<16xi1>, vector<16xi32>
        %select_n3A_1189 = arith.select %gt3A_1186, %broadcast_in_dim3A_1064, %broadcast_in_dim3A_1062 : vector<16xi1>, vector<16xi32>
        %gt3A_1190 = arith.cmpf ogt, %select_n3A_1174, %select_n3A_1171 : vector<16xf32>
        %select_n3A_1191 = arith.select %gt3A_1190, %select_n3A_1174, %select_n3A_1171 : vector<16xi1>, vector<16xf32>
        %select_n3A_1192 = arith.select %gt3A_1190, %select_n3A_1175, %select_n3A_1172 : vector<16xi1>, vector<16xi32>
        %select_n3A_1193 = arith.select %gt3A_1190, %broadcast_in_dim3A_1068, %broadcast_in_dim3A_1066 : vector<16xi1>, vector<16xi32>
        %gt3A_1194 = arith.cmpf ogt, %select_n3A_1180, %select_n3A_1177 : vector<16xf32>
        %select_n3A_1195 = arith.select %gt3A_1194, %select_n3A_1180, %select_n3A_1177 : vector<16xi1>, vector<16xf32>
        %select_n3A_1196 = arith.select %gt3A_1194, %select_n3A_1181, %select_n3A_1178 : vector<16xi1>, vector<16xi32>
        %select_n3A_1197 = arith.select %gt3A_1194, %broadcast_in_dim3A_1072, %broadcast_in_dim3A_1070 : vector<16xi1>, vector<16xi32>
        %gt3A_1198 = arith.cmpf ogt, %select_n3A_1187, %select_n3A_1183 : vector<16xf32>
        %select_n3A_1199 = arith.select %gt3A_1198, %select_n3A_1187, %select_n3A_1183 : vector<16xi1>, vector<16xf32>
        %select_n3A_1200 = arith.select %gt3A_1198, %select_n3A_1188, %select_n3A_1184 : vector<16xi1>, vector<16xi32>
        %select_n3A_1201 = arith.select %gt3A_1198, %select_n3A_1189, %select_n3A_1185 : vector<16xi1>, vector<16xi32>
        %gt3A_1202 = arith.cmpf ogt, %select_n3A_1195, %select_n3A_1191 : vector<16xf32>
        %select_n3A_1203 = arith.select %gt3A_1202, %select_n3A_1195, %select_n3A_1191 : vector<16xi1>, vector<16xf32>
        %select_n3A_1204 = arith.select %gt3A_1202, %select_n3A_1196, %select_n3A_1192 : vector<16xi1>, vector<16xi32>
        %select_n3A_1205 = arith.select %gt3A_1202, %select_n3A_1197, %select_n3A_1193 : vector<16xi1>, vector<16xi32>
        %gt3A_1206 = arith.cmpf ogt, %select_n3A_1203, %select_n3A_1199 : vector<16xf32>
        %select_n3A_1207 = arith.select %gt3A_1206, %select_n3A_1203, %select_n3A_1199 : vector<16xi1>, vector<16xf32>
        %select_n3A_1208 = arith.select %gt3A_1206, %select_n3A_1204, %select_n3A_1200 : vector<16xi1>, vector<16xi32>
        %select_n3A_1209 = arith.select %gt3A_1206, %select_n3A_1205, %select_n3A_1201 : vector<16xi1>, vector<16xi32>
        %gather3A_1210 = tpu.vector_load_idx %arg8[%broadcast_in_dim3A_1, %select_n3A_1208] : memref<1x64xf32, #tpu.memory_space<vmem>>[vector<16xi32>, vector<16xi32>], vector<16xf32>,
        %sub3A_1211 = arith.subf %select_n3A_1207, %gather3A_1210 : vector<16xf32>
        tpu.vector_store_idx %arg7[%select_n3A_1208, %iota3A], %broadcast_in_dim3A_3 : memref<64x16xf32, #tpu.memory_space<vmem>>[vector<16xi32>, vector<16xi32>], vector<16xf32>,
        %mul3A_1212 = arith.constant 8 : i32
        %mul3A_1213 = vector.broadcast %mul3A_1212 : i32 to vector<16xi32>
        %mul3A_1214 = arith.muli %select_n3A_1209, %mul3A_1213 : vector<16xi32>
        %add3A_1215 = arith.constant 0 : i32
        %add3A_1216 = vector.broadcast %add3A_1215 : i32 to vector<16xi32>
        %add3A_1217 = arith.addi %mul3A_1214, %add3A_1216 : vector<16xi32>
        %gather3A_1218 = tpu.vector_load_idx %arg7[%add3A_1217, %iota3A] : memref<64x16xf32, #tpu.memory_space<vmem>>[vector<16xi32>, vector<16xi32>], vector<16xf32>,
        %add3A_1219 = arith.constant 1 : i32
        %add3A_1220 = vector.broadcast %add3A_1219 : i32 to vector<16xi32>
        %add3A_1221 = arith.addi %mul3A_1214, %add3A_1220 : vector<16xi32>
        %gather3A_1222 = tpu.vector_load_idx %arg7[%add3A_1221, %iota3A] : memref<64x16xf32, #tpu.memory_space<vmem>>[vector<16xi32>, vector<16xi32>], vector<16xf32>,
        %gt3A_1223 = arith.cmpf ogt, %gather3A_1222, %gather3A_1218 : vector<16xf32>
        %select_n3A_1224 = arith.select %gt3A_1223, %gather3A_1222, %gather3A_1218 : vector<16xi1>, vector<16xf32>
        %select_n3A_1225 = arith.select %gt3A_1223, %add3A_1221, %add3A_1217 : vector<16xi1>, vector<16xi32>
        %add3A_1226 = arith.constant 2 : i32
        %add3A_1227 = vector.broadcast %add3A_1226 : i32 to vector<16xi32>
        %add3A_1228 = arith.addi %mul3A_1214, %add3A_1227 : vector<16xi32>
        %gather3A_1229 = tpu.vector_load_idx %arg7[%add3A_1228, %iota3A] : memref<64x16xf32, #tpu.memory_space<vmem>>[vector<16xi32>, vector<16xi32>], vector<16xf32>,
        %gt3A_1230 = arith.cmpf ogt, %gather3A_1229, %select_n3A_1224 : vector<16xf32>
        %select_n3A_1231 = arith.select %gt3A_1230, %gather3A_1229, %select_n3A_1224 : vector<16xi1>, vector<16xf32>
        %select_n3A_1232 = arith.select %gt3A_1230, %add3A_1228, %select_n3A_1225 : vector<16xi1>, vector<16xi32>
        %add3A_1233 = arith.constant 3 : i32
        %add3A_1234 = vector.broadcast %add3A_1233 : i32 to vector<16xi32>
        %add3A_1235 = arith.addi %mul3A_1214, %add3A_1234 : vector<16xi32>
        %gather3A_1236 = tpu.vector_load_idx %arg7[%add3A_1235, %iota3A] : memref<64x16xf32, #tpu.memory_space<vmem>>[vector<16xi32>, vector<16xi32>], vector<16xf32>,
        %gt3A_1237 = arith.cmpf ogt, %gather3A_1236, %select_n3A_1231 : vector<16xf32>
        %select_n3A_1238 = arith.select %gt3A_1237, %gather3A_1236, %select_n3A_1231 : vector<16xi1>, vector<16xf32>
        %select_n3A_1239 = arith.select %gt3A_1237, %add3A_1235, %select_n3A_1232 : vector<16xi1>, vector<16xi32>
        %add3A_1240 = arith.constant 4 : i32
        %add3A_1241 = vector.broadcast %add3A_1240 : i32 to vector<16xi32>
        %add3A_1242 = arith.addi %mul3A_1214, %add3A_1241 : vector<16xi32>
        %gather3A_1243 = tpu.vector_load_idx %arg7[%add3A_1242, %iota3A] : memref<64x16xf32, #tpu.memory_space<vmem>>[vector<16xi32>, vector<16xi32>], vector<16xf32>,
        %gt3A_1244 = arith.cmpf ogt, %gather3A_1243, %select_n3A_1238 : vector<16xf32>
        %select_n3A_1245 = arith.select %gt3A_1244, %gather3A_1243, %select_n3A_1238 : vector<16xi1>, vector<16xf32>
        %select_n3A_1246 = arith.select %gt3A_1244, %add3A_1242, %select_n3A_1239 : vector<16xi1>, vector<16xi32>
        %add3A_1247 = arith.constant 5 : i32
        %add3A_1248 = vector.broadcast %add3A_1247 : i32 to vector<16xi32>
        %add3A_1249 = arith.addi %mul3A_1214, %add3A_1248 : vector<16xi32>
        %gather3A_1250 = tpu.vector_load_idx %arg7[%add3A_1249, %iota3A] : memref<64x16xf32, #tpu.memory_space<vmem>>[vector<16xi32>, vector<16xi32>], vector<16xf32>,
        %gt3A_1251 = arith.cmpf ogt, %gather3A_1250, %select_n3A_1245 : vector<16xf32>
        %select_n3A_1252 = arith.select %gt3A_1251, %gather3A_1250, %select_n3A_1245 : vector<16xi1>, vector<16xf32>
        %select_n3A_1253 = arith.select %gt3A_1251, %add3A_1249, %select_n3A_1246 : vector<16xi1>, vector<16xi32>
        %add3A_1254 = arith.constant 6 : i32
        %add3A_1255 = vector.broadcast %add3A_1254 : i32 to vector<16xi32>
        %add3A_1256 = arith.addi %mul3A_1214, %add3A_1255 : vector<16xi32>
        %gather3A_1257 = tpu.vector_load_idx %arg7[%add3A_1256, %iota3A] : memref<64x16xf32, #tpu.memory_space<vmem>>[vector<16xi32>, vector<16xi32>], vector<16xf32>,
        %gt3A_1258 = arith.cmpf ogt, %gather3A_1257, %select_n3A_1252 : vector<16xf32>
        %select_n3A_1259 = arith.select %gt3A_1258, %gather3A_1257, %select_n3A_1252 : vector<16xi1>, vector<16xf32>
        %select_n3A_1260 = arith.select %gt3A_1258, %add3A_1256, %select_n3A_1253 : vector<16xi1>, vector<16xi32>
        %add3A_1261 = arith.constant 7 : i32
        %add3A_1262 = vector.broadcast %add3A_1261 : i32 to vector<16xi32>
        %add3A_1263 = arith.addi %mul3A_1214, %add3A_1262 : vector<16xi32>
        %gather3A_1264 = tpu.vector_load_idx %arg7[%add3A_1263, %iota3A] : memref<64x16xf32, #tpu.memory_space<vmem>>[vector<16xi32>, vector<16xi32>], vector<16xf32>,
        %gt3A_1265 = arith.cmpf ogt, %gather3A_1264, %select_n3A_1259 : vector<16xf32>
        %select_n3A_1266 = arith.select %gt3A_1265, %gather3A_1264, %select_n3A_1259 : vector<16xi1>, vector<16xf32>
        %select_n3A_1267 = arith.select %gt3A_1265, %add3A_1263, %select_n3A_1260 : vector<16xi1>, vector<16xi32>
        %eq3A_1268 = arith.cmpi eq, %select_n3A_1209, %broadcast_in_dim3A_1058 : vector<16xi32>
        %select_n3A_1269 = arith.select %eq3A_1268, %select_n3A_1266, %select_n3A_1159 : vector<16xi1>, vector<16xf32>
        %select_n3A_1270 = arith.select %eq3A_1268, %select_n3A_1267, %select_n3A_1160 : vector<16xi1>, vector<16xi32>
        %eq3A_1271 = arith.cmpi eq, %select_n3A_1209, %broadcast_in_dim3A_1060 : vector<16xi32>
        %select_n3A_1272 = arith.select %eq3A_1271, %select_n3A_1266, %select_n3A_1162 : vector<16xi1>, vector<16xf32>
        %select_n3A_1273 = arith.select %eq3A_1271, %select_n3A_1267, %select_n3A_1163 : vector<16xi1>, vector<16xi32>
        %eq3A_1274 = arith.cmpi eq, %select_n3A_1209, %broadcast_in_dim3A_1062 : vector<16xi32>
        %select_n3A_1275 = arith.select %eq3A_1274, %select_n3A_1266, %select_n3A_1165 : vector<16xi1>, vector<16xf32>
        %select_n3A_1276 = arith.select %eq3A_1274, %select_n3A_1267, %select_n3A_1166 : vector<16xi1>, vector<16xi32>
        %eq3A_1277 = arith.cmpi eq, %select_n3A_1209, %broadcast_in_dim3A_1064 : vector<16xi32>
        %select_n3A_1278 = arith.select %eq3A_1277, %select_n3A_1266, %select_n3A_1168 : vector<16xi1>, vector<16xf32>
        %select_n3A_1279 = arith.select %eq3A_1277, %select_n3A_1267, %select_n3A_1169 : vector<16xi1>, vector<16xi32>
        %eq3A_1280 = arith.cmpi eq, %select_n3A_1209, %broadcast_in_dim3A_1066 : vector<16xi32>
        %select_n3A_1281 = arith.select %eq3A_1280, %select_n3A_1266, %select_n3A_1171 : vector<16xi1>, vector<16xf32>
        %select_n3A_1282 = arith.select %eq3A_1280, %select_n3A_1267, %select_n3A_1172 : vector<16xi1>, vector<16xi32>
        %eq3A_1283 = arith.cmpi eq, %select_n3A_1209, %broadcast_in_dim3A_1068 : vector<16xi32>
        %select_n3A_1284 = arith.select %eq3A_1283, %select_n3A_1266, %select_n3A_1174 : vector<16xi1>, vector<16xf32>
        %select_n3A_1285 = arith.select %eq3A_1283, %select_n3A_1267, %select_n3A_1175 : vector<16xi1>, vector<16xi32>
        %eq3A_1286 = arith.cmpi eq, %select_n3A_1209, %broadcast_in_dim3A_1070 : vector<16xi32>
        %select_n3A_1287 = arith.select %eq3A_1286, %select_n3A_1266, %select_n3A_1177 : vector<16xi1>, vector<16xf32>
        %select_n3A_1288 = arith.select %eq3A_1286, %select_n3A_1267, %select_n3A_1178 : vector<16xi1>, vector<16xi32>
        %eq3A_1289 = arith.cmpi eq, %select_n3A_1209, %broadcast_in_dim3A_1072 : vector<16xi32>
        %select_n3A_1290 = arith.select %eq3A_1289, %select_n3A_1266, %select_n3A_1180 : vector<16xi1>, vector<16xf32>
        %select_n3A_1291 = arith.select %eq3A_1289, %select_n3A_1267, %select_n3A_1181 : vector<16xi1>, vector<16xi32>
        %gt3A_1292 = arith.cmpf ogt, %select_n3A_1272, %select_n3A_1269 : vector<16xf32>
        %select_n3A_1293 = arith.select %gt3A_1292, %select_n3A_1272, %select_n3A_1269 : vector<16xi1>, vector<16xf32>
        %select_n3A_1294 = arith.select %gt3A_1292, %select_n3A_1273, %select_n3A_1270 : vector<16xi1>, vector<16xi32>
        %select_n3A_1295 = arith.select %gt3A_1292, %broadcast_in_dim3A_1060, %broadcast_in_dim3A_1058 : vector<16xi1>, vector<16xi32>
        %gt3A_1296 = arith.cmpf ogt, %select_n3A_1278, %select_n3A_1275 : vector<16xf32>
        %select_n3A_1297 = arith.select %gt3A_1296, %select_n3A_1278, %select_n3A_1275 : vector<16xi1>, vector<16xf32>
        %select_n3A_1298 = arith.select %gt3A_1296, %select_n3A_1279, %select_n3A_1276 : vector<16xi1>, vector<16xi32>
        %select_n3A_1299 = arith.select %gt3A_1296, %broadcast_in_dim3A_1064, %broadcast_in_dim3A_1062 : vector<16xi1>, vector<16xi32>
        %gt3A_1300 = arith.cmpf ogt, %select_n3A_1284, %select_n3A_1281 : vector<16xf32>
        %select_n3A_1301 = arith.select %gt3A_1300, %select_n3A_1284, %select_n3A_1281 : vector<16xi1>, vector<16xf32>
        %select_n3A_1302 = arith.select %gt3A_1300, %select_n3A_1285, %select_n3A_1282 : vector<16xi1>, vector<16xi32>
        %select_n3A_1303 = arith.select %gt3A_1300, %broadcast_in_dim3A_1068, %broadcast_in_dim3A_1066 : vector<16xi1>, vector<16xi32>
        %gt3A_1304 = arith.cmpf ogt, %select_n3A_1290, %select_n3A_1287 : vector<16xf32>
        %select_n3A_1305 = arith.select %gt3A_1304, %select_n3A_1290, %select_n3A_1287 : vector<16xi1>, vector<16xf32>
        %select_n3A_1306 = arith.select %gt3A_1304, %select_n3A_1291, %select_n3A_1288 : vector<16xi1>, vector<16xi32>
        %select_n3A_1307 = arith.select %gt3A_1304, %broadcast_in_dim3A_1072, %broadcast_in_dim3A_1070 : vector<16xi1>, vector<16xi32>
        %gt3A_1308 = arith.cmpf ogt, %select_n3A_1297, %select_n3A_1293 : vector<16xf32>
        %select_n3A_1309 = arith.select %gt3A_1308, %select_n3A_1297, %select_n3A_1293 : vector<16xi1>, vector<16xf32>
        %select_n3A_1310 = arith.select %gt3A_1308, %select_n3A_1298, %select_n3A_1294 : vector<16xi1>, vector<16xi32>
        %select_n3A_1311 = arith.select %gt3A_1308, %select_n3A_1299, %select_n3A_1295 : vector<16xi1>, vector<16xi32>
        %gt3A_1312 = arith.cmpf ogt, %select_n3A_1305, %select_n3A_1301 : vector<16xf32>
        %select_n3A_1313 = arith.select %gt3A_1312, %select_n3A_1305, %select_n3A_1301 : vector<16xi1>, vector<16xf32>
        %select_n3A_1314 = arith.select %gt3A_1312, %select_n3A_1306, %select_n3A_1302 : vector<16xi1>, vector<16xi32>
        %select_n3A_1315 = arith.select %gt3A_1312, %select_n3A_1307, %select_n3A_1303 : vector<16xi1>, vector<16xi32>
        %gt3A_1316 = arith.cmpf ogt, %select_n3A_1313, %select_n3A_1309 : vector<16xf32>
        %select_n3A_1317 = arith.select %gt3A_1316, %select_n3A_1313, %select_n3A_1309 : vector<16xi1>, vector<16xf32>
        %select_n3A_1318 = arith.select %gt3A_1316, %select_n3A_1314, %select_n3A_1310 : vector<16xi1>, vector<16xi32>
        %select_n3A_1319 = arith.select %gt3A_1316, %select_n3A_1315, %select_n3A_1311 : vector<16xi1>, vector<16xi32>
        %gather3A_1320 = tpu.vector_load_idx %arg8[%broadcast_in_dim3A_1, %select_n3A_1318] : memref<1x64xf32, #tpu.memory_space<vmem>>[vector<16xi32>, vector<16xi32>], vector<16xf32>,
        %sub3A_1321 = arith.subf %select_n3A_1317, %gather3A_1320 : vector<16xf32>
        tpu.vector_store_idx %arg7[%select_n3A_1318, %iota3A], %broadcast_in_dim3A_3 : memref<64x16xf32, #tpu.memory_space<vmem>>[vector<16xi32>, vector<16xi32>], vector<16xf32>,
        %mul3A_1322 = arith.constant 8 : i32
        %mul3A_1323 = vector.broadcast %mul3A_1322 : i32 to vector<16xi32>
        %mul3A_1324 = arith.muli %select_n3A_1319, %mul3A_1323 : vector<16xi32>
        %add3A_1325 = arith.constant 0 : i32
        %add3A_1326 = vector.broadcast %add3A_1325 : i32 to vector<16xi32>
        %add3A_1327 = arith.addi %mul3A_1324, %add3A_1326 : vector<16xi32>
        %gather3A_1328 = tpu.vector_load_idx %arg7[%add3A_1327, %iota3A] : memref<64x16xf32, #tpu.memory_space<vmem>>[vector<16xi32>, vector<16xi32>], vector<16xf32>,
        %add3A_1329 = arith.constant 1 : i32
        %add3A_1330 = vector.broadcast %add3A_1329 : i32 to vector<16xi32>
        %add3A_1331 = arith.addi %mul3A_1324, %add3A_1330 : vector<16xi32>
        %gather3A_1332 = tpu.vector_load_idx %arg7[%add3A_1331, %iota3A] : memref<64x16xf32, #tpu.memory_space<vmem>>[vector<16xi32>, vector<16xi32>], vector<16xf32>,
        %gt3A_1333 = arith.cmpf ogt, %gather3A_1332, %gather3A_1328 : vector<16xf32>
        %select_n3A_1334 = arith.select %gt3A_1333, %gather3A_1332, %gather3A_1328 : vector<16xi1>, vector<16xf32>
        %select_n3A_1335 = arith.select %gt3A_1333, %add3A_1331, %add3A_1327 : vector<16xi1>, vector<16xi32>
        %add3A_1336 = arith.constant 2 : i32
        %add3A_1337 = vector.broadcast %add3A_1336 : i32 to vector<16xi32>
        %add3A_1338 = arith.addi %mul3A_1324, %add3A_1337 : vector<16xi32>
        %gather3A_1339 = tpu.vector_load_idx %arg7[%add3A_1338, %iota3A] : memref<64x16xf32, #tpu.memory_space<vmem>>[vector<16xi32>, vector<16xi32>], vector<16xf32>,
        %gt3A_1340 = arith.cmpf ogt, %gather3A_1339, %select_n3A_1334 : vector<16xf32>
        %select_n3A_1341 = arith.select %gt3A_1340, %gather3A_1339, %select_n3A_1334 : vector<16xi1>, vector<16xf32>
        %select_n3A_1342 = arith.select %gt3A_1340, %add3A_1338, %select_n3A_1335 : vector<16xi1>, vector<16xi32>
        %add3A_1343 = arith.constant 3 : i32
        %add3A_1344 = vector.broadcast %add3A_1343 : i32 to vector<16xi32>
        %add3A_1345 = arith.addi %mul3A_1324, %add3A_1344 : vector<16xi32>
        %gather3A_1346 = tpu.vector_load_idx %arg7[%add3A_1345, %iota3A] : memref<64x16xf32, #tpu.memory_space<vmem>>[vector<16xi32>, vector<16xi32>], vector<16xf32>,
        %gt3A_1347 = arith.cmpf ogt, %gather3A_1346, %select_n3A_1341 : vector<16xf32>
        %select_n3A_1348 = arith.select %gt3A_1347, %gather3A_1346, %select_n3A_1341 : vector<16xi1>, vector<16xf32>
        %select_n3A_1349 = arith.select %gt3A_1347, %add3A_1345, %select_n3A_1342 : vector<16xi1>, vector<16xi32>
        %add3A_1350 = arith.constant 4 : i32
        %add3A_1351 = vector.broadcast %add3A_1350 : i32 to vector<16xi32>
        %add3A_1352 = arith.addi %mul3A_1324, %add3A_1351 : vector<16xi32>
        %gather3A_1353 = tpu.vector_load_idx %arg7[%add3A_1352, %iota3A] : memref<64x16xf32, #tpu.memory_space<vmem>>[vector<16xi32>, vector<16xi32>], vector<16xf32>,
        %gt3A_1354 = arith.cmpf ogt, %gather3A_1353, %select_n3A_1348 : vector<16xf32>
        %select_n3A_1355 = arith.select %gt3A_1354, %gather3A_1353, %select_n3A_1348 : vector<16xi1>, vector<16xf32>
        %select_n3A_1356 = arith.select %gt3A_1354, %add3A_1352, %select_n3A_1349 : vector<16xi1>, vector<16xi32>
        %add3A_1357 = arith.constant 5 : i32
        %add3A_1358 = vector.broadcast %add3A_1357 : i32 to vector<16xi32>
        %add3A_1359 = arith.addi %mul3A_1324, %add3A_1358 : vector<16xi32>
        %gather3A_1360 = tpu.vector_load_idx %arg7[%add3A_1359, %iota3A] : memref<64x16xf32, #tpu.memory_space<vmem>>[vector<16xi32>, vector<16xi32>], vector<16xf32>,
        %gt3A_1361 = arith.cmpf ogt, %gather3A_1360, %select_n3A_1355 : vector<16xf32>
        %select_n3A_1362 = arith.select %gt3A_1361, %gather3A_1360, %select_n3A_1355 : vector<16xi1>, vector<16xf32>
        %select_n3A_1363 = arith.select %gt3A_1361, %add3A_1359, %select_n3A_1356 : vector<16xi1>, vector<16xi32>
        %add3A_1364 = arith.constant 6 : i32
        %add3A_1365 = vector.broadcast %add3A_1364 : i32 to vector<16xi32>
        %add3A_1366 = arith.addi %mul3A_1324, %add3A_1365 : vector<16xi32>
        %gather3A_1367 = tpu.vector_load_idx %arg7[%add3A_1366, %iota3A] : memref<64x16xf32, #tpu.memory_space<vmem>>[vector<16xi32>, vector<16xi32>], vector<16xf32>,
        %gt3A_1368 = arith.cmpf ogt, %gather3A_1367, %select_n3A_1362 : vector<16xf32>
        %select_n3A_1369 = arith.select %gt3A_1368, %gather3A_1367, %select_n3A_1362 : vector<16xi1>, vector<16xf32>
        %select_n3A_1370 = arith.select %gt3A_1368, %add3A_1366, %select_n3A_1363 : vector<16xi1>, vector<16xi32>
        %add3A_1371 = arith.constant 7 : i32
        %add3A_1372 = vector.broadcast %add3A_1371 : i32 to vector<16xi32>
        %add3A_1373 = arith.addi %mul3A_1324, %add3A_1372 : vector<16xi32>
        %gather3A_1374 = tpu.vector_load_idx %arg7[%add3A_1373, %iota3A] : memref<64x16xf32, #tpu.memory_space<vmem>>[vector<16xi32>, vector<16xi32>], vector<16xf32>,
        %gt3A_1375 = arith.cmpf ogt, %gather3A_1374, %select_n3A_1369 : vector<16xf32>
        %select_n3A_1376 = arith.select %gt3A_1375, %gather3A_1374, %select_n3A_1369 : vector<16xi1>, vector<16xf32>
        %select_n3A_1377 = arith.select %gt3A_1375, %add3A_1373, %select_n3A_1370 : vector<16xi1>, vector<16xi32>
        %eq3A_1378 = arith.cmpi eq, %select_n3A_1319, %broadcast_in_dim3A_1058 : vector<16xi32>
        %select_n3A_1379 = arith.select %eq3A_1378, %select_n3A_1376, %select_n3A_1269 : vector<16xi1>, vector<16xf32>
        %select_n3A_1380 = arith.select %eq3A_1378, %select_n3A_1377, %select_n3A_1270 : vector<16xi1>, vector<16xi32>
        %eq3A_1381 = arith.cmpi eq, %select_n3A_1319, %broadcast_in_dim3A_1060 : vector<16xi32>
        %select_n3A_1382 = arith.select %eq3A_1381, %select_n3A_1376, %select_n3A_1272 : vector<16xi1>, vector<16xf32>
        %select_n3A_1383 = arith.select %eq3A_1381, %select_n3A_1377, %select_n3A_1273 : vector<16xi1>, vector<16xi32>
        %eq3A_1384 = arith.cmpi eq, %select_n3A_1319, %broadcast_in_dim3A_1062 : vector<16xi32>
        %select_n3A_1385 = arith.select %eq3A_1384, %select_n3A_1376, %select_n3A_1275 : vector<16xi1>, vector<16xf32>
        %select_n3A_1386 = arith.select %eq3A_1384, %select_n3A_1377, %select_n3A_1276 : vector<16xi1>, vector<16xi32>
        %eq3A_1387 = arith.cmpi eq, %select_n3A_1319, %broadcast_in_dim3A_1064 : vector<16xi32>
        %select_n3A_1388 = arith.select %eq3A_1387, %select_n3A_1376, %select_n3A_1278 : vector<16xi1>, vector<16xf32>
        %select_n3A_1389 = arith.select %eq3A_1387, %select_n3A_1377, %select_n3A_1279 : vector<16xi1>, vector<16xi32>
        %eq3A_1390 = arith.cmpi eq, %select_n3A_1319, %broadcast_in_dim3A_1066 : vector<16xi32>
        %select_n3A_1391 = arith.select %eq3A_1390, %select_n3A_1376, %select_n3A_1281 : vector<16xi1>, vector<16xf32>
        %select_n3A_1392 = arith.select %eq3A_1390, %select_n3A_1377, %select_n3A_1282 : vector<16xi1>, vector<16xi32>
        %eq3A_1393 = arith.cmpi eq, %select_n3A_1319, %broadcast_in_dim3A_1068 : vector<16xi32>
        %select_n3A_1394 = arith.select %eq3A_1393, %select_n3A_1376, %select_n3A_1284 : vector<16xi1>, vector<16xf32>
        %select_n3A_1395 = arith.select %eq3A_1393, %select_n3A_1377, %select_n3A_1285 : vector<16xi1>, vector<16xi32>
        %eq3A_1396 = arith.cmpi eq, %select_n3A_1319, %broadcast_in_dim3A_1070 : vector<16xi32>
        %select_n3A_1397 = arith.select %eq3A_1396, %select_n3A_1376, %select_n3A_1287 : vector<16xi1>, vector<16xf32>
        %select_n3A_1398 = arith.select %eq3A_1396, %select_n3A_1377, %select_n3A_1288 : vector<16xi1>, vector<16xi32>
        %eq3A_1399 = arith.cmpi eq, %select_n3A_1319, %broadcast_in_dim3A_1072 : vector<16xi32>
        %select_n3A_1400 = arith.select %eq3A_1399, %select_n3A_1376, %select_n3A_1290 : vector<16xi1>, vector<16xf32>
        %select_n3A_1401 = arith.select %eq3A_1399, %select_n3A_1377, %select_n3A_1291 : vector<16xi1>, vector<16xi32>
        %gt3A_1402 = arith.cmpf ogt, %select_n3A_1382, %select_n3A_1379 : vector<16xf32>
        %select_n3A_1403 = arith.select %gt3A_1402, %select_n3A_1382, %select_n3A_1379 : vector<16xi1>, vector<16xf32>
        %select_n3A_1404 = arith.select %gt3A_1402, %select_n3A_1383, %select_n3A_1380 : vector<16xi1>, vector<16xi32>
        %select_n3A_1405 = arith.select %gt3A_1402, %broadcast_in_dim3A_1060, %broadcast_in_dim3A_1058 : vector<16xi1>, vector<16xi32>
        %gt3A_1406 = arith.cmpf ogt, %select_n3A_1388, %select_n3A_1385 : vector<16xf32>
        %select_n3A_1407 = arith.select %gt3A_1406, %select_n3A_1388, %select_n3A_1385 : vector<16xi1>, vector<16xf32>
        %select_n3A_1408 = arith.select %gt3A_1406, %select_n3A_1389, %select_n3A_1386 : vector<16xi1>, vector<16xi32>
        %select_n3A_1409 = arith.select %gt3A_1406, %broadcast_in_dim3A_1064, %broadcast_in_dim3A_1062 : vector<16xi1>, vector<16xi32>
        %gt3A_1410 = arith.cmpf ogt, %select_n3A_1394, %select_n3A_1391 : vector<16xf32>
        %select_n3A_1411 = arith.select %gt3A_1410, %select_n3A_1394, %select_n3A_1391 : vector<16xi1>, vector<16xf32>
        %select_n3A_1412 = arith.select %gt3A_1410, %select_n3A_1395, %select_n3A_1392 : vector<16xi1>, vector<16xi32>
        %select_n3A_1413 = arith.select %gt3A_1410, %broadcast_in_dim3A_1068, %broadcast_in_dim3A_1066 : vector<16xi1>, vector<16xi32>
        %gt3A_1414 = arith.cmpf ogt, %select_n3A_1400, %select_n3A_1397 : vector<16xf32>
        %select_n3A_1415 = arith.select %gt3A_1414, %select_n3A_1400, %select_n3A_1397 : vector<16xi1>, vector<16xf32>
        %select_n3A_1416 = arith.select %gt3A_1414, %select_n3A_1401, %select_n3A_1398 : vector<16xi1>, vector<16xi32>
        %select_n3A_1417 = arith.select %gt3A_1414, %broadcast_in_dim3A_1072, %broadcast_in_dim3A_1070 : vector<16xi1>, vector<16xi32>
        %gt3A_1418 = arith.cmpf ogt, %select_n3A_1407, %select_n3A_1403 : vector<16xf32>
        %select_n3A_1419 = arith.select %gt3A_1418, %select_n3A_1407, %select_n3A_1403 : vector<16xi1>, vector<16xf32>
        %select_n3A_1420 = arith.select %gt3A_1418, %select_n3A_1408, %select_n3A_1404 : vector<16xi1>, vector<16xi32>
        %select_n3A_1421 = arith.select %gt3A_1418, %select_n3A_1409, %select_n3A_1405 : vector<16xi1>, vector<16xi32>
        %gt3A_1422 = arith.cmpf ogt, %select_n3A_1415, %select_n3A_1411 : vector<16xf32>
        %select_n3A_1423 = arith.select %gt3A_1422, %select_n3A_1415, %select_n3A_1411 : vector<16xi1>, vector<16xf32>
        %select_n3A_1424 = arith.select %gt3A_1422, %select_n3A_1416, %select_n3A_1412 : vector<16xi1>, vector<16xi32>
        %select_n3A_1425 = arith.select %gt3A_1422, %select_n3A_1417, %select_n3A_1413 : vector<16xi1>, vector<16xi32>
        %gt3A_1426 = arith.cmpf ogt, %select_n3A_1423, %select_n3A_1419 : vector<16xf32>
        %select_n3A_1427 = arith.select %gt3A_1426, %select_n3A_1423, %select_n3A_1419 : vector<16xi1>, vector<16xf32>
        %select_n3A_1428 = arith.select %gt3A_1426, %select_n3A_1424, %select_n3A_1420 : vector<16xi1>, vector<16xi32>
        %select_n3A_1429 = arith.select %gt3A_1426, %select_n3A_1425, %select_n3A_1421 : vector<16xi1>, vector<16xi32>
        %gather3A_1430 = tpu.vector_load_idx %arg8[%broadcast_in_dim3A_1, %select_n3A_1428] : memref<1x64xf32, #tpu.memory_space<vmem>>[vector<16xi32>, vector<16xi32>], vector<16xf32>,
        %sub3A_1431 = arith.subf %select_n3A_1427, %gather3A_1430 : vector<16xf32>
        tpu.vector_store_idx %arg7[%select_n3A_1428, %iota3A], %broadcast_in_dim3A_3 : memref<64x16xf32, #tpu.memory_space<vmem>>[vector<16xi32>, vector<16xi32>], vector<16xf32>,
        %mul3A_1432 = arith.constant 8 : i32
        %mul3A_1433 = vector.broadcast %mul3A_1432 : i32 to vector<16xi32>
        %mul3A_1434 = arith.muli %select_n3A_1429, %mul3A_1433 : vector<16xi32>
        %add3A_1435 = arith.constant 0 : i32
        %add3A_1436 = vector.broadcast %add3A_1435 : i32 to vector<16xi32>
        %add3A_1437 = arith.addi %mul3A_1434, %add3A_1436 : vector<16xi32>
        %gather3A_1438 = tpu.vector_load_idx %arg7[%add3A_1437, %iota3A] : memref<64x16xf32, #tpu.memory_space<vmem>>[vector<16xi32>, vector<16xi32>], vector<16xf32>,
        %add3A_1439 = arith.constant 1 : i32
        %add3A_1440 = vector.broadcast %add3A_1439 : i32 to vector<16xi32>
        %add3A_1441 = arith.addi %mul3A_1434, %add3A_1440 : vector<16xi32>
        %gather3A_1442 = tpu.vector_load_idx %arg7[%add3A_1441, %iota3A] : memref<64x16xf32, #tpu.memory_space<vmem>>[vector<16xi32>, vector<16xi32>], vector<16xf32>,
        %gt3A_1443 = arith.cmpf ogt, %gather3A_1442, %gather3A_1438 : vector<16xf32>
        %select_n3A_1444 = arith.select %gt3A_1443, %gather3A_1442, %gather3A_1438 : vector<16xi1>, vector<16xf32>
        %select_n3A_1445 = arith.select %gt3A_1443, %add3A_1441, %add3A_1437 : vector<16xi1>, vector<16xi32>
        %add3A_1446 = arith.constant 2 : i32
        %add3A_1447 = vector.broadcast %add3A_1446 : i32 to vector<16xi32>
        %add3A_1448 = arith.addi %mul3A_1434, %add3A_1447 : vector<16xi32>
        %gather3A_1449 = tpu.vector_load_idx %arg7[%add3A_1448, %iota3A] : memref<64x16xf32, #tpu.memory_space<vmem>>[vector<16xi32>, vector<16xi32>], vector<16xf32>,
        %gt3A_1450 = arith.cmpf ogt, %gather3A_1449, %select_n3A_1444 : vector<16xf32>
        %select_n3A_1451 = arith.select %gt3A_1450, %gather3A_1449, %select_n3A_1444 : vector<16xi1>, vector<16xf32>
        %select_n3A_1452 = arith.select %gt3A_1450, %add3A_1448, %select_n3A_1445 : vector<16xi1>, vector<16xi32>
        %add3A_1453 = arith.constant 3 : i32
        %add3A_1454 = vector.broadcast %add3A_1453 : i32 to vector<16xi32>
        %add3A_1455 = arith.addi %mul3A_1434, %add3A_1454 : vector<16xi32>
        %gather3A_1456 = tpu.vector_load_idx %arg7[%add3A_1455, %iota3A] : memref<64x16xf32, #tpu.memory_space<vmem>>[vector<16xi32>, vector<16xi32>], vector<16xf32>,
        %gt3A_1457 = arith.cmpf ogt, %gather3A_1456, %select_n3A_1451 : vector<16xf32>
        %select_n3A_1458 = arith.select %gt3A_1457, %gather3A_1456, %select_n3A_1451 : vector<16xi1>, vector<16xf32>
        %select_n3A_1459 = arith.select %gt3A_1457, %add3A_1455, %select_n3A_1452 : vector<16xi1>, vector<16xi32>
        %add3A_1460 = arith.constant 4 : i32
        %add3A_1461 = vector.broadcast %add3A_1460 : i32 to vector<16xi32>
        %add3A_1462 = arith.addi %mul3A_1434, %add3A_1461 : vector<16xi32>
        %gather3A_1463 = tpu.vector_load_idx %arg7[%add3A_1462, %iota3A] : memref<64x16xf32, #tpu.memory_space<vmem>>[vector<16xi32>, vector<16xi32>], vector<16xf32>,
        %gt3A_1464 = arith.cmpf ogt, %gather3A_1463, %select_n3A_1458 : vector<16xf32>
        %select_n3A_1465 = arith.select %gt3A_1464, %gather3A_1463, %select_n3A_1458 : vector<16xi1>, vector<16xf32>
        %select_n3A_1466 = arith.select %gt3A_1464, %add3A_1462, %select_n3A_1459 : vector<16xi1>, vector<16xi32>
        %add3A_1467 = arith.constant 5 : i32
        %add3A_1468 = vector.broadcast %add3A_1467 : i32 to vector<16xi32>
        %add3A_1469 = arith.addi %mul3A_1434, %add3A_1468 : vector<16xi32>
        %gather3A_1470 = tpu.vector_load_idx %arg7[%add3A_1469, %iota3A] : memref<64x16xf32, #tpu.memory_space<vmem>>[vector<16xi32>, vector<16xi32>], vector<16xf32>,
        %gt3A_1471 = arith.cmpf ogt, %gather3A_1470, %select_n3A_1465 : vector<16xf32>
        %select_n3A_1472 = arith.select %gt3A_1471, %gather3A_1470, %select_n3A_1465 : vector<16xi1>, vector<16xf32>
        %select_n3A_1473 = arith.select %gt3A_1471, %add3A_1469, %select_n3A_1466 : vector<16xi1>, vector<16xi32>
        %add3A_1474 = arith.constant 6 : i32
        %add3A_1475 = vector.broadcast %add3A_1474 : i32 to vector<16xi32>
        %add3A_1476 = arith.addi %mul3A_1434, %add3A_1475 : vector<16xi32>
        %gather3A_1477 = tpu.vector_load_idx %arg7[%add3A_1476, %iota3A] : memref<64x16xf32, #tpu.memory_space<vmem>>[vector<16xi32>, vector<16xi32>], vector<16xf32>,
        %gt3A_1478 = arith.cmpf ogt, %gather3A_1477, %select_n3A_1472 : vector<16xf32>
        %select_n3A_1479 = arith.select %gt3A_1478, %gather3A_1477, %select_n3A_1472 : vector<16xi1>, vector<16xf32>
        %select_n3A_1480 = arith.select %gt3A_1478, %add3A_1476, %select_n3A_1473 : vector<16xi1>, vector<16xi32>
        %add3A_1481 = arith.constant 7 : i32
        %add3A_1482 = vector.broadcast %add3A_1481 : i32 to vector<16xi32>
        %add3A_1483 = arith.addi %mul3A_1434, %add3A_1482 : vector<16xi32>
        %gather3A_1484 = tpu.vector_load_idx %arg7[%add3A_1483, %iota3A] : memref<64x16xf32, #tpu.memory_space<vmem>>[vector<16xi32>, vector<16xi32>], vector<16xf32>,
        %gt3A_1485 = arith.cmpf ogt, %gather3A_1484, %select_n3A_1479 : vector<16xf32>
        %select_n3A_1486 = arith.select %gt3A_1485, %gather3A_1484, %select_n3A_1479 : vector<16xi1>, vector<16xf32>
        %select_n3A_1487 = arith.select %gt3A_1485, %add3A_1483, %select_n3A_1480 : vector<16xi1>, vector<16xi32>
        %eq3A_1488 = arith.cmpi eq, %select_n3A_1429, %broadcast_in_dim3A_1058 : vector<16xi32>
        %select_n3A_1489 = arith.select %eq3A_1488, %select_n3A_1486, %select_n3A_1379 : vector<16xi1>, vector<16xf32>
        %select_n3A_1490 = arith.select %eq3A_1488, %select_n3A_1487, %select_n3A_1380 : vector<16xi1>, vector<16xi32>
        %eq3A_1491 = arith.cmpi eq, %select_n3A_1429, %broadcast_in_dim3A_1060 : vector<16xi32>
        %select_n3A_1492 = arith.select %eq3A_1491, %select_n3A_1486, %select_n3A_1382 : vector<16xi1>, vector<16xf32>
        %select_n3A_1493 = arith.select %eq3A_1491, %select_n3A_1487, %select_n3A_1383 : vector<16xi1>, vector<16xi32>
        %eq3A_1494 = arith.cmpi eq, %select_n3A_1429, %broadcast_in_dim3A_1062 : vector<16xi32>
        %select_n3A_1495 = arith.select %eq3A_1494, %select_n3A_1486, %select_n3A_1385 : vector<16xi1>, vector<16xf32>
        %select_n3A_1496 = arith.select %eq3A_1494, %select_n3A_1487, %select_n3A_1386 : vector<16xi1>, vector<16xi32>
        %eq3A_1497 = arith.cmpi eq, %select_n3A_1429, %broadcast_in_dim3A_1064 : vector<16xi32>
        %select_n3A_1498 = arith.select %eq3A_1497, %select_n3A_1486, %select_n3A_1388 : vector<16xi1>, vector<16xf32>
        %select_n3A_1499 = arith.select %eq3A_1497, %select_n3A_1487, %select_n3A_1389 : vector<16xi1>, vector<16xi32>
        %eq3A_1500 = arith.cmpi eq, %select_n3A_1429, %broadcast_in_dim3A_1066 : vector<16xi32>
        %select_n3A_1501 = arith.select %eq3A_1500, %select_n3A_1486, %select_n3A_1391 : vector<16xi1>, vector<16xf32>
        %select_n3A_1502 = arith.select %eq3A_1500, %select_n3A_1487, %select_n3A_1392 : vector<16xi1>, vector<16xi32>
        %eq3A_1503 = arith.cmpi eq, %select_n3A_1429, %broadcast_in_dim3A_1068 : vector<16xi32>
        %select_n3A_1504 = arith.select %eq3A_1503, %select_n3A_1486, %select_n3A_1394 : vector<16xi1>, vector<16xf32>
        %select_n3A_1505 = arith.select %eq3A_1503, %select_n3A_1487, %select_n3A_1395 : vector<16xi1>, vector<16xi32>
        %eq3A_1506 = arith.cmpi eq, %select_n3A_1429, %broadcast_in_dim3A_1070 : vector<16xi32>
        %select_n3A_1507 = arith.select %eq3A_1506, %select_n3A_1486, %select_n3A_1397 : vector<16xi1>, vector<16xf32>
        %select_n3A_1508 = arith.select %eq3A_1506, %select_n3A_1487, %select_n3A_1398 : vector<16xi1>, vector<16xi32>
        %eq3A_1509 = arith.cmpi eq, %select_n3A_1429, %broadcast_in_dim3A_1072 : vector<16xi32>
        %select_n3A_1510 = arith.select %eq3A_1509, %select_n3A_1486, %select_n3A_1400 : vector<16xi1>, vector<16xf32>
        %select_n3A_1511 = arith.select %eq3A_1509, %select_n3A_1487, %select_n3A_1401 : vector<16xi1>, vector<16xi32>
        %gt3A_1512 = arith.cmpf ogt, %select_n3A_1492, %select_n3A_1489 : vector<16xf32>
        %select_n3A_1513 = arith.select %gt3A_1512, %select_n3A_1492, %select_n3A_1489 : vector<16xi1>, vector<16xf32>
        %select_n3A_1514 = arith.select %gt3A_1512, %select_n3A_1493, %select_n3A_1490 : vector<16xi1>, vector<16xi32>
        %select_n3A_1515 = arith.select %gt3A_1512, %broadcast_in_dim3A_1060, %broadcast_in_dim3A_1058 : vector<16xi1>, vector<16xi32>
        %gt3A_1516 = arith.cmpf ogt, %select_n3A_1498, %select_n3A_1495 : vector<16xf32>
        %select_n3A_1517 = arith.select %gt3A_1516, %select_n3A_1498, %select_n3A_1495 : vector<16xi1>, vector<16xf32>
        %select_n3A_1518 = arith.select %gt3A_1516, %select_n3A_1499, %select_n3A_1496 : vector<16xi1>, vector<16xi32>
        %select_n3A_1519 = arith.select %gt3A_1516, %broadcast_in_dim3A_1064, %broadcast_in_dim3A_1062 : vector<16xi1>, vector<16xi32>
        %gt3A_1520 = arith.cmpf ogt, %select_n3A_1504, %select_n3A_1501 : vector<16xf32>
        %select_n3A_1521 = arith.select %gt3A_1520, %select_n3A_1504, %select_n3A_1501 : vector<16xi1>, vector<16xf32>
        %select_n3A_1522 = arith.select %gt3A_1520, %select_n3A_1505, %select_n3A_1502 : vector<16xi1>, vector<16xi32>
        %select_n3A_1523 = arith.select %gt3A_1520, %broadcast_in_dim3A_1068, %broadcast_in_dim3A_1066 : vector<16xi1>, vector<16xi32>
        %gt3A_1524 = arith.cmpf ogt, %select_n3A_1510, %select_n3A_1507 : vector<16xf32>
        %select_n3A_1525 = arith.select %gt3A_1524, %select_n3A_1510, %select_n3A_1507 : vector<16xi1>, vector<16xf32>
        %select_n3A_1526 = arith.select %gt3A_1524, %select_n3A_1511, %select_n3A_1508 : vector<16xi1>, vector<16xi32>
        %select_n3A_1527 = arith.select %gt3A_1524, %broadcast_in_dim3A_1072, %broadcast_in_dim3A_1070 : vector<16xi1>, vector<16xi32>
        %gt3A_1528 = arith.cmpf ogt, %select_n3A_1517, %select_n3A_1513 : vector<16xf32>
        %select_n3A_1529 = arith.select %gt3A_1528, %select_n3A_1517, %select_n3A_1513 : vector<16xi1>, vector<16xf32>
        %select_n3A_1530 = arith.select %gt3A_1528, %select_n3A_1518, %select_n3A_1514 : vector<16xi1>, vector<16xi32>
        %select_n3A_1531 = arith.select %gt3A_1528, %select_n3A_1519, %select_n3A_1515 : vector<16xi1>, vector<16xi32>
        %gt3A_1532 = arith.cmpf ogt, %select_n3A_1525, %select_n3A_1521 : vector<16xf32>
        %select_n3A_1533 = arith.select %gt3A_1532, %select_n3A_1525, %select_n3A_1521 : vector<16xi1>, vector<16xf32>
        %select_n3A_1534 = arith.select %gt3A_1532, %select_n3A_1526, %select_n3A_1522 : vector<16xi1>, vector<16xi32>
        %select_n3A_1535 = arith.select %gt3A_1532, %select_n3A_1527, %select_n3A_1523 : vector<16xi1>, vector<16xi32>
        %gt3A_1536 = arith.cmpf ogt, %select_n3A_1533, %select_n3A_1529 : vector<16xf32>
        %select_n3A_1537 = arith.select %gt3A_1536, %select_n3A_1533, %select_n3A_1529 : vector<16xi1>, vector<16xf32>
        %select_n3A_1538 = arith.select %gt3A_1536, %select_n3A_1534, %select_n3A_1530 : vector<16xi1>, vector<16xi32>
        %select_n3A_1539 = arith.select %gt3A_1536, %select_n3A_1535, %select_n3A_1531 : vector<16xi1>, vector<16xi32>
        %gather3A_1540 = tpu.vector_load_idx %arg8[%broadcast_in_dim3A_1, %select_n3A_1538] : memref<1x64xf32, #tpu.memory_space<vmem>>[vector<16xi32>, vector<16xi32>], vector<16xf32>,
        %sub3A_1541 = arith.subf %select_n3A_1537, %gather3A_1540 : vector<16xf32>
        tpu.vector_store_idx %arg7[%select_n3A_1538, %iota3A], %broadcast_in_dim3A_3 : memref<64x16xf32, #tpu.memory_space<vmem>>[vector<16xi32>, vector<16xi32>], vector<16xf32>,
        %mul3A_1542 = arith.constant 8 : i32
        %mul3A_1543 = vector.broadcast %mul3A_1542 : i32 to vector<16xi32>
        %mul3A_1544 = arith.muli %select_n3A_1539, %mul3A_1543 : vector<16xi32>
        %add3A_1545 = arith.constant 0 : i32
        %add3A_1546 = vector.broadcast %add3A_1545 : i32 to vector<16xi32>
        %add3A_1547 = arith.addi %mul3A_1544, %add3A_1546 : vector<16xi32>
        %gather3A_1548 = tpu.vector_load_idx %arg7[%add3A_1547, %iota3A] : memref<64x16xf32, #tpu.memory_space<vmem>>[vector<16xi32>, vector<16xi32>], vector<16xf32>,
        %add3A_1549 = arith.constant 1 : i32
        %add3A_1550 = vector.broadcast %add3A_1549 : i32 to vector<16xi32>
        %add3A_1551 = arith.addi %mul3A_1544, %add3A_1550 : vector<16xi32>
        %gather3A_1552 = tpu.vector_load_idx %arg7[%add3A_1551, %iota3A] : memref<64x16xf32, #tpu.memory_space<vmem>>[vector<16xi32>, vector<16xi32>], vector<16xf32>,
        %gt3A_1553 = arith.cmpf ogt, %gather3A_1552, %gather3A_1548 : vector<16xf32>
        %select_n3A_1554 = arith.select %gt3A_1553, %gather3A_1552, %gather3A_1548 : vector<16xi1>, vector<16xf32>
        %select_n3A_1555 = arith.select %gt3A_1553, %add3A_1551, %add3A_1547 : vector<16xi1>, vector<16xi32>
        %add3A_1556 = arith.constant 2 : i32
        %add3A_1557 = vector.broadcast %add3A_1556 : i32 to vector<16xi32>
        %add3A_1558 = arith.addi %mul3A_1544, %add3A_1557 : vector<16xi32>
        %gather3A_1559 = tpu.vector_load_idx %arg7[%add3A_1558, %iota3A] : memref<64x16xf32, #tpu.memory_space<vmem>>[vector<16xi32>, vector<16xi32>], vector<16xf32>,
        %gt3A_1560 = arith.cmpf ogt, %gather3A_1559, %select_n3A_1554 : vector<16xf32>
        %select_n3A_1561 = arith.select %gt3A_1560, %gather3A_1559, %select_n3A_1554 : vector<16xi1>, vector<16xf32>
        %select_n3A_1562 = arith.select %gt3A_1560, %add3A_1558, %select_n3A_1555 : vector<16xi1>, vector<16xi32>
        %add3A_1563 = arith.constant 3 : i32
        %add3A_1564 = vector.broadcast %add3A_1563 : i32 to vector<16xi32>
        %add3A_1565 = arith.addi %mul3A_1544, %add3A_1564 : vector<16xi32>
        %gather3A_1566 = tpu.vector_load_idx %arg7[%add3A_1565, %iota3A] : memref<64x16xf32, #tpu.memory_space<vmem>>[vector<16xi32>, vector<16xi32>], vector<16xf32>,
        %gt3A_1567 = arith.cmpf ogt, %gather3A_1566, %select_n3A_1561 : vector<16xf32>
        %select_n3A_1568 = arith.select %gt3A_1567, %gather3A_1566, %select_n3A_1561 : vector<16xi1>, vector<16xf32>
        %select_n3A_1569 = arith.select %gt3A_1567, %add3A_1565, %select_n3A_1562 : vector<16xi1>, vector<16xi32>
        %add3A_1570 = arith.constant 4 : i32
        %add3A_1571 = vector.broadcast %add3A_1570 : i32 to vector<16xi32>
        %add3A_1572 = arith.addi %mul3A_1544, %add3A_1571 : vector<16xi32>
        %gather3A_1573 = tpu.vector_load_idx %arg7[%add3A_1572, %iota3A] : memref<64x16xf32, #tpu.memory_space<vmem>>[vector<16xi32>, vector<16xi32>], vector<16xf32>,
        %gt3A_1574 = arith.cmpf ogt, %gather3A_1573, %select_n3A_1568 : vector<16xf32>
        %select_n3A_1575 = arith.select %gt3A_1574, %gather3A_1573, %select_n3A_1568 : vector<16xi1>, vector<16xf32>
        %select_n3A_1576 = arith.select %gt3A_1574, %add3A_1572, %select_n3A_1569 : vector<16xi1>, vector<16xi32>
        %add3A_1577 = arith.constant 5 : i32
        %add3A_1578 = vector.broadcast %add3A_1577 : i32 to vector<16xi32>
        %add3A_1579 = arith.addi %mul3A_1544, %add3A_1578 : vector<16xi32>
        %gather3A_1580 = tpu.vector_load_idx %arg7[%add3A_1579, %iota3A] : memref<64x16xf32, #tpu.memory_space<vmem>>[vector<16xi32>, vector<16xi32>], vector<16xf32>,
        %gt3A_1581 = arith.cmpf ogt, %gather3A_1580, %select_n3A_1575 : vector<16xf32>
        %select_n3A_1582 = arith.select %gt3A_1581, %gather3A_1580, %select_n3A_1575 : vector<16xi1>, vector<16xf32>
        %select_n3A_1583 = arith.select %gt3A_1581, %add3A_1579, %select_n3A_1576 : vector<16xi1>, vector<16xi32>
        %add3A_1584 = arith.constant 6 : i32
        %add3A_1585 = vector.broadcast %add3A_1584 : i32 to vector<16xi32>
        %add3A_1586 = arith.addi %mul3A_1544, %add3A_1585 : vector<16xi32>
        %gather3A_1587 = tpu.vector_load_idx %arg7[%add3A_1586, %iota3A] : memref<64x16xf32, #tpu.memory_space<vmem>>[vector<16xi32>, vector<16xi32>], vector<16xf32>,
        %gt3A_1588 = arith.cmpf ogt, %gather3A_1587, %select_n3A_1582 : vector<16xf32>
        %select_n3A_1589 = arith.select %gt3A_1588, %gather3A_1587, %select_n3A_1582 : vector<16xi1>, vector<16xf32>
        %select_n3A_1590 = arith.select %gt3A_1588, %add3A_1586, %select_n3A_1583 : vector<16xi1>, vector<16xi32>
        %add3A_1591 = arith.constant 7 : i32
        %add3A_1592 = vector.broadcast %add3A_1591 : i32 to vector<16xi32>
        %add3A_1593 = arith.addi %mul3A_1544, %add3A_1592 : vector<16xi32>
        %gather3A_1594 = tpu.vector_load_idx %arg7[%add3A_1593, %iota3A] : memref<64x16xf32, #tpu.memory_space<vmem>>[vector<16xi32>, vector<16xi32>], vector<16xf32>,
        %gt3A_1595 = arith.cmpf ogt, %gather3A_1594, %select_n3A_1589 : vector<16xf32>
        %select_n3A_1596 = arith.select %gt3A_1595, %gather3A_1594, %select_n3A_1589 : vector<16xi1>, vector<16xf32>
        %select_n3A_1597 = arith.select %gt3A_1595, %add3A_1593, %select_n3A_1590 : vector<16xi1>, vector<16xi32>
        %eq3A_1598 = arith.cmpi eq, %select_n3A_1539, %broadcast_in_dim3A_1058 : vector<16xi32>
        %select_n3A_1599 = arith.select %eq3A_1598, %select_n3A_1596, %select_n3A_1489 : vector<16xi1>, vector<16xf32>
        %select_n3A_1600 = arith.select %eq3A_1598, %select_n3A_1597, %select_n3A_1490 : vector<16xi1>, vector<16xi32>
        %eq3A_1601 = arith.cmpi eq, %select_n3A_1539, %broadcast_in_dim3A_1060 : vector<16xi32>
        %select_n3A_1602 = arith.select %eq3A_1601, %select_n3A_1596, %select_n3A_1492 : vector<16xi1>, vector<16xf32>
        %select_n3A_1603 = arith.select %eq3A_1601, %select_n3A_1597, %select_n3A_1493 : vector<16xi1>, vector<16xi32>
        %eq3A_1604 = arith.cmpi eq, %select_n3A_1539, %broadcast_in_dim3A_1062 : vector<16xi32>
        %select_n3A_1605 = arith.select %eq3A_1604, %select_n3A_1596, %select_n3A_1495 : vector<16xi1>, vector<16xf32>
        %select_n3A_1606 = arith.select %eq3A_1604, %select_n3A_1597, %select_n3A_1496 : vector<16xi1>, vector<16xi32>
        %eq3A_1607 = arith.cmpi eq, %select_n3A_1539, %broadcast_in_dim3A_1064 : vector<16xi32>
        %select_n3A_1608 = arith.select %eq3A_1607, %select_n3A_1596, %select_n3A_1498 : vector<16xi1>, vector<16xf32>
        %select_n3A_1609 = arith.select %eq3A_1607, %select_n3A_1597, %select_n3A_1499 : vector<16xi1>, vector<16xi32>
        %eq3A_1610 = arith.cmpi eq, %select_n3A_1539, %broadcast_in_dim3A_1066 : vector<16xi32>
        %select_n3A_1611 = arith.select %eq3A_1610, %select_n3A_1596, %select_n3A_1501 : vector<16xi1>, vector<16xf32>
        %select_n3A_1612 = arith.select %eq3A_1610, %select_n3A_1597, %select_n3A_1502 : vector<16xi1>, vector<16xi32>
        %eq3A_1613 = arith.cmpi eq, %select_n3A_1539, %broadcast_in_dim3A_1068 : vector<16xi32>
        %select_n3A_1614 = arith.select %eq3A_1613, %select_n3A_1596, %select_n3A_1504 : vector<16xi1>, vector<16xf32>
        %select_n3A_1615 = arith.select %eq3A_1613, %select_n3A_1597, %select_n3A_1505 : vector<16xi1>, vector<16xi32>
        %eq3A_1616 = arith.cmpi eq, %select_n3A_1539, %broadcast_in_dim3A_1070 : vector<16xi32>
        %select_n3A_1617 = arith.select %eq3A_1616, %select_n3A_1596, %select_n3A_1507 : vector<16xi1>, vector<16xf32>
        %select_n3A_1618 = arith.select %eq3A_1616, %select_n3A_1597, %select_n3A_1508 : vector<16xi1>, vector<16xi32>
        %eq3A_1619 = arith.cmpi eq, %select_n3A_1539, %broadcast_in_dim3A_1072 : vector<16xi32>
        %select_n3A_1620 = arith.select %eq3A_1619, %select_n3A_1596, %select_n3A_1510 : vector<16xi1>, vector<16xf32>
        %select_n3A_1621 = arith.select %eq3A_1619, %select_n3A_1597, %select_n3A_1511 : vector<16xi1>, vector<16xi32>
        %gt3A_1622 = arith.cmpf ogt, %select_n3A_1602, %select_n3A_1599 : vector<16xf32>
        %select_n3A_1623 = arith.select %gt3A_1622, %select_n3A_1602, %select_n3A_1599 : vector<16xi1>, vector<16xf32>
        %select_n3A_1624 = arith.select %gt3A_1622, %select_n3A_1603, %select_n3A_1600 : vector<16xi1>, vector<16xi32>
        %select_n3A_1625 = arith.select %gt3A_1622, %broadcast_in_dim3A_1060, %broadcast_in_dim3A_1058 : vector<16xi1>, vector<16xi32>
        %gt3A_1626 = arith.cmpf ogt, %select_n3A_1608, %select_n3A_1605 : vector<16xf32>
        %select_n3A_1627 = arith.select %gt3A_1626, %select_n3A_1608, %select_n3A_1605 : vector<16xi1>, vector<16xf32>
        %select_n3A_1628 = arith.select %gt3A_1626, %select_n3A_1609, %select_n3A_1606 : vector<16xi1>, vector<16xi32>
        %select_n3A_1629 = arith.select %gt3A_1626, %broadcast_in_dim3A_1064, %broadcast_in_dim3A_1062 : vector<16xi1>, vector<16xi32>
        %gt3A_1630 = arith.cmpf ogt, %select_n3A_1614, %select_n3A_1611 : vector<16xf32>
        %select_n3A_1631 = arith.select %gt3A_1630, %select_n3A_1614, %select_n3A_1611 : vector<16xi1>, vector<16xf32>
        %select_n3A_1632 = arith.select %gt3A_1630, %select_n3A_1615, %select_n3A_1612 : vector<16xi1>, vector<16xi32>
        %select_n3A_1633 = arith.select %gt3A_1630, %broadcast_in_dim3A_1068, %broadcast_in_dim3A_1066 : vector<16xi1>, vector<16xi32>
        %gt3A_1634 = arith.cmpf ogt, %select_n3A_1620, %select_n3A_1617 : vector<16xf32>
        %select_n3A_1635 = arith.select %gt3A_1634, %select_n3A_1620, %select_n3A_1617 : vector<16xi1>, vector<16xf32>
        %select_n3A_1636 = arith.select %gt3A_1634, %select_n3A_1621, %select_n3A_1618 : vector<16xi1>, vector<16xi32>
        %select_n3A_1637 = arith.select %gt3A_1634, %broadcast_in_dim3A_1072, %broadcast_in_dim3A_1070 : vector<16xi1>, vector<16xi32>
        %gt3A_1638 = arith.cmpf ogt, %select_n3A_1627, %select_n3A_1623 : vector<16xf32>
        %select_n3A_1639 = arith.select %gt3A_1638, %select_n3A_1627, %select_n3A_1623 : vector<16xi1>, vector<16xf32>
        %select_n3A_1640 = arith.select %gt3A_1638, %select_n3A_1628, %select_n3A_1624 : vector<16xi1>, vector<16xi32>
        %select_n3A_1641 = arith.select %gt3A_1638, %select_n3A_1629, %select_n3A_1625 : vector<16xi1>, vector<16xi32>
        %gt3A_1642 = arith.cmpf ogt, %select_n3A_1635, %select_n3A_1631 : vector<16xf32>
        %select_n3A_1643 = arith.select %gt3A_1642, %select_n3A_1635, %select_n3A_1631 : vector<16xi1>, vector<16xf32>
        %select_n3A_1644 = arith.select %gt3A_1642, %select_n3A_1636, %select_n3A_1632 : vector<16xi1>, vector<16xi32>
        %select_n3A_1645 = arith.select %gt3A_1642, %select_n3A_1637, %select_n3A_1633 : vector<16xi1>, vector<16xi32>
        %gt3A_1646 = arith.cmpf ogt, %select_n3A_1643, %select_n3A_1639 : vector<16xf32>
        %select_n3A_1647 = arith.select %gt3A_1646, %select_n3A_1643, %select_n3A_1639 : vector<16xi1>, vector<16xf32>
        %select_n3A_1648 = arith.select %gt3A_1646, %select_n3A_1644, %select_n3A_1640 : vector<16xi1>, vector<16xi32>
        %select_n3A_1649 = arith.select %gt3A_1646, %select_n3A_1645, %select_n3A_1641 : vector<16xi1>, vector<16xi32>
        %gather3A_1650 = tpu.vector_load_idx %arg8[%broadcast_in_dim3A_1, %select_n3A_1648] : memref<1x64xf32, #tpu.memory_space<vmem>>[vector<16xi32>, vector<16xi32>], vector<16xf32>,
        %sub3A_1651 = arith.subf %select_n3A_1647, %gather3A_1650 : vector<16xf32>
        tpu.vector_store_idx %arg7[%select_n3A_1648, %iota3A], %broadcast_in_dim3A_3 : memref<64x16xf32, #tpu.memory_space<vmem>>[vector<16xi32>, vector<16xi32>], vector<16xf32>,
        %mul3A_1652 = arith.constant 8 : i32
        %mul3A_1653 = vector.broadcast %mul3A_1652 : i32 to vector<16xi32>
        %mul3A_1654 = arith.muli %select_n3A_1649, %mul3A_1653 : vector<16xi32>
        %add3A_1655 = arith.constant 0 : i32
        %add3A_1656 = vector.broadcast %add3A_1655 : i32 to vector<16xi32>
        %add3A_1657 = arith.addi %mul3A_1654, %add3A_1656 : vector<16xi32>
        %gather3A_1658 = tpu.vector_load_idx %arg7[%add3A_1657, %iota3A] : memref<64x16xf32, #tpu.memory_space<vmem>>[vector<16xi32>, vector<16xi32>], vector<16xf32>,
        %add3A_1659 = arith.constant 1 : i32
        %add3A_1660 = vector.broadcast %add3A_1659 : i32 to vector<16xi32>
        %add3A_1661 = arith.addi %mul3A_1654, %add3A_1660 : vector<16xi32>
        %gather3A_1662 = tpu.vector_load_idx %arg7[%add3A_1661, %iota3A] : memref<64x16xf32, #tpu.memory_space<vmem>>[vector<16xi32>, vector<16xi32>], vector<16xf32>,
        %gt3A_1663 = arith.cmpf ogt, %gather3A_1662, %gather3A_1658 : vector<16xf32>
        %select_n3A_1664 = arith.select %gt3A_1663, %gather3A_1662, %gather3A_1658 : vector<16xi1>, vector<16xf32>
        %select_n3A_1665 = arith.select %gt3A_1663, %add3A_1661, %add3A_1657 : vector<16xi1>, vector<16xi32>
        %add3A_1666 = arith.constant 2 : i32
        %add3A_1667 = vector.broadcast %add3A_1666 : i32 to vector<16xi32>
        %add3A_1668 = arith.addi %mul3A_1654, %add3A_1667 : vector<16xi32>
        %gather3A_1669 = tpu.vector_load_idx %arg7[%add3A_1668, %iota3A] : memref<64x16xf32, #tpu.memory_space<vmem>>[vector<16xi32>, vector<16xi32>], vector<16xf32>,
        %gt3A_1670 = arith.cmpf ogt, %gather3A_1669, %select_n3A_1664 : vector<16xf32>
        %select_n3A_1671 = arith.select %gt3A_1670, %gather3A_1669, %select_n3A_1664 : vector<16xi1>, vector<16xf32>
        %select_n3A_1672 = arith.select %gt3A_1670, %add3A_1668, %select_n3A_1665 : vector<16xi1>, vector<16xi32>
        %add3A_1673 = arith.constant 3 : i32
        %add3A_1674 = vector.broadcast %add3A_1673 : i32 to vector<16xi32>
        %add3A_1675 = arith.addi %mul3A_1654, %add3A_1674 : vector<16xi32>
        %gather3A_1676 = tpu.vector_load_idx %arg7[%add3A_1675, %iota3A] : memref<64x16xf32, #tpu.memory_space<vmem>>[vector<16xi32>, vector<16xi32>], vector<16xf32>,
        %gt3A_1677 = arith.cmpf ogt, %gather3A_1676, %select_n3A_1671 : vector<16xf32>
        %select_n3A_1678 = arith.select %gt3A_1677, %gather3A_1676, %select_n3A_1671 : vector<16xi1>, vector<16xf32>
        %select_n3A_1679 = arith.select %gt3A_1677, %add3A_1675, %select_n3A_1672 : vector<16xi1>, vector<16xi32>
        %add3A_1680 = arith.constant 4 : i32
        %add3A_1681 = vector.broadcast %add3A_1680 : i32 to vector<16xi32>
        %add3A_1682 = arith.addi %mul3A_1654, %add3A_1681 : vector<16xi32>
        %gather3A_1683 = tpu.vector_load_idx %arg7[%add3A_1682, %iota3A] : memref<64x16xf32, #tpu.memory_space<vmem>>[vector<16xi32>, vector<16xi32>], vector<16xf32>,
        %gt3A_1684 = arith.cmpf ogt, %gather3A_1683, %select_n3A_1678 : vector<16xf32>
        %select_n3A_1685 = arith.select %gt3A_1684, %gather3A_1683, %select_n3A_1678 : vector<16xi1>, vector<16xf32>
        %select_n3A_1686 = arith.select %gt3A_1684, %add3A_1682, %select_n3A_1679 : vector<16xi1>, vector<16xi32>
        %add3A_1687 = arith.constant 5 : i32
        %add3A_1688 = vector.broadcast %add3A_1687 : i32 to vector<16xi32>
        %add3A_1689 = arith.addi %mul3A_1654, %add3A_1688 : vector<16xi32>
        %gather3A_1690 = tpu.vector_load_idx %arg7[%add3A_1689, %iota3A] : memref<64x16xf32, #tpu.memory_space<vmem>>[vector<16xi32>, vector<16xi32>], vector<16xf32>,
        %gt3A_1691 = arith.cmpf ogt, %gather3A_1690, %select_n3A_1685 : vector<16xf32>
        %select_n3A_1692 = arith.select %gt3A_1691, %gather3A_1690, %select_n3A_1685 : vector<16xi1>, vector<16xf32>
        %select_n3A_1693 = arith.select %gt3A_1691, %add3A_1689, %select_n3A_1686 : vector<16xi1>, vector<16xi32>
        %add3A_1694 = arith.constant 6 : i32
        %add3A_1695 = vector.broadcast %add3A_1694 : i32 to vector<16xi32>
        %add3A_1696 = arith.addi %mul3A_1654, %add3A_1695 : vector<16xi32>
        %gather3A_1697 = tpu.vector_load_idx %arg7[%add3A_1696, %iota3A] : memref<64x16xf32, #tpu.memory_space<vmem>>[vector<16xi32>, vector<16xi32>], vector<16xf32>,
        %gt3A_1698 = arith.cmpf ogt, %gather3A_1697, %select_n3A_1692 : vector<16xf32>
        %select_n3A_1699 = arith.select %gt3A_1698, %gather3A_1697, %select_n3A_1692 : vector<16xi1>, vector<16xf32>
        %select_n3A_1700 = arith.select %gt3A_1698, %add3A_1696, %select_n3A_1693 : vector<16xi1>, vector<16xi32>
        %add3A_1701 = arith.constant 7 : i32
        %add3A_1702 = vector.broadcast %add3A_1701 : i32 to vector<16xi32>
        %add3A_1703 = arith.addi %mul3A_1654, %add3A_1702 : vector<16xi32>
        %gather3A_1704 = tpu.vector_load_idx %arg7[%add3A_1703, %iota3A] : memref<64x16xf32, #tpu.memory_space<vmem>>[vector<16xi32>, vector<16xi32>], vector<16xf32>,
        %gt3A_1705 = arith.cmpf ogt, %gather3A_1704, %select_n3A_1699 : vector<16xf32>
        %select_n3A_1706 = arith.select %gt3A_1705, %gather3A_1704, %select_n3A_1699 : vector<16xi1>, vector<16xf32>
        %select_n3A_1707 = arith.select %gt3A_1705, %add3A_1703, %select_n3A_1700 : vector<16xi1>, vector<16xi32>
        %eq3A_1708 = arith.cmpi eq, %select_n3A_1649, %broadcast_in_dim3A_1058 : vector<16xi32>
        %select_n3A_1709 = arith.select %eq3A_1708, %select_n3A_1706, %select_n3A_1599 : vector<16xi1>, vector<16xf32>
        %select_n3A_1710 = arith.select %eq3A_1708, %select_n3A_1707, %select_n3A_1600 : vector<16xi1>, vector<16xi32>
        %eq3A_1711 = arith.cmpi eq, %select_n3A_1649, %broadcast_in_dim3A_1060 : vector<16xi32>
        %select_n3A_1712 = arith.select %eq3A_1711, %select_n3A_1706, %select_n3A_1602 : vector<16xi1>, vector<16xf32>
        %select_n3A_1713 = arith.select %eq3A_1711, %select_n3A_1707, %select_n3A_1603 : vector<16xi1>, vector<16xi32>
        %eq3A_1714 = arith.cmpi eq, %select_n3A_1649, %broadcast_in_dim3A_1062 : vector<16xi32>
        %select_n3A_1715 = arith.select %eq3A_1714, %select_n3A_1706, %select_n3A_1605 : vector<16xi1>, vector<16xf32>
        %select_n3A_1716 = arith.select %eq3A_1714, %select_n3A_1707, %select_n3A_1606 : vector<16xi1>, vector<16xi32>
        %eq3A_1717 = arith.cmpi eq, %select_n3A_1649, %broadcast_in_dim3A_1064 : vector<16xi32>
        %select_n3A_1718 = arith.select %eq3A_1717, %select_n3A_1706, %select_n3A_1608 : vector<16xi1>, vector<16xf32>
        %select_n3A_1719 = arith.select %eq3A_1717, %select_n3A_1707, %select_n3A_1609 : vector<16xi1>, vector<16xi32>
        %eq3A_1720 = arith.cmpi eq, %select_n3A_1649, %broadcast_in_dim3A_1066 : vector<16xi32>
        %select_n3A_1721 = arith.select %eq3A_1720, %select_n3A_1706, %select_n3A_1611 : vector<16xi1>, vector<16xf32>
        %select_n3A_1722 = arith.select %eq3A_1720, %select_n3A_1707, %select_n3A_1612 : vector<16xi1>, vector<16xi32>
        %eq3A_1723 = arith.cmpi eq, %select_n3A_1649, %broadcast_in_dim3A_1068 : vector<16xi32>
        %select_n3A_1724 = arith.select %eq3A_1723, %select_n3A_1706, %select_n3A_1614 : vector<16xi1>, vector<16xf32>
        %select_n3A_1725 = arith.select %eq3A_1723, %select_n3A_1707, %select_n3A_1615 : vector<16xi1>, vector<16xi32>
        %eq3A_1726 = arith.cmpi eq, %select_n3A_1649, %broadcast_in_dim3A_1070 : vector<16xi32>
        %select_n3A_1727 = arith.select %eq3A_1726, %select_n3A_1706, %select_n3A_1617 : vector<16xi1>, vector<16xf32>
        %select_n3A_1728 = arith.select %eq3A_1726, %select_n3A_1707, %select_n3A_1618 : vector<16xi1>, vector<16xi32>
        %eq3A_1729 = arith.cmpi eq, %select_n3A_1649, %broadcast_in_dim3A_1072 : vector<16xi32>
        %select_n3A_1730 = arith.select %eq3A_1729, %select_n3A_1706, %select_n3A_1620 : vector<16xi1>, vector<16xf32>
        %select_n3A_1731 = arith.select %eq3A_1729, %select_n3A_1707, %select_n3A_1621 : vector<16xi1>, vector<16xi32>
        %gt3A_1732 = arith.cmpf ogt, %select_n3A_1712, %select_n3A_1709 : vector<16xf32>
        %select_n3A_1733 = arith.select %gt3A_1732, %select_n3A_1712, %select_n3A_1709 : vector<16xi1>, vector<16xf32>
        %select_n3A_1734 = arith.select %gt3A_1732, %select_n3A_1713, %select_n3A_1710 : vector<16xi1>, vector<16xi32>
        %select_n3A_1735 = arith.select %gt3A_1732, %broadcast_in_dim3A_1060, %broadcast_in_dim3A_1058 : vector<16xi1>, vector<16xi32>
        %gt3A_1736 = arith.cmpf ogt, %select_n3A_1718, %select_n3A_1715 : vector<16xf32>
        %select_n3A_1737 = arith.select %gt3A_1736, %select_n3A_1718, %select_n3A_1715 : vector<16xi1>, vector<16xf32>
        %select_n3A_1738 = arith.select %gt3A_1736, %select_n3A_1719, %select_n3A_1716 : vector<16xi1>, vector<16xi32>
        %select_n3A_1739 = arith.select %gt3A_1736, %broadcast_in_dim3A_1064, %broadcast_in_dim3A_1062 : vector<16xi1>, vector<16xi32>
        %gt3A_1740 = arith.cmpf ogt, %select_n3A_1724, %select_n3A_1721 : vector<16xf32>
        %select_n3A_1741 = arith.select %gt3A_1740, %select_n3A_1724, %select_n3A_1721 : vector<16xi1>, vector<16xf32>
        %select_n3A_1742 = arith.select %gt3A_1740, %select_n3A_1725, %select_n3A_1722 : vector<16xi1>, vector<16xi32>
        %select_n3A_1743 = arith.select %gt3A_1740, %broadcast_in_dim3A_1068, %broadcast_in_dim3A_1066 : vector<16xi1>, vector<16xi32>
        %gt3A_1744 = arith.cmpf ogt, %select_n3A_1730, %select_n3A_1727 : vector<16xf32>
        %select_n3A_1745 = arith.select %gt3A_1744, %select_n3A_1730, %select_n3A_1727 : vector<16xi1>, vector<16xf32>
        %select_n3A_1746 = arith.select %gt3A_1744, %select_n3A_1731, %select_n3A_1728 : vector<16xi1>, vector<16xi32>
        %select_n3A_1747 = arith.select %gt3A_1744, %broadcast_in_dim3A_1072, %broadcast_in_dim3A_1070 : vector<16xi1>, vector<16xi32>
        %gt3A_1748 = arith.cmpf ogt, %select_n3A_1737, %select_n3A_1733 : vector<16xf32>
        %select_n3A_1749 = arith.select %gt3A_1748, %select_n3A_1737, %select_n3A_1733 : vector<16xi1>, vector<16xf32>
        %select_n3A_1750 = arith.select %gt3A_1748, %select_n3A_1738, %select_n3A_1734 : vector<16xi1>, vector<16xi32>
        %select_n3A_1751 = arith.select %gt3A_1748, %select_n3A_1739, %select_n3A_1735 : vector<16xi1>, vector<16xi32>
        %gt3A_1752 = arith.cmpf ogt, %select_n3A_1745, %select_n3A_1741 : vector<16xf32>
        %select_n3A_1753 = arith.select %gt3A_1752, %select_n3A_1745, %select_n3A_1741 : vector<16xi1>, vector<16xf32>
        %select_n3A_1754 = arith.select %gt3A_1752, %select_n3A_1746, %select_n3A_1742 : vector<16xi1>, vector<16xi32>
        %select_n3A_1755 = arith.select %gt3A_1752, %select_n3A_1747, %select_n3A_1743 : vector<16xi1>, vector<16xi32>
        %gt3A_1756 = arith.cmpf ogt, %select_n3A_1753, %select_n3A_1749 : vector<16xf32>
        %select_n3A_1757 = arith.select %gt3A_1756, %select_n3A_1753, %select_n3A_1749 : vector<16xi1>, vector<16xf32>
        %select_n3A_1758 = arith.select %gt3A_1756, %select_n3A_1754, %select_n3A_1750 : vector<16xi1>, vector<16xi32>
        %select_n3A_1759 = arith.select %gt3A_1756, %select_n3A_1755, %select_n3A_1751 : vector<16xi1>, vector<16xi32>
        %gather3A_1760 = tpu.vector_load_idx %arg8[%broadcast_in_dim3A_1, %select_n3A_1758] : memref<1x64xf32, #tpu.memory_space<vmem>>[vector<16xi32>, vector<16xi32>], vector<16xf32>,
        %sub3A_1761 = arith.subf %select_n3A_1757, %gather3A_1760 : vector<16xf32>
        tpu.vector_store_idx %arg7[%select_n3A_1758, %iota3A], %broadcast_in_dim3A_3 : memref<64x16xf32, #tpu.memory_space<vmem>>[vector<16xi32>, vector<16xi32>], vector<16xf32>,
        %mul3A_1762 = arith.constant 8 : i32
        %mul3A_1763 = vector.broadcast %mul3A_1762 : i32 to vector<16xi32>
        %mul3A_1764 = arith.muli %select_n3A_1759, %mul3A_1763 : vector<16xi32>
        %add3A_1765 = arith.constant 0 : i32
        %add3A_1766 = vector.broadcast %add3A_1765 : i32 to vector<16xi32>
        %add3A_1767 = arith.addi %mul3A_1764, %add3A_1766 : vector<16xi32>
        %gather3A_1768 = tpu.vector_load_idx %arg7[%add3A_1767, %iota3A] : memref<64x16xf32, #tpu.memory_space<vmem>>[vector<16xi32>, vector<16xi32>], vector<16xf32>,
        %add3A_1769 = arith.constant 1 : i32
        %add3A_1770 = vector.broadcast %add3A_1769 : i32 to vector<16xi32>
        %add3A_1771 = arith.addi %mul3A_1764, %add3A_1770 : vector<16xi32>
        %gather3A_1772 = tpu.vector_load_idx %arg7[%add3A_1771, %iota3A] : memref<64x16xf32, #tpu.memory_space<vmem>>[vector<16xi32>, vector<16xi32>], vector<16xf32>,
        %gt3A_1773 = arith.cmpf ogt, %gather3A_1772, %gather3A_1768 : vector<16xf32>
        %select_n3A_1774 = arith.select %gt3A_1773, %gather3A_1772, %gather3A_1768 : vector<16xi1>, vector<16xf32>
        %select_n3A_1775 = arith.select %gt3A_1773, %add3A_1771, %add3A_1767 : vector<16xi1>, vector<16xi32>
        %add3A_1776 = arith.constant 2 : i32
        %add3A_1777 = vector.broadcast %add3A_1776 : i32 to vector<16xi32>
        %add3A_1778 = arith.addi %mul3A_1764, %add3A_1777 : vector<16xi32>
        %gather3A_1779 = tpu.vector_load_idx %arg7[%add3A_1778, %iota3A] : memref<64x16xf32, #tpu.memory_space<vmem>>[vector<16xi32>, vector<16xi32>], vector<16xf32>,
        %gt3A_1780 = arith.cmpf ogt, %gather3A_1779, %select_n3A_1774 : vector<16xf32>
        %select_n3A_1781 = arith.select %gt3A_1780, %gather3A_1779, %select_n3A_1774 : vector<16xi1>, vector<16xf32>
        %select_n3A_1782 = arith.select %gt3A_1780, %add3A_1778, %select_n3A_1775 : vector<16xi1>, vector<16xi32>
        %add3A_1783 = arith.constant 3 : i32
        %add3A_1784 = vector.broadcast %add3A_1783 : i32 to vector<16xi32>
        %add3A_1785 = arith.addi %mul3A_1764, %add3A_1784 : vector<16xi32>
        %gather3A_1786 = tpu.vector_load_idx %arg7[%add3A_1785, %iota3A] : memref<64x16xf32, #tpu.memory_space<vmem>>[vector<16xi32>, vector<16xi32>], vector<16xf32>,
        %gt3A_1787 = arith.cmpf ogt, %gather3A_1786, %select_n3A_1781 : vector<16xf32>
        %select_n3A_1788 = arith.select %gt3A_1787, %gather3A_1786, %select_n3A_1781 : vector<16xi1>, vector<16xf32>
        %select_n3A_1789 = arith.select %gt3A_1787, %add3A_1785, %select_n3A_1782 : vector<16xi1>, vector<16xi32>
        %add3A_1790 = arith.constant 4 : i32
        %add3A_1791 = vector.broadcast %add3A_1790 : i32 to vector<16xi32>
        %add3A_1792 = arith.addi %mul3A_1764, %add3A_1791 : vector<16xi32>
        %gather3A_1793 = tpu.vector_load_idx %arg7[%add3A_1792, %iota3A] : memref<64x16xf32, #tpu.memory_space<vmem>>[vector<16xi32>, vector<16xi32>], vector<16xf32>,
        %gt3A_1794 = arith.cmpf ogt, %gather3A_1793, %select_n3A_1788 : vector<16xf32>
        %select_n3A_1795 = arith.select %gt3A_1794, %gather3A_1793, %select_n3A_1788 : vector<16xi1>, vector<16xf32>
        %select_n3A_1796 = arith.select %gt3A_1794, %add3A_1792, %select_n3A_1789 : vector<16xi1>, vector<16xi32>
        %add3A_1797 = arith.constant 5 : i32
        %add3A_1798 = vector.broadcast %add3A_1797 : i32 to vector<16xi32>
        %add3A_1799 = arith.addi %mul3A_1764, %add3A_1798 : vector<16xi32>
        %gather3A_1800 = tpu.vector_load_idx %arg7[%add3A_1799, %iota3A] : memref<64x16xf32, #tpu.memory_space<vmem>>[vector<16xi32>, vector<16xi32>], vector<16xf32>,
        %gt3A_1801 = arith.cmpf ogt, %gather3A_1800, %select_n3A_1795 : vector<16xf32>
        %select_n3A_1802 = arith.select %gt3A_1801, %gather3A_1800, %select_n3A_1795 : vector<16xi1>, vector<16xf32>
        %select_n3A_1803 = arith.select %gt3A_1801, %add3A_1799, %select_n3A_1796 : vector<16xi1>, vector<16xi32>
        %add3A_1804 = arith.constant 6 : i32
        %add3A_1805 = vector.broadcast %add3A_1804 : i32 to vector<16xi32>
        %add3A_1806 = arith.addi %mul3A_1764, %add3A_1805 : vector<16xi32>
        %gather3A_1807 = tpu.vector_load_idx %arg7[%add3A_1806, %iota3A] : memref<64x16xf32, #tpu.memory_space<vmem>>[vector<16xi32>, vector<16xi32>], vector<16xf32>,
        %gt3A_1808 = arith.cmpf ogt, %gather3A_1807, %select_n3A_1802 : vector<16xf32>
        %select_n3A_1809 = arith.select %gt3A_1808, %gather3A_1807, %select_n3A_1802 : vector<16xi1>, vector<16xf32>
        %select_n3A_1810 = arith.select %gt3A_1808, %add3A_1806, %select_n3A_1803 : vector<16xi1>, vector<16xi32>
        %add3A_1811 = arith.constant 7 : i32
        %add3A_1812 = vector.broadcast %add3A_1811 : i32 to vector<16xi32>
        %add3A_1813 = arith.addi %mul3A_1764, %add3A_1812 : vector<16xi32>
        %gather3A_1814 = tpu.vector_load_idx %arg7[%add3A_1813, %iota3A] : memref<64x16xf32, #tpu.memory_space<vmem>>[vector<16xi32>, vector<16xi32>], vector<16xf32>,
        %gt3A_1815 = arith.cmpf ogt, %gather3A_1814, %select_n3A_1809 : vector<16xf32>
        %select_n3A_1816 = arith.select %gt3A_1815, %gather3A_1814, %select_n3A_1809 : vector<16xi1>, vector<16xf32>
        %select_n3A_1817 = arith.select %gt3A_1815, %add3A_1813, %select_n3A_1810 : vector<16xi1>, vector<16xi32>
        %eq3A_1818 = arith.cmpi eq, %select_n3A_1759, %broadcast_in_dim3A_1058 : vector<16xi32>
        %select_n3A_1819 = arith.select %eq3A_1818, %select_n3A_1816, %select_n3A_1709 : vector<16xi1>, vector<16xf32>
        %select_n3A_1820 = arith.select %eq3A_1818, %select_n3A_1817, %select_n3A_1710 : vector<16xi1>, vector<16xi32>
        %eq3A_1821 = arith.cmpi eq, %select_n3A_1759, %broadcast_in_dim3A_1060 : vector<16xi32>
        %select_n3A_1822 = arith.select %eq3A_1821, %select_n3A_1816, %select_n3A_1712 : vector<16xi1>, vector<16xf32>
        %select_n3A_1823 = arith.select %eq3A_1821, %select_n3A_1817, %select_n3A_1713 : vector<16xi1>, vector<16xi32>
        %eq3A_1824 = arith.cmpi eq, %select_n3A_1759, %broadcast_in_dim3A_1062 : vector<16xi32>
        %select_n3A_1825 = arith.select %eq3A_1824, %select_n3A_1816, %select_n3A_1715 : vector<16xi1>, vector<16xf32>
        %select_n3A_1826 = arith.select %eq3A_1824, %select_n3A_1817, %select_n3A_1716 : vector<16xi1>, vector<16xi32>
        %eq3A_1827 = arith.cmpi eq, %select_n3A_1759, %broadcast_in_dim3A_1064 : vector<16xi32>
        %select_n3A_1828 = arith.select %eq3A_1827, %select_n3A_1816, %select_n3A_1718 : vector<16xi1>, vector<16xf32>
        %select_n3A_1829 = arith.select %eq3A_1827, %select_n3A_1817, %select_n3A_1719 : vector<16xi1>, vector<16xi32>
        %eq3A_1830 = arith.cmpi eq, %select_n3A_1759, %broadcast_in_dim3A_1066 : vector<16xi32>
        %select_n3A_1831 = arith.select %eq3A_1830, %select_n3A_1816, %select_n3A_1721 : vector<16xi1>, vector<16xf32>
        %select_n3A_1832 = arith.select %eq3A_1830, %select_n3A_1817, %select_n3A_1722 : vector<16xi1>, vector<16xi32>
        %eq3A_1833 = arith.cmpi eq, %select_n3A_1759, %broadcast_in_dim3A_1068 : vector<16xi32>
        %select_n3A_1834 = arith.select %eq3A_1833, %select_n3A_1816, %select_n3A_1724 : vector<16xi1>, vector<16xf32>
        %select_n3A_1835 = arith.select %eq3A_1833, %select_n3A_1817, %select_n3A_1725 : vector<16xi1>, vector<16xi32>
        %eq3A_1836 = arith.cmpi eq, %select_n3A_1759, %broadcast_in_dim3A_1070 : vector<16xi32>
        %select_n3A_1837 = arith.select %eq3A_1836, %select_n3A_1816, %select_n3A_1727 : vector<16xi1>, vector<16xf32>
        %select_n3A_1838 = arith.select %eq3A_1836, %select_n3A_1817, %select_n3A_1728 : vector<16xi1>, vector<16xi32>
        %eq3A_1839 = arith.cmpi eq, %select_n3A_1759, %broadcast_in_dim3A_1072 : vector<16xi32>
        %select_n3A_1840 = arith.select %eq3A_1839, %select_n3A_1816, %select_n3A_1730 : vector<16xi1>, vector<16xf32>
        %select_n3A_1841 = arith.select %eq3A_1839, %select_n3A_1817, %select_n3A_1731 : vector<16xi1>, vector<16xi32>
        %gt3A_1842 = arith.cmpf ogt, %select_n3A_1822, %select_n3A_1819 : vector<16xf32>
        %select_n3A_1843 = arith.select %gt3A_1842, %select_n3A_1822, %select_n3A_1819 : vector<16xi1>, vector<16xf32>
        %select_n3A_1844 = arith.select %gt3A_1842, %select_n3A_1823, %select_n3A_1820 : vector<16xi1>, vector<16xi32>
        %select_n3A_1845 = arith.select %gt3A_1842, %broadcast_in_dim3A_1060, %broadcast_in_dim3A_1058 : vector<16xi1>, vector<16xi32>
        %gt3A_1846 = arith.cmpf ogt, %select_n3A_1828, %select_n3A_1825 : vector<16xf32>
        %select_n3A_1847 = arith.select %gt3A_1846, %select_n3A_1828, %select_n3A_1825 : vector<16xi1>, vector<16xf32>
        %select_n3A_1848 = arith.select %gt3A_1846, %select_n3A_1829, %select_n3A_1826 : vector<16xi1>, vector<16xi32>
        %select_n3A_1849 = arith.select %gt3A_1846, %broadcast_in_dim3A_1064, %broadcast_in_dim3A_1062 : vector<16xi1>, vector<16xi32>
        %gt3A_1850 = arith.cmpf ogt, %select_n3A_1834, %select_n3A_1831 : vector<16xf32>
        %select_n3A_1851 = arith.select %gt3A_1850, %select_n3A_1834, %select_n3A_1831 : vector<16xi1>, vector<16xf32>
        %select_n3A_1852 = arith.select %gt3A_1850, %select_n3A_1835, %select_n3A_1832 : vector<16xi1>, vector<16xi32>
        %select_n3A_1853 = arith.select %gt3A_1850, %broadcast_in_dim3A_1068, %broadcast_in_dim3A_1066 : vector<16xi1>, vector<16xi32>
        %gt3A_1854 = arith.cmpf ogt, %select_n3A_1840, %select_n3A_1837 : vector<16xf32>
        %select_n3A_1855 = arith.select %gt3A_1854, %select_n3A_1840, %select_n3A_1837 : vector<16xi1>, vector<16xf32>
        %select_n3A_1856 = arith.select %gt3A_1854, %select_n3A_1841, %select_n3A_1838 : vector<16xi1>, vector<16xi32>
        %select_n3A_1857 = arith.select %gt3A_1854, %broadcast_in_dim3A_1072, %broadcast_in_dim3A_1070 : vector<16xi1>, vector<16xi32>
        %gt3A_1858 = arith.cmpf ogt, %select_n3A_1847, %select_n3A_1843 : vector<16xf32>
        %select_n3A_1859 = arith.select %gt3A_1858, %select_n3A_1847, %select_n3A_1843 : vector<16xi1>, vector<16xf32>
        %select_n3A_1860 = arith.select %gt3A_1858, %select_n3A_1848, %select_n3A_1844 : vector<16xi1>, vector<16xi32>
        %select_n3A_1861 = arith.select %gt3A_1858, %select_n3A_1849, %select_n3A_1845 : vector<16xi1>, vector<16xi32>
        %gt3A_1862 = arith.cmpf ogt, %select_n3A_1855, %select_n3A_1851 : vector<16xf32>
        %select_n3A_1863 = arith.select %gt3A_1862, %select_n3A_1855, %select_n3A_1851 : vector<16xi1>, vector<16xf32>
        %select_n3A_1864 = arith.select %gt3A_1862, %select_n3A_1856, %select_n3A_1852 : vector<16xi1>, vector<16xi32>
        %select_n3A_1865 = arith.select %gt3A_1862, %select_n3A_1857, %select_n3A_1853 : vector<16xi1>, vector<16xi32>
        %gt3A_1866 = arith.cmpf ogt, %select_n3A_1863, %select_n3A_1859 : vector<16xf32>
        %select_n3A_1867 = arith.select %gt3A_1866, %select_n3A_1863, %select_n3A_1859 : vector<16xi1>, vector<16xf32>
        %select_n3A_1868 = arith.select %gt3A_1866, %select_n3A_1864, %select_n3A_1860 : vector<16xi1>, vector<16xi32>
        %select_n3A_1869 = arith.select %gt3A_1866, %select_n3A_1865, %select_n3A_1861 : vector<16xi1>, vector<16xi32>
        %gather3A_1870 = tpu.vector_load_idx %arg8[%broadcast_in_dim3A_1, %select_n3A_1868] : memref<1x64xf32, #tpu.memory_space<vmem>>[vector<16xi32>, vector<16xi32>], vector<16xf32>,
        %sub3A_1871 = arith.subf %select_n3A_1867, %gather3A_1870 : vector<16xf32>
        %add3A_1872 = arith.addf %sub3A_1102, %sub3A_1211 : vector<16xf32>
        %add3A_1873 = arith.addf %add3A_1872, %sub3A_1321 : vector<16xf32>
        %add3A_1874 = arith.addf %add3A_1873, %sub3A_1431 : vector<16xf32>
        %add3A_1875 = arith.addf %add3A_1874, %sub3A_1541 : vector<16xf32>
        %add3A_1876 = arith.addf %add3A_1875, %sub3A_1651 : vector<16xf32>
        %add3A_1877 = arith.addf %add3A_1876, %sub3A_1761 : vector<16xf32>
        %add3A_1878 = arith.addf %add3A_1877, %sub3A_1871 : vector<16xf32>
        %add3A_1879 = arith.constant 9.99999968E-21 : f32
        %add3A_1880 = vector.broadcast %add3A_1879 : f32 to vector<16xf32>
        %add3A_1881 = arith.addf %add3A_1878, %add3A_1880 : vector<16xf32>
        %div3A = arith.divf %sub3A_1102, %add3A_1881 : vector<16xf32>
        %mul3A_1882 = arith.constant 2.500000e+00 : f32
        %mul3A_1883 = vector.broadcast %mul3A_1882 : f32 to vector<16xf32>
        %mul3A_1884 = arith.mulf %div3A, %mul3A_1883 : vector<16xf32>
        tpu.vector_store_idx %arg9[%add3A_157, %broadcast_in_dim3A_9], %mul3A_1884 : memref<128x8xf32, #tpu.memory_space<vmem>>[vector<16xi32>, vector<16xi32>], vector<16xf32>,
        tpu.vector_store_idx %arg10[%add3A_157, %broadcast_in_dim3A_9], %select_n3A_1099 : memref<128x8xi32, #tpu.memory_space<vmem>>[vector<16xi32>, vector<16xi32>], vector<16xi32>,
        %div3A_1885 = arith.divf %sub3A_1211, %add3A_1881 : vector<16xf32>
        %mul3A_1886 = arith.constant 2.500000e+00 : f32
        %mul3A_1887 = vector.broadcast %mul3A_1886 : f32 to vector<16xf32>
        %mul3A_1888 = arith.mulf %div3A_1885, %mul3A_1887 : vector<16xf32>
        tpu.vector_store_idx %arg9[%add3A_157, %broadcast_in_dim3A_11], %mul3A_1888 : memref<128x8xf32, #tpu.memory_space<vmem>>[vector<16xi32>, vector<16xi32>], vector<16xf32>,
        tpu.vector_store_idx %arg10[%add3A_157, %broadcast_in_dim3A_11], %select_n3A_1208 : memref<128x8xi32, #tpu.memory_space<vmem>>[vector<16xi32>, vector<16xi32>], vector<16xi32>,
        %div3A_1889 = arith.divf %sub3A_1321, %add3A_1881 : vector<16xf32>
        %mul3A_1890 = arith.constant 2.500000e+00 : f32
        %mul3A_1891 = vector.broadcast %mul3A_1890 : f32 to vector<16xf32>
        %mul3A_1892 = arith.mulf %div3A_1889, %mul3A_1891 : vector<16xf32>
        tpu.vector_store_idx %arg9[%add3A_157, %broadcast_in_dim3A_13], %mul3A_1892 : memref<128x8xf32, #tpu.memory_space<vmem>>[vector<16xi32>, vector<16xi32>], vector<16xf32>,
        tpu.vector_store_idx %arg10[%add3A_157, %broadcast_in_dim3A_13], %select_n3A_1318 : memref<128x8xi32, #tpu.memory_space<vmem>>[vector<16xi32>, vector<16xi32>], vector<16xi32>,
        %div3A_1893 = arith.divf %sub3A_1431, %add3A_1881 : vector<16xf32>
        %mul3A_1894 = arith.constant 2.500000e+00 : f32
        %mul3A_1895 = vector.broadcast %mul3A_1894 : f32 to vector<16xf32>
        %mul3A_1896 = arith.mulf %div3A_1893, %mul3A_1895 : vector<16xf32>
        tpu.vector_store_idx %arg9[%add3A_157, %broadcast_in_dim3A_15], %mul3A_1896 : memref<128x8xf32, #tpu.memory_space<vmem>>[vector<16xi32>, vector<16xi32>], vector<16xf32>,
        tpu.vector_store_idx %arg10[%add3A_157, %broadcast_in_dim3A_15], %select_n3A_1428 : memref<128x8xi32, #tpu.memory_space<vmem>>[vector<16xi32>, vector<16xi32>], vector<16xi32>,
        %div3A_1897 = arith.divf %sub3A_1541, %add3A_1881 : vector<16xf32>
        %mul3A_1898 = arith.constant 2.500000e+00 : f32
        %mul3A_1899 = vector.broadcast %mul3A_1898 : f32 to vector<16xf32>
        %mul3A_1900 = arith.mulf %div3A_1897, %mul3A_1899 : vector<16xf32>
        tpu.vector_store_idx %arg9[%add3A_157, %broadcast_in_dim3A_17], %mul3A_1900 : memref<128x8xf32, #tpu.memory_space<vmem>>[vector<16xi32>, vector<16xi32>], vector<16xf32>,
        tpu.vector_store_idx %arg10[%add3A_157, %broadcast_in_dim3A_17], %select_n3A_1538 : memref<128x8xi32, #tpu.memory_space<vmem>>[vector<16xi32>, vector<16xi32>], vector<16xi32>,
        %div3A_1901 = arith.divf %sub3A_1651, %add3A_1881 : vector<16xf32>
        %mul3A_1902 = arith.constant 2.500000e+00 : f32
        %mul3A_1903 = vector.broadcast %mul3A_1902 : f32 to vector<16xf32>
        %mul3A_1904 = arith.mulf %div3A_1901, %mul3A_1903 : vector<16xf32>
        tpu.vector_store_idx %arg9[%add3A_157, %broadcast_in_dim3A_19], %mul3A_1904 : memref<128x8xf32, #tpu.memory_space<vmem>>[vector<16xi32>, vector<16xi32>], vector<16xf32>,
        tpu.vector_store_idx %arg10[%add3A_157, %broadcast_in_dim3A_19], %select_n3A_1648 : memref<128x8xi32, #tpu.memory_space<vmem>>[vector<16xi32>, vector<16xi32>], vector<16xi32>,
        %div3A_1905 = arith.divf %sub3A_1761, %add3A_1881 : vector<16xf32>
        %mul3A_1906 = arith.constant 2.500000e+00 : f32
        %mul3A_1907 = vector.broadcast %mul3A_1906 : f32 to vector<16xf32>
        %mul3A_1908 = arith.mulf %div3A_1905, %mul3A_1907 : vector<16xf32>
        tpu.vector_store_idx %arg9[%add3A_157, %broadcast_in_dim3A_21], %mul3A_1908 : memref<128x8xf32, #tpu.memory_space<vmem>>[vector<16xi32>, vector<16xi32>], vector<16xf32>,
        tpu.vector_store_idx %arg10[%add3A_157, %broadcast_in_dim3A_21], %select_n3A_1758 : memref<128x8xi32, #tpu.memory_space<vmem>>[vector<16xi32>, vector<16xi32>], vector<16xi32>,
        %div3A_1909 = arith.divf %sub3A_1871, %add3A_1881 : vector<16xf32>
        %mul3A_1910 = arith.constant 2.500000e+00 : f32
        %mul3A_1911 = vector.broadcast %mul3A_1910 : f32 to vector<16xf32>
        %mul3A_1912 = arith.mulf %div3A_1909, %mul3A_1911 : vector<16xf32>
        tpu.vector_store_idx %arg9[%add3A_157, %broadcast_in_dim3A_23], %mul3A_1912 : memref<128x8xf32, #tpu.memory_space<vmem>>[vector<16xi32>, vector<16xi32>], vector<16xf32>,
        tpu.vector_store_idx %arg10[%add3A_157, %broadcast_in_dim3A_23], %select_n3A_1868 : memref<128x8xi32, #tpu.memory_space<vmem>>[vector<16xi32>, vector<16xi32>], vector<16xi32>,
      }
      %scan3A_152 = arith.constant 8 : i32
      "tpu.region"() ({
        %run_scoped3A = tpu.sem_alloc : memref<!tpu.dma_semaphore, #tpu.memory_space<semaphore_mem>>
        %dma_start3A = arith.constant 0 : i32
        %dma_start3A_153 = tpu.memref_slice %arg4[%add3A_146, %dma_start3A] : memref<16384x8xf32, #tpu.memory_space<hbm>> -> memref<128x8xf32, #tpu.memory_space<hbm>>
        %dma_start3A_154 = arith.constant 0 : i32
        %dma_start3A_155 = tpu.memref_slice %arg4[%add3A_146, %dma_start3A_154] : memref<16384x8xf32, #tpu.memory_space<hbm>> -> memref<128x8xf32, #tpu.memory_space<hbm>>
        tpu.enqueue_dma source(%arg9 : memref<128x8xf32, #tpu.memory_space<vmem>>) target(%dma_start3A_155 : memref<128x8xf32, #tpu.memory_space<hbm>>) target_semaphore(%run_scoped3A : memref<!tpu.dma_semaphore, #tpu.memory_space<semaphore_mem>>)
        %dma_wait3A = arith.constant 0 : i32
        %dma_wait3A_156 = tpu.memref_slice %arg4[%add3A_146, %dma_wait3A] : memref<16384x8xf32, #tpu.memory_space<hbm>> -> memref<128x8xf32, #tpu.memory_space<hbm>>
        %dma_wait3A_157 = arith.constant 0 : i32
        %dma_wait3A_158 = tpu.memref_slice %arg4[%add3A_146, %dma_wait3A_157] : memref<16384x8xf32, #tpu.memory_space<hbm>> -> memref<128x8xf32, #tpu.memory_space<hbm>>
        tpu.wait_dma2 semaphore(%run_scoped3A : memref<!tpu.dma_semaphore, #tpu.memory_space<semaphore_mem>>) src(%arg9 : memref<128x8xf32, #tpu.memory_space<vmem>>) dst(%dma_wait3A_158 : memref<128x8xf32, #tpu.memory_space<hbm>>)
        tpu.yield
      }) : () -> ()
      "tpu.region"() ({
        %run_scoped3A = tpu.sem_alloc : memref<!tpu.dma_semaphore, #tpu.memory_space<semaphore_mem>>
        %dma_start3A = arith.constant 0 : i32
        %dma_start3A_153 = tpu.memref_slice %arg5[%add3A_146, %dma_start3A] : memref<16384x8xi32, #tpu.memory_space<hbm>> -> memref<128x8xi32, #tpu.memory_space<hbm>>
        %dma_start3A_154 = arith.constant 0 : i32
        %dma_start3A_155 = tpu.memref_slice %arg5[%add3A_146, %dma_start3A_154] : memref<16384x8xi32, #tpu.memory_space<hbm>> -> memref<128x8xi32, #tpu.memory_space<hbm>>
        tpu.enqueue_dma source(%arg10 : memref<128x8xi32, #tpu.memory_space<vmem>>) target(%dma_start3A_155 : memref<128x8xi32, #tpu.memory_space<hbm>>) target_semaphore(%run_scoped3A : memref<!tpu.dma_semaphore, #tpu.memory_space<semaphore_mem>>)
        %dma_wait3A = arith.constant 0 : i32
        %dma_wait3A_156 = tpu.memref_slice %arg5[%add3A_146, %dma_wait3A] : memref<16384x8xi32, #tpu.memory_space<hbm>> -> memref<128x8xi32, #tpu.memory_space<hbm>>
        %dma_wait3A_157 = arith.constant 0 : i32
        %dma_wait3A_158 = tpu.memref_slice %arg5[%add3A_146, %dma_wait3A_157] : memref<16384x8xi32, #tpu.memory_space<hbm>> -> memref<128x8xi32, #tpu.memory_space<hbm>>
        tpu.wait_dma2 semaphore(%run_scoped3A : memref<!tpu.dma_semaphore, #tpu.memory_space<semaphore_mem>>) src(%arg10 : memref<128x8xi32, #tpu.memory_space<vmem>>) dst(%dma_wait3A_158 : memref<128x8xi32, #tpu.memory_space<hbm>>)
        tpu.yield
      }) : () -> ()
    }
    %scan3A_140 = arith.constant 4 : i32
    return
  }
}

module attributes {stable_mosaic.version = 14 : i64} {
  func.func @_score_block(%arg0: i32, %arg1: memref<512x4096xf32, #tpu.memory_space<vmem>>, %arg2: memref<4096x64xf32, #tpu.memory_space<vmem>>, %arg3: memref<1x64xf32, #tpu.memory_space<vmem>>, %arg4: memref<512x64xf32, #tpu.memory_space<vmem>>) attributes {dimension_semantics = [#tpu.dimension_semantics<arbitrary>], iteration_bounds = array<i64: 32>, scalar_prefetch = 0 : i64, scratch_operands = 0 : i64, tpu.core_type = #tpu.core_type<tc>, window_params = [{transform_indices = @transform_0, window_bounds = array<i64: 512, 4096>}, {pipeline_mode = #tpu.pipeline_mode<synchronous>, transform_indices = @transform_1, window_bounds = array<i64: 4096, 64>}, {pipeline_mode = #tpu.pipeline_mode<synchronous>, transform_indices = @transform_2, window_bounds = array<i64: 1, 64>}, {transform_indices = @transform_3, window_bounds = array<i64: 512, 64>}]} {
    %get3A = arith.constant 0 : index
    %get3A_0 = arith.constant 0 : index
    %get3A_1 = vector.load %arg1[%get3A, %get3A_0] : memref<512x4096xf32, #tpu.memory_space<vmem>>, vector<512x4096xf32>
    %get3A_2 = arith.constant 0 : index
    %get3A_3 = arith.constant 0 : index
    %get3A_4 = vector.load %arg2[%get3A_2, %get3A_3] : memref<4096x64xf32, #tpu.memory_space<vmem>>, vector<4096x64xf32>
    %dot_general3A = arith.constant dense<0.000000e+00> : vector<512x64xf32>
    %dot_general3A_5 = tpu.matmul %get3A_1, %get3A_4, %dot_general3A {dimension_numbers = #tpu.dot_dimension_numbers<[1], [0], [0], [1], [0, 0, 1, 1], [], []>, transpose_lhs_hint = false} : vector<512x4096xf32>, vector<4096x64xf32>, vector<512x64xf32> -> vector<512x64xf32>
    %logistic3A = arith.negf %dot_general3A_5 : vector<512x64xf32>
    %logistic3A_6 = math.exp %logistic3A : vector<512x64xf32>
    %logistic3A_7 = arith.constant 1.000000e+00 : f32
    %logistic3A_8 = vector.broadcast %logistic3A_7 : f32 to vector<512x64xf32>
    %logistic3A_9 = arith.addf %logistic3A_8, %logistic3A_6 : vector<512x64xf32>
    %logistic3A_10 = arith.divf %logistic3A_8, %logistic3A_9 : vector<512x64xf32>
    %get3A_11 = arith.constant 0 : index
    %get3A_12 = arith.constant 0 : index
    %get3A_13 = vector.load %arg3[%get3A_11, %get3A_12] : memref<1x64xf32, #tpu.memory_space<vmem>>, vector<1x64xf32>
    %add3A = vector.broadcast %get3A_13 : vector<1x64xf32> to vector<512x64xf32>
    %add3A_14 = arith.addf %logistic3A_10, %add3A : vector<512x64xf32>
    %swap3A = arith.constant 0 : index
    %swap3A_15 = arith.constant 0 : index
    %swap3A_16 = vector.load %arg4[%swap3A, %swap3A_15] : memref<512x64xf32, #tpu.memory_space<vmem>>, vector<512x64xf32>
    tpu.vector_store %arg4[%swap3A, %swap3A_15], %add3A_14 {strides = array<i32>} : memref<512x64xf32, #tpu.memory_space<vmem>>, vector<512x64xf32>,
    return
  }
  func.func @transform_0(%arg0: i32) -> (i32, i32) {
    %c0_i32 = arith.constant 0 : i32
    %c0_i32_0 = arith.constant 0 : i32
    return %arg0, %c0_i32 : i32, i32
  }
  func.func @transform_1(%arg0: i32) -> (i32, i32) {
    %c0_i32 = arith.constant 0 : i32
    %c0_i32_0 = arith.constant 0 : i32
    %c0_i32_1 = arith.constant 0 : i32
    return %c0_i32, %c0_i32_0 : i32, i32
  }
  func.func @transform_2(%arg0: i32) -> (i32, i32) {
    %c0_i32 = arith.constant 0 : i32
    %c0_i32_0 = arith.constant 0 : i32
    %c0_i32_1 = arith.constant 0 : i32
    return %c0_i32, %c0_i32_0 : i32, i32
  }
  func.func @transform_3(%arg0: i32) -> (i32, i32) {
    %c0_i32 = arith.constant 0 : i32
    %c0_i32_0 = arith.constant 0 : i32
    return %arg0, %c0_i32 : i32, i32
  }
}

</mosaic_0001>

<sc_bundles>
// kernel: kernel.4.cloned.1.call-start
scs
__scs_entry_jumppad:
0x0: {  	(pc) =	sbr.rel $0x88, $3  }
0x1: {  	(tag) =	ssettag $0x0;
	lr =	simm.s32 $0x1  }
0x2: {  	[smem:$0x3F9E] =	sst lr;
	_ =	strace $0xD0000000  }
0x3: {  	_ = 	snop  }
0x4: {  	_ = 	snop  }
0x5: {  	_ = 	snop  }
0x6: {  	_ = 	snop  }
0x7: {  	_ = 	snop  }
__scs_overlays_trampoline_lowered:
0x8: {  	[smem:$0x3FAD] =	sst s0  }
0x9: {  	[smem:$0x3FAE] =	sst s1  }
0xa: {  	[smem:$0x3FAF] =	sst s2  }
0xb: {  	[smem:$0x3FB0] =	sst s3  }
0xc: {  	[smem:$0x3FB1] =	sst s4  }
0xd: {  	[smem:$0x3FB2] =	sst s5  }
0xe: {  	[smem:$0x3FB3] =	sst s6  }
0xf: {  	[smem:$0x3FB4] =	sst s7  }
0x10: {  	[smem:$0x3FB5] =	sst s8  }
0x11: {  	[smem:$0x3FB6] =	sst s9;
	s0 =	simm.s32 @!p0 $0x0  }
0x12: {  	s1 =	sld [smem:$0x3F9C];
	s0 =	simm.s32 @p0 $0x1  }
0x13: {  	[smem:$0x3FB7] =	sst s0;
	s0 =	simm.s32 @!p1 $0x0  }
0x14: {  	s2 =	sld [smem:$0x3F9B];
	s0 =	simm.s32 @p1 $0x1  }
0x15: {  	[smem:$0x3FB8] =	sst s0;
	s0 =	simm.s32 @!p2 $0x0  }
0x16: {  	s3 =	sld [smem:$0x3FDB];
	s0 =	simm.s32 @p2 $0x1  }
0x17: {  	s4 =	simm.s32 $0x1BF5;
	[smem:$0x3FBA] =	sst s0  }
0x18: {  	s0 =	sld [smem:$0x3F9D];
	_ =	swait.ge [sflag:s4], $0x0  }
0x19: {  	s7 =	sld [smem:$0x3F9E]  }
0x1a: {  	s8 =	sadd.s32 $0xFFFFE003, lr  }
0x1b: {  	s9 =	sadd.s32 $0xFFFFFEF7, lr;
	s5 =	simm.s32 $0xFFFFFFFF;
	p2 =	slt.u32 s8, $0xFFFFF086  }
0x1c: {  	p1 =	slt.u32 s9, $0xF7A;
	s5 =	simm.s32 @!p2 $0x0  }
0x1d: {  	s5 =	simm.s32 @p1 $0x1;
	p0 =	seq.s32 s7, s2  }
0x1e: {  	s7 =	smul.u32 @!p0 $0xF7A, s2;
	p2 =	seq.s32 @!p0 s5, $0x0  }
0x1f: {  	s9 =	smul.u32 $0xF7A, s1;
	s8 =	simm.s32 @!p0 $0x1BF5;
	p2 =	por !p2, p0  }
0x20: {  	[sflag:s8] =	ssyncset.s32 @!p0 $0xFFFFF086;
	s6 =	sadd.s32 @!p0 s3, s7;
	s7 =	simm.s32 @!p0 $0x108  }
0x21: {  	s3 =	sadd.s32 s3, s9;
	s6 =	sadd.s32 @!p0 $0x88, s6;
	s7 =	simm.s32 @p2 $0x1082  }
0x22: {  	[simem:s7], [sflag:s8] =	dma.local @!p0 [hbm:s6], $0xF7A  }
0x23: {  	s9 =	sor.u32 $0xD0000000, s2;
	s6 =	simm.s32 $0x108;
	_ =	swait.ge @!p0 [sflag:s8], $0x0  }
0x24: {  	s3 =	sadd.s32 $0x88, s3;
	s6 =	simm.s32 @!p1 $0x1082;
	[sflag:s4] =	ssyncset.s32 $0xFFFFF086  }
0x25: {  	[simem:s6], [sflag:s4] =	dma.local [hbm:s3], $0xF7A  }
0x26: {  	[smem:$0x3F9E] =	sst s1;
	(tag) =	ssettag s2;
	_ =	strace s9  }
0x27: {  	s1 =	sld [smem:$0x3FAE]  }
0x28: {  	s2 =	sld [smem:$0x3FAF]  }
0x29: {  	s4 =	sld [smem:$0x3FB1]  }
0x2a: {  	p0 =	seq.s32 s5, $0x0;
	s5 =	sld [smem:$0x3FB2]  }
0x2b: {  	s6 =	sld [smem:$0x3FB3]  }
0x2c: {  	s7 =	sld [smem:$0x3FB4]  }
0x2d: {  	s3 =	simm.s32 $0x108;
	s8 =	sld [smem:$0x3FB5]  }
0x2e: {  	s3 =	simm.s32 @!p0 $0x1082;
	s9 =	sld [smem:$0x3FB6]  }
0x2f: {  	lr =	sadd.s32 s0, s3;
	s0 =	sld [smem:$0x3FAD]  }
0x30: {  	s3 =	sld [smem:$0x3FB0]  }
0x31: {  	[smem:$0x3FB9] =	sst s10  }
0x32: {  	s10 =	sld [smem:$0x3FB7];
	_ =	sdelay $0x3  }
0x33: {  	p0 =	seq.s32 s10, $0x1;
	s10 =	sld [smem:$0x3FB9];
	_ =	sdelay $0x3  }
0x34: {  	[smem:$0x3FB9] =	sst s10  }
0x35: {  	s10 =	sld [smem:$0x3FB8];
	_ =	sdelay $0x3  }
0x36: {  	p1 =	seq.s32 s10, $0x1;
	s10 =	sld [smem:$0x3FB9];
	_ =	sdelay $0x3  }
0x37: {  	[smem:$0x3FB9] =	sst s10  }
0x38: {  	s10 =	sld [smem:$0x3FBA]  }
0x39: {  	_ = 	snop;
	(pc) =	sbr.ind lr, $3  }
0x3a: {  	_ = 	snop  }
0x3b: {  	_ = 	snop  }
0x3c: {  	p2 =	seq.s32 s10, $0x1;
	s10 =	sld [smem:$0x3FB9]  }
0x3d: {  	_ =	shalt  }
0x3e: {  	_ =	shalt  }
0x3f: {  	_ =	shalt  }
0x40: {  	_ =	shalt  }
0x41: {  	_ =	shalt  }
0x42: {  	_ =	shalt  }
0x43: {  	_ =	shalt  }
0x44: {  	_ =	shalt  }
0x45: {  	_ =	shalt  }
0x46: {  	_ =	shalt  }
0x47: {  	_ =	shalt  }
0x48: {  	_ =	shalt  }
0x49: {  	_ =	shalt  }
0x4a: {  	_ =	shalt  }
0x4b: {  	_ =	shalt  }
0x4c: {  	_ =	shalt  }
0x4d: {  	_ =	shalt  }
0x4e: {  	_ =	shalt  }
0x4f: {  	_ =	shalt  }
0x50: {  	_ =	shalt  }
0x51: {  	_ =	shalt  }
0x52: {  	_ =	shalt  }
0x53: {  	_ =	shalt  }
0x54: {  	_ =	shalt  }
0x55: {  	_ =	shalt  }
0x56: {  	_ =	shalt  }
0x57: {  	_ =	shalt  }
0x58: {  	_ =	shalt  }
0x59: {  	_ =	shalt  }
0x5a: {  	_ =	shalt  }
0x5b: {  	_ =	shalt  }
0x5c: {  	_ =	shalt  }
0x5d: {  	_ =	shalt  }
0x5e: {  	_ =	shalt  }
0x5f: {  	_ =	shalt  }
0x60: {  	_ =	shalt  }
0x61: {  	_ =	shalt  }
0x62: {  	_ =	shalt  }
0x63: {  	_ =	shalt  }
0x64: {  	_ =	shalt  }
0x65: {  	_ =	shalt  }
0x66: {  	_ =	shalt  }
0x67: {  	_ =	shalt  }
0x68: {  	_ =	shalt  }
0x69: {  	_ =	shalt  }
0x6a: {  	_ =	shalt  }
0x6b: {  	_ =	shalt  }
0x6c: {  	_ =	shalt  }
0x6d: {  	_ =	shalt  }
0x6e: {  	_ =	shalt  }
0x6f: {  	_ =	shalt  }
0x70: {  	_ =	shalt  }
0x71: {  	_ =	shalt  }
0x72: {  	_ =	shalt  }
0x73: {  	_ =	shalt  }
0x74: {  	_ =	shalt  }
0x75: {  	_ =	shalt  }
0x76: {  	_ =	shalt  }
0x77: {  	_ =	shalt  }
0x78: {  	_ =	shalt  }
0x79: {  	_ =	shalt  }
0x7a: {  	_ =	shalt  }
0x7b: {  	_ =	shalt  }
0x7c: {  	_ =	shalt  }
0x7d: {  	_ =	shalt  }
0x7e: {  	_ =	shalt  }
0x7f: {  	_ =	shalt  }
0x80: {  	_ =	shalt  }
0x81: {  	_ =	shalt  }
0x82: {  	_ =	shalt  }
0x83: {  	_ =	shalt  }
0x84: {  	_ =	shalt  }
0x85: {  	_ =	shalt  }
0x86: {  	_ =	shalt  }
0x87: {  	_ =	shalt  }
.Lfunc_end0:
.L_simem_size_0:
called_computation_lowered:
.L_overlay_start_0:
0x88: {  	s2 =	sld [smem:$0x3FD9]  }
0x89: {  	s3 =	sld [smem:$0x3FFE];
	_ =	sdelay $0x1  }
0x8a: {  	s1 =	srdreg.scid  }
0x8b: {  	s0 =	sand.u32 $0x1, s1  }
0x8c: {  	s17 =	sshll.u32 s0, $0xA;
	s2 =	sadd.s32 s3, s2  }
0x8d: {  	s2 =	sadd.s32 s2, s17  }
0x8e: {  	[smem:$0x3FC5] =	sst s2  }
0x8f: {  	_ = 	snop  }
0x90: {  	s2 =	sld [smem:$0x3FC7];
	(tm) =	ssettm $0x1  }
0x91: {  	s18 =	sld [smem:$0x3FFB];
	_ =	sdelay $0x3  }
0x92: {  	_ =	strace s18  }
0x93: {  	s3 =	sld [smem:$0x3FFC];
	_ =	sdelay $0x3  }
0x94: {  	_ =	strace s3  }
0x95: {  	s3 =	sld [smem:$0x3FFD];
	_ =	sdelay $0x3  }
0x96: {  	_ =	strace s3  }
0x97: {  	_ =	strace $0x8FFFFFFF  }
0x98: {  	s19 =	sld [smem:$0x3FDB];
	_ =	sdelay $0x1  }
0x99: {  	s4 =	simm.s32 $_scs_section_size  }
0x9a: {  	s5 =	simm.s32 $_size__tile_overlayer_lowered;
	s6 =	simm.s32 $_tile_overlayer_lowered  }
0x9b: {  	s22 =	simm.s32 $0x1BFF;
	s21 =	sshll.u32 s6, $0x1;
	s3 =	sadd.s32 s4, s19  }
0x9c: {  	s7 =	simm.s32 $0x0;
	s20 =	sshll.u32 s5, $0x1;
	s5 =	sadd.s32 s21, s3  }
0x9d: {  	[timem:s7], [sflag:s22] =	dma.local [hbm:s5], s20  }
0x9e: {  	_ =	swait.ge [sflag:s22], s20  }
0x9f: {  	s4 =	ssub.s32 $0x0, s20;
	[sflag:s22] =	ssyncset.done $0x0  }
0xa0: {  	[sflag:s22] =	ssyncadd.s32 s4;
	_ =	sdelay $0x1  }
0xa1: {  	s23 =	simm.s32 $0x1B8B  }
0xa2: {  	_ =	swait.ge [sflag:s23], $0x1  }
0xa3: {  	[sflag:s23] =	ssyncset.done $0x0  }
0xa4: {  	s25 =	simm.s32 $0x1B8E;
	s24 =	sld [smem:$0x3FFE];
	[sflag:s23] =	ssyncadd.s32 $0xFFFFFFFF  }
0xa5: {  	s26 =	simm.s32 $execute0_lowered;
	[smem:$0x3FD2] =	sst s25  }
0xa6: {  	s5 =	sshll.u32 s26, $0x1;
	_ =	strace $0x80000046;
	[dreg:$0x1] =	wrdreg $0xFFFFFFFF  }
0xa7: {  	s28 =	simm.s32 $_size_execute0_lowered;
	s3 =	sadd.s32 s3, s5;
	[dreg:$0x0] =	wrdreg $0x0  }
0xa8: {  	s5 =	sshll.u32 s28, $0x1;
	[dreg:$0x2] =	wrdreg s3  }
0xa9: {  	[dreg:$0x3] =	wrdreg s5  }
0xaa: {  	[dreg:$0x4] =	wrdreg $0xC0  }
0xab: {  	_ =	task [dreg:s7], $0x5FFFF  }
0xac: {  	[dreg:$0x1] =	wrdreg $0xFFFFFFFF  }
0xad: {  	[dreg:$0x0] =	wrdreg $0x60  }
0xae: {  	[dreg:$0x2] =	wrdreg s24  }
0xaf: {  	[dreg:$0x3] =	wrdreg s2  }
0xb0: {  	[dreg:$0x4] =	wrdreg $0x9  }
0xb1: {  	_ =	task.clear_ibuf [dreg:s7], $0x5FFFF;
	_ =	strace $0x90000046  }
0xb2: {  	s29 =	simm.s32 $0x9;
	_ =	strace $0x80000048  }
0xb3: {  	_ =	swait.ge [sflag:s29], $0x1  }
0xb4: {  	[sflag:s29] =	ssyncadd.s32 $0xFFFFFFFF  }
0xb5: {  	_ =	strace $0x90000048  }
0xb6: {  	_ =	sfence  }
0xb7: {  	s30 =	sld [smem:$0x0];
	_ =	sdelay $0x2  }
0xb8: {  	s31 =	sshll.u32 s1, $0xD;
	s1 =	sshrl.u32 s1, $0x2  }
0xb9: {  	s3 =	sand.u32 $0x4000, s31;
	s1 =	sadd.s32 s1, s30  }
0xba: {  	s0 =	sor.u32 s3, s0;
	s1 =	sshll.u32 s1, $0x11  }
0xbb: {  	s0 =	sor.u32 s1, s0  }
0xbc: {  	s0 =	sadd.s32 $0x8F2B, s0  }
0xbd: {  	[sflag:s0] =	ssyncadd.remote.s32 $0x1  }
0xbe: {  	_ =	sfence.sel $0xFFFF  }
0xbf: {  	[dreg:$0x0] =	wrdreg $0xFFFFFFFF;
	(pc) =	sbr.abs _section_cstart, $3  }
0xc0: {  	[dreg:$0x1] =	wrdreg $0xFFFFFFFF  }
0xc1: {  	_ =	task.clear_ibuf [dreg:s7], $0x2FFFF;
	_ =	strace $0x9FFFFFFF  }
0xc2: {  	(tm) =	ssettm $0x7FFFFFFF  }
0xc3: {  	_ =	shalt  }
tec
execute0_lowered:
.L_overlay_start_1:
0x0: {  	(tag) =	ssettag $0x1  }
0x1: {  	s6 =	rddreg [dreg:$0x0]  }
0x2: {  	s1 =	rddreg [dreg:$0x1]  }
0x3: {  	s0 =	rddreg [dreg:$0x2];
	s2 =	simm.s32 $0x0  }
0x4: {  	s3 =	srdreg.scid;
	s4 =	stileid.u32;
	s10 =	simm.s32 $0x1  }
0x5: {  	s11 =	simm.s32 $0x4000;
	s12 =	simm.s32 $0x6080;
	s13 =	simm.s32 $0xA080  }
0x6: {  	s14 =	simm.s32 $0x0;
	[smem:$0x7FF] =	sst s2;
	s7 =	sand.u32 $0x1, s3  }
0x7: {  	v0 =	vlaneseq.u32;
	s3 =	sadd.s32 $0xE00, s6;
	s5 =	sadd.s32 $0x40E00, s6;
	s8 =	ssub.s32 $0x2, s7  }
0x8: {  	v1 =	vmul.u32 $0x80, v0;
	s31 =	sshll.u32 s4, $0xE;
	s6 =	sadd.s32 $0x80E00, s6;
	s9 =	sshrl.u32 s8, $0x1  }
0x9: {  	v11 =	vimm.s32 $0x2;
	v12 =	vimm.s32 $0x4;
	v16 =	vimm.s32 $0x6;
	_ =	strace $0x80000047;
	s7 =	sshll.u32 s7, $0xD;
	s8 =	ssub.s32 s8, s9  }
0xa: {  	v28 =	vimm.s32 $0x8;
	v34 =	vimm.s32 $0xA;
	v63 =	vimm.s32 $0x0;
	s7 =	sor.u32 s7, s31;
	[tilespmem:$0x1FFF0] =	vst v1;
	s9 =	simm.s32 $0x6000;
	s8 =	smax.u32 s8, $0x1  }
.LBB2_1:
0xb: {  	[tilespmem:s9], [sflag:$0x1] =	stream.linear.gather [hbm4b:s1+s2], $0x80, $0x38;
	[tilespmem:$0xE080] =	vst v63  }
0xc: {  	_ =	swait.ge [sflag:s10], $0x80  }
0xd: {  	[sflag:s10] =	ssyncset.done $0x0  }
0xe: {  	s15 =	simm.s32 $0x0;
	[sflag:s10] =	ssyncadd.s32 $0xFFFFFF80  }
.LBB2_2:
0xf: {  	s16 =	sshll.u32 s15, $0xB  }
0x10: {  	s16 =	sadd.s32 s7, s16  }
0x11: {  	s17 =	simm.s32 $0x0;
	s18 =	sadd.s32 s3, s16  }
0x12: {  	[tilespmem:s17], [sflag:$0x1] =	stream.linear.gather [hbm4b:s18+s17], $0x4000, $0x38;
	[tilespmem:$0xE080] =	vst v63  }
0x13: {  	_ =	swait.ge [sflag:s10], $0x4000  }
0x14: {  	[sflag:s10] =	ssyncset.done $0x0  }
0x15: {  	[sflag:s10] =	ssyncadd.s32 $0xFFFFC000  }
.LBB2_3:
0x16: {  	_ =	sdelay $0x1  }
0x17: {  	v0 =	vmov s17  }
0x18: {  	v0 =	vshll.u32 v0, $0x7  }
0x19: {  	v42 =	vor.u32 v1, v0  }
0x1a: {  	v3 =	vor.u32 $0x1, v42  }
0x1b: {  	v2 =	vor.u32 $0x2, v42  }
0x1c: {  	v0 =	vor.u32 $0x3, v42  }
0x1d: {  	v1 =	vor.u32 $0x4, v42  }
0x1e: {  	v32 =	vld.idx.msk [tilespmem:v42+s2+$0x0], $0xffff  }
0x1f: {  	v33 =	vld.idx.msk [tilespmem:v3+s2+$0x0], $0xffff  }
0x20: {  	[tilespmem:$0x1FF80] =	vst v3;
	v3 =	vor.u32 $0x5, v42;
	v7 =	vld.idx.msk [tilespmem:v2+s2+$0x0], $0xffff  }
0x21: {  	v4 =	vor.u32 $0x6, v42;
	v8 =	vld.idx.msk [tilespmem:v0+s2+$0x0], $0xffff  }
0x22: {  	v6 =	vor.u32 $0x7, v42;
	[tilespmem:$0x1FFB0] =	vst v1;
	v9 =	vld.idx.msk [tilespmem:v1+s2+$0x0], $0xffff;
	v1 =	vor.u32 $0x9, v42  }
0x23: {  	v25 =	vor.u32 $0xA, v42;
	v26 =	vor.u32 $0xB, v42;
	[tilespmem:$0x1FFA0] =	vst v0;
	v0 =	vor.u32 $0x8, v42  }
0x24: {  	v36 =	vor.u32 $0xD, v42;
	v39 =	vor.u32 $0xE, v42;
	v43 =	vor.u32 $0x11, v42;
	[tilespmem:$0x1FF90] =	vst v2  }
0x25: {  	v54 =	vor.u32 $0x15, v42;
	[tilespmem:$0x1FFC0] =	vst v3;
	v2 =	vmin.f32 v33, v32;
	v10 =	vld.idx.msk [tilespmem:v3+s2+$0x0], $0xffff;
	v3 =	vmax.f32 v32, v33  }
0x26: {  	v13 =	vld.idx.msk [tilespmem:v4+s2+$0x0], $0xffff;
	v2 =	vmax.f32 v2, $-1.000000020e+30;
	v5 =	vmin.f32 v7, v3;
	v3 =	vmax.f32 v3, v7  }
0x27: {  	v31 =	vld.idx.msk [tilespmem:v1+s2+$0x0], $0xffff;
	v1 =	vor.u32 $0xC, v42;
	v2 =	vmax.f32 v2, v5;
	v35 =	vmin.f32 v8, v3  }
0x28: {  	v58 =	vor.u32 $0x18, v42;
	v29 =	vld.idx.msk [tilespmem:v0+s2+$0x0], $0xffff;
	v0 =	vmax.f32 v2, v35;
	v2 =	vmax.f32 v3, v8  }
0x29: {  	v59 =	vor.u32 $0x19, v42;
	v60 =	vor.u32 $0x1C, v42;
	v3 =	vmin.f32 v9, v2  }
0x2a: {  	v61 =	vor.u32 $0x1D, v42;
	v37 =	vld.idx.msk [tilespmem:v6+s2+$0x0], $0xffff;
	v2 =	vmax.f32 v2, v9;
	v0 =	vmax.f32 v0, v3  }
0x2b: {  	v20 =	vor.u32 $0x21, v42;
	[tilespmem:$0x1FD90] =	vst v10;
	v3 =	vmin.f32 v10, v2;
	v2 =	vmax.f32 v2, v10;
	v10 =	vld.idx.msk [tilespmem:v25+s2+$0x0], $0xffff  }
0x2c: {  	v24 =	vor.u32 $0x23, v42;
	v44 =	vor.u32 $0x29, v42;
	v45 =	vor.u32 $0x2B, v42;
	v38 =	vmovc v13;
	v14 =	vld.idx.msk [tilespmem:v1+s2+$0x0], $0xffff  }
0x2d: {  	[tilespmem:$0x1FDA0] =	vst v13;
	v1 =	vor.u32 $0x10, v42;
	v0 =	vmax.f32 v0, v3;
	v3 =	vmin.f32 v13, v2;
	v13 =	vld.idx.msk [tilespmem:v26+s2+$0x0], $0xffff  }
0x2e: {  	[tilespmem:$0x1FD60] =	vst v7;
	v35 =	vor.u32 $0x26, v42;
	v0 =	vmax.f32 v0, v3;
	v3 =	vor.u32 $0xF, v42  }
0x2f: {  	[tilespmem:$0x1FD70] =	vst v8;
	v41 =	vmin.f32 v31, v29;
	v8 =	vmax.f32 v29, v31;
	v2 =	vmax.f32 v2, v38  }
0x30: {  	v15 =	vld.idx.msk [tilespmem:v36+s2+$0x0], $0xffff;
	[tilespmem:$0x1FD80] =	vst v9;
	v7 =	vmax.f32 v41, $-1.000000020e+30;
	v40 =	vmin.f32 v37, v2;
	v2 =	vmax.f32 v2, v37  }
0x31: {  	v17 =	vld.idx.msk [tilespmem:v39+s2+$0x0], $0xffff;
	[tilespmem:$0x1FDB0] =	vst v10;
	v9 =	vmin.f32 v10, v8;
	v8 =	vmax.f32 v8, v10;
	v10 =	vor.u32 $0x12, v42  }
0x32: {  	v47 =	vmax.f32 v7, v9;
	v48 =	vmin.f32 v13, v8;
	v9 =	vld.idx.msk [tilespmem:v1+s2+$0x0], $0xffff;
	v1 =	vor.u32 $0x14, v42  }
0x33: {  	[tilespmem:$0x1FFD0] =	vst v4;
	v0 =	vmax.f32 v0, v40;
	v49 =	vmax.f32 v47, v48;
	v47 =	vld.idx.msk [tilespmem:v3+s2+$0x0], $0xffff;
	v3 =	vor.u32 $0x13, v42  }
0x34: {  	v26 =	vor.u32 $0x25, v42;
	v0 =	vadd.f32 v0, v2;
	[tilespmem:$0x1FDC0] =	vst v13;
	v50 =	vmax.f32 v8, v13;
	v13 =	vld.idx.msk [tilespmem:v43+s2+$0x0], $0xffff  }
0x35: {  	[tilespmem:$0x1FFE0] =	vst v6;
	v8 =	vor.u32 $0x16, v42;
	v51 =	vmin.f32 v14, v50;
	v6 =	vmax.f32 v50, v14  }
0x36: {  	v4 =	vmax.f32 v49, v51;
	v52 =	vmin.f32 v15, v6;
	v53 =	vmax.f32 v6, v15;
	v10 =	vld.idx.msk [tilespmem:v10+s2+$0x0], $0xffff  }
0x37: {  	[tilespmem:$0x1FDE0] =	vst v15;
	v51 =	vor.u32 $0x2C, v42;
	v4 =	vmax.f32 v4, v52;
	v55 =	vmin.f32 v17, v53;
	v15 =	vld.idx.msk [tilespmem:v1+s2+$0x0], $0xffff  }
0x38: {  	[tilespmem:$0x1FDD0] =	vst v14;
	v5 =	vmax.f32 v53, v17;
	v52 =	vor.u32 $0x31, v42;
	v14 =	vld.idx.msk [tilespmem:v3+s2+$0x0], $0xffff;
	v3 =	vor.u32 $0x17, v42  }
0x39: {  	v53 =	vor.u32 $0x32, v42;
	[tilespmem:$0x1FE10] =	vst v13;
	v1 =	vmin.f32 v13, v9;
	v57 =	vmax.f32 v9, v13;
	v13 =	vld.idx.msk [tilespmem:v54+s2+$0x0], $0xffff  }
0x3a: {  	[tilespmem:$0x1FDF0] =	vst v17;
	v4 =	vmax.f32 v4, v55;
	v17 =	vld.idx.msk [tilespmem:v8+s2+$0x0], $0xffff;
	v8 =	vor.u32 $0x1A, v42;
	v56 =	vmin.f32 v47, v5  }
0x3b: {  	v41 =	vld.idx.msk [tilespmem:v24+s2+$0x0], $0xffff;
	v1 =	vmax.f32 v1, $-1.000000020e+30;
	v5 =	vmax.f32 v5, v47;
	v2 =	vmax.f32 v4, v56  }
0x3c: {  	[tilespmem:$0x1FE00] =	vst v9;
	v30 =	vld.idx.msk [tilespmem:v51+s2+$0x0], $0xffff;
	v56 =	vor.u32 $0x27, v42;
	v51 =	vor.u32 $0x36, v42;
	v9 =	vmin.f32 v10, v57  }
0x3d: {  	[tilespmem:$0x1FE20] =	vst v10;
	v4 =	vmax.f32 v57, v10;
	v57 =	vor.u32 $0x2F, v42;
	v1 =	vmax.f32 v1, v9;
	v18 =	vld.idx.msk [tilespmem:v3+s2+$0x0], $0xffff  }
0x3e: {  	v10 =	vld.idx.msk [tilespmem:v58+s2+$0x0], $0xffff;
	[tilespmem:$0x1FE50] =	vst v13;
	v9 =	vmin.f32 v14, v4;
	v4 =	vmax.f32 v4, v14;
	v3 =	vor.u32 $0x1B, v42  }
0x3f: {  	[tilespmem:$0x1FE30] =	vst v14;
	v1 =	vmax.f32 v1, v9;
	v9 =	vmin.f32 v15, v4;
	v4 =	vmax.f32 v4, v15  }
0x40: {  	v1 =	vmax.f32 v1, v9;
	v9 =	vmin.f32 v13, v4;
	v4 =	vmax.f32 v4, v13;
	v13 =	vld.idx.msk [tilespmem:v59+s2+$0x0], $0xffff  }
0x41: {  	v14 =	vld.idx.msk [tilespmem:v8+s2+$0x0], $0xffff;
	v1 =	vmax.f32 v1, v9;
	v9 =	vmin.f32 v17, v4;
	v4 =	vmax.f32 v4, v17  }
0x42: {  	v36 =	vld.idx.msk [tilespmem:v35+s2+$0x0], $0xffff;
	v48 =	vadd.f32 v2, v5;
	v1 =	vmax.f32 v1, v9;
	v8 =	vmin.f32 v18, v4  }
0x43: {  	v9 =	vld.idx.msk [tilespmem:v3+s2+$0x0], $0xffff;
	v3 =	vor.u32 $0x1E, v42;
	v4 =	vmax.f32 v4, v18;
	v1 =	vmax.f32 v1, v8  }
0x44: {  	[tilespmem:$0x1FE40] =	vst v15;
	vm0 =	vgt.f32 v48, v0;
	v15 =	vld.idx.msk [tilespmem:v60+s2+$0x0], $0xffff;
	v8 =	vor.u32 $0x1F, v42;
	v46 =	vadd.f32 v1, v4  }
0x45: {  	v19 =	vld.idx.msk [tilespmem:v57+s2+$0x0], $0xffff;
	v1 =	vor.u32 $0x20, v42;
	v2 =	vmin.f32 v13, v10;
	v62 =	vmax.f32 v10, v13  }
0x46: {  	[tilespmem:$0x1FE80] =	vst v10;
	v57 =	vor.u32 $0x3D, v42;
	v10 =	vld.idx.msk [tilespmem:v61+s2+$0x0], $0xffff;
	v2 =	vmax.f32 v2, $-1.000000020e+30;
	v21 =	vmin.f32 v14, v62  }
0x47: {  	[tilespmem:$0x1FE90] =	vst v13;
	v4 =	vmax.f32 v62, v14;
	v2 =	vmax.f32 v2, v21;
	vm3 =	vgt.f32 v46, v0  }
0x48: {  	v62 =	vor.u32 $0x38, v42;
	v22 =	vmovc v9;
	[tilespmem:$0x1FEB0] =	vst v9;
	v23 =	vmin.f32 v9, v4;
	v9 =	vld.idx.msk [tilespmem:v3+s2+$0x0], $0xffff;
	v3 =	vor.u32 $0x22, v42  }
0x49: {  	vm8 =	vgt.f32 v46, v48;
	v2 =	vmax.f32 v2, v23;
	v4 =	vmax.f32 v4, v22;
	v13 =	vld.idx.msk [tilespmem:v8+s2+$0x0], $0xffff  }
0x4a: {  	[tilespmem:$0x1FEA0] =	vst v14;
	v7 =	vmin.f32 v15, v4;
	v4 =	vmax.f32 v4, v15;
	v14 =	vld.idx.msk [tilespmem:v1+s2+$0x0], $0xffff;
	v1 =	vor.u32 $0x24, v42  }
0x4b: {  	v8 =	vmov v10;
	[tilespmem:$0x1FED0] =	vst v10;
	v2 =	vmax.f32 v2, v7;
	v25 =	vmin.f32 v10, v4;
	v10 =	vld.idx.msk [tilespmem:v20+s2+$0x0], $0xffff  }
0x4c: {  	v22 =	vld.idx.msk [tilespmem:v52+s2+$0x0], $0xffff;
	v52 =	vor.u32 $0x3A, v42;
	v4 =	vmax.f32 v4, v8;
	v2 =	vmax.f32 v2, v25  }
0x4d: {  	v8 =	vmin.f32 v9, v4;
	v4 =	vmax.f32 v4, v9;
	v43 =	vld.idx.msk [tilespmem:v3+s2+$0x0], $0xffff;
	v3 =	vor.u32 $0x28, v42  }
0x4e: {  	v38 =	vld.idx.msk [tilespmem:v26+s2+$0x0], $0xffff;
	[tilespmem:$0x1FEE0] =	vst v9;
	v9 =	vor.u32 $0x33, v42;
	v2 =	vmax.f32 v2, v8;
	v8 =	vmin.f32 v13, v4  }
0x4f: {  	v4 =	vmax.f32 v4, v13;
	v2 =	vmax.f32 v2, v8;
	v39 =	vld.idx.msk [tilespmem:v1+s2+$0x0], $0xffff;
	v1 =	vor.u32 $0x2A, v42  }
0x50: {  	[tilespmem:$0x1FF00] =	vst v14;
	v50 =	vadd.f32 v2, v4;
	v2 =	vmin.f32 v10, v14;
	v49 =	vmax.f32 v14, v10  }
0x51: {  	[tilespmem:$0x1FF10] =	vst v10;
	v14 =	vld.idx.msk [tilespmem:v53+s2+$0x0], $0xffff;
	v10 =	vor.u32 $0x35, v42;
	v53 =	vor.u32 $0x37, v42;
	v2 =	vmax.f32 v2, $-1.000000020e+30  }
0x52: {  	v8 =	vmin.f32 v43, v49;
	v5 =	vmax.f32 v49, v43;
	v35 =	vld.idx.msk [tilespmem:v3+s2+$0x0], $0xffff;
	v3 =	vor.u32 $0x30, v42  }
0x53: {  	[tilespmem:$0x1FE60] =	vst v17;
	vm9 =	vgt.f32 v50, v0;
	vm4 =	vgt.f32 v50, v48;
	vm14 =	vgt.f32 v50, v46  }
0x54: {  	v25 =	vld.idx.msk [tilespmem:v44+s2+$0x0], $0xffff;
	v2 =	vmax.f32 v2, v8;
	v8 =	vmin.f32 v41, v5;
	v5 =	vmax.f32 v5, v41  }
0x55: {  	v17 =	vld.idx.msk [tilespmem:v56+s2+$0x0], $0xffff;
	v2 =	vmax.f32 v2, v8;
	v8 =	vmin.f32 v39, v5;
	v5 =	vmax.f32 v5, v39  }
0x56: {  	v26 =	vld.idx.msk [tilespmem:v1+s2+$0x0], $0xffff;
	v1 =	vor.u32 $0x2D, v42;
	v2 =	vmax.f32 v2, v8;
	v8 =	vmin.f32 v38, v5  }
0x57: {  	[tilespmem:$0x1FE70] =	vst v18;
	v5 =	vmax.f32 v5, v38;
	v18 =	vld.idx.msk [tilespmem:v10+s2+$0x0], $0xffff;
	v10 =	vor.u32 $0x3B, v42;
	v2 =	vmax.f32 v2, v8  }
0x58: {  	v24 =	vld.idx.msk [tilespmem:v45+s2+$0x0], $0xffff;
	v54 =	vmin.f32 v36, v5;
	v8 =	vor.u32 $0x2E, v42;
	v5 =	vmax.f32 v5, v36  }
0x59: {  	v23 =	vld.idx.msk [tilespmem:v3+s2+$0x0], $0xffff;
	v3 =	vmin.f32 v25, v35;
	v55 =	vmax.f32 v35, v25;
	v2 =	vmax.f32 v2, v54  }
0x5a: {  	v45 =	vld.idx.msk [tilespmem:v52+s2+$0x0], $0xffff;
	v44 =	vmin.f32 v17, v5;
	v54 =	vor.u32 $0x3C, v42;
	v5 =	vmax.f32 v5, v17  }
0x5b: {  	[tilespmem:$0x1FEC0] =	vst v15;
	v3 =	vmax.f32 v3, $-1.000000020e+30;
	v2 =	vmax.f32 v2, v44;
	v21 =	vld.idx.msk [tilespmem:v1+s2+$0x0], $0xffff;
	v1 =	vmin.f32 v26, v55  }
0x5c: {  	v15 =	vld.idx.msk [tilespmem:v9+s2+$0x0], $0xffff;
	v5 =	vadd.f32 v2, v5;
	v1 =	vmax.f32 v3, v1;
	v3 =	vmax.f32 v55, v26  }
0x5d: {  	v52 =	vld.idx.msk [tilespmem:v10+s2+$0x0], $0xffff;
	v10 =	vor.u32 $0x3E, v42;
	v6 =	vmin.f32 v24, v3;
	v3 =	vmax.f32 v3, v24  }
0x5e: {  	v20 =	vld.idx.msk [tilespmem:v8+s2+$0x0], $0xffff;
	v8 =	vor.u32 $0x34, v42;
	vm5 =	vgt.f32 v5, v0;
	vm10 =	vgt.f32 v5, v48  }
0x5f: {  	vm13 =	vgt.f32 v5, v46;
	v1 =	vmax.f32 v1, v6;
	v58 =	vmin.f32 v30, v3  }
0x60: {  	v3 =	vmax.f32 v3, v30;
	v59 =	vmin.f32 v22, v23;
	v9 =	vmax.f32 v23, v22  }
0x61: {  	[tilespmem:$0x1FEF0] =	vst v13;
	v1 =	vmax.f32 v1, v58;
	v6 =	vmax.f32 v59, $-1.000000020e+30;
	v13 =	vmin.f32 v14, v9  }
0x62: {  	v40 =	vmax.f32 v9, v14;
	v60 =	vmin.f32 v21, v3;
	v61 =	vmax.f32 v6, v13  }
0x63: {  	v3 =	vmax.f32 v3, v21;
	v13 =	vmin.f32 v15, v40;
	v27 =	vld.idx.msk [tilespmem:v8+s2+$0x0], $0xffff;
	v8 =	vor.u32 $0x39, v42  }
0x64: {  	[tilespmem:$0x1FF20] =	vst v14;
	v7 =	vmax.f32 v40, v15;
	v6 =	vsel vm9, $0x1, v63;
	vm9 =	vmneg vm9  }
0x65: {  	v14 =	vld.idx.msk [tilespmem:v51+s2+$0x0], $0xffff;
	v1 =	vmax.f32 v1, v60;
	v9 =	vmin.f32 v20, v3;
	v3 =	vmax.f32 v3, v20  }
0x66: {  	v4 =	vmax.f32 v61, v13;
	v13 =	vld.idx.msk [tilespmem:v53+s2+$0x0], $0xffff;
	v1 =	vmax.f32 v1, v9;
	v55 =	vmin.f32 v19, v3  }
0x67: {  	[tilespmem:$0x1FF30] =	vst v15;
	v61 =	vor.u32 $0x3F, v42;
	v9 =	vld.idx.msk [tilespmem:v62+s2+$0x0], $0xffff;
	v49 =	vmax.f32 v3, v19;
	v1 =	vmax.f32 v1, v55  }
0x68: {  	v55 =	vadd.f32 v1, v49;
	v15 =	vld.idx.msk [tilespmem:v8+s2+$0x0], $0xffff;
	v56 =	vmin.f32 v27, v7;
	v7 =	vmax.f32 v7, v27  }
0x69: {  	[tilespmem:$0x1FF40] =	vst v27;
	v4 =	vmax.f32 v4, v56;
	v60 =	vmin.f32 v18, v7;
	v7 =	vmax.f32 v7, v18  }
0x6a: {  	v27 =	vld.idx.msk [tilespmem:v10+s2+$0x0], $0xffff;
	vm6 =	vgt.f32 v55, v0;
	v1 =	vmax.f32 v4, v60;
	v10 =	vmin.f32 v14, v7  }
0x6b: {  	vm11 =	vgt.f32 v55, v48;
	v7 =	vmax.f32 v7, v14;
	v10 =	vmax.f32 v1, v10  }
0x6c: {  	v44 =	vmin.f32 v13, v7;
	v7 =	vmax.f32 v7, v13;
	v1 =	vimm.s32 $0x0  }
0x6d: {  	v10 =	vmax.f32 v10, v44;
	v44 =	vsel vm6, $0x1, v63;
	vm6 =	vmneg vm6  }
0x6e: {  	v2 =	vmin.f32 v15, v9;
	v62 =	vmax.f32 v9, v15;
	v7 =	vadd.f32 v10, v7  }
0x6f: {  	v53 =	vld.idx.msk [tilespmem:v54+s2+$0x0], $0xffff;
	v56 =	vsel vm6, $0x1, v63;
	vm6 =	vmneg vm8;
	v2 =	vmax.f32 v2, $-1.000000020e+30  }
0x70: {  	v51 =	vld.idx.msk [tilespmem:v57+s2+$0x0], $0xffff;
	v4 =	vmin.f32 v45, v62;
	v54 =	vmax.f32 v62, v45;
	v62 =	vsel vm0, $0x1, v63  }
0x71: {  	vm0 =	vmneg vm0;
	v57 =	vmax.f32 v2, v4;
	v49 =	vmin.f32 v52, v54  }
0x72: {  	v54 =	vmax.f32 v54, v52;
	v4 =	vsel vm3, $0x1, v63;
	vm7 =	vgt.f32 v7, v0  }
0x73: {  	[tilespmem:$0x1FF60] =	vst v15;
	v15 =	vld.idx.msk [tilespmem:v61+s2+$0x0], $0xffff;
	vm12 =	vgt.f32 v7, v48;
	vm3 =	vmneg vm3;
	v2 =	vimm.s32 $0x0  }
0x74: {  	v49 =	vmax.f32 v57, v49;
	v40 =	vmin.f32 v53, v54;
	v54 =	vmax.f32 v54, v53  }
0x75: {  	[tilespmem:$0x1FF70] =	vst v45;
	v57 =	vsel vm7, $0x1, v63;
	v49 =	vmax.f32 v49, v40;
	v45 =	vmin.f32 v51, v54  }
0x76: {  	v54 =	vmax.f32 v54, v51;
	v40 =	vsel vm5, $0x1, v63;
	vm5 =	vmneg vm5  }
0x77: {  	v49 =	vmax.f32 v49, v45;
	v60 =	vmin.f32 v27, v54;
	v54 =	vmax.f32 v54, v27  }
0x78: {  	v45 =	vsel vm8, $0x1, v63;
	v10 =	vmax.f32 v49, v60;
	v61 =	vmin.f32 v15, v54  }
0x79: {  	v49 =	vadd.s32 v62, v4;
	v54 =	vmax.f32 v54, v15;
	v60 =	vsel vm6, $0x1, v63  }
0x7a: {  	vm6 =	vgt.f32 v55, v5;
	v10 =	vmax.f32 v10, v61;
	v49 =	vadd.s32 v6, v49  }
0x7b: {  	v61 =	vsel vm4, $0x1, v63;
	v49 =	vadd.s32 v40, v49;
	v10 =	vadd.f32 v10, v54  }
0x7c: {  	v54 =	vsel vm5, $0x1, v63;
	v40 =	vsel vm12, $0x1, v2;
	v49 =	vadd.s32 v44, v49  }
0x7d: {  	vm2 =	vgt.f32 v10, v0;
	v0 =	vsel vm0, $0x1, v63;
	vm15 =	vgt.f32 v10, v48  }
0x7e: {  	vm0 =	vgt.f32 v55, v46;
	v48 =	vsel vm3, $0x1, v63;
	vm3 =	vgt.f32 v5, v50  }
0x7f: {  	vm5 =	vgt.f32 v10, v50;
	vm8 =	vgt.f32 v10, v5;
	v1 =	vsel vm0, $0xFFFFFFFF, v1  }
0x80: {  	v57 =	vadd.s32 v57, v49;
	vm0 =	vgt.f32 v7, v46;
	[tilespmem:$0x1FD20] =	vst v1;
	v1 =	vimm.s32 $0x0  }
0x81: {  	v0 =	vadd.s32 v0, v45;
	vm1 =	vmneg vm2;
	v1 =	vsel vm0, $0xFFFFFFFF, v1  }
0x82: {  	v59 =	vsel vm2, $0x1, v63;
	vm0 =	vgt.f32 v10, v46;
	[tilespmem:$0x1FD30] =	vst v1;
	v1 =	vimm.s32 $0x0  }
0x83: {  	vm2 =	vmneg vm4;
	vm4 =	vmneg vm11;
	v1 =	vsel vm0, $0xFFFFFFFF, v1  }
0x84: {  	v62 =	vsel vm2, $0x1, v63;
	v44 =	vsel vm4, $0x1, v2;
	[tilespmem:$0x1FD40] =	vst v1;
	v1 =	vimm.s32 $0x0  }
0x85: {  	vm4 =	vgt.f32 v7, v55;
	vm2 =	vgt.f32 v10, v55;
	v1 =	vsel vm8, $0xFFFFFFFF, v1  }
0x86: {  	v0 =	vadd.s32 v61, v0;
	v46 =	vsel vm9, $0x1, v63;
	vm9 =	vgt.f32 v55, v50;
	[tilespmem:$0x1FD50] =	vst v1;
	v1 =	vld [tilespmem:$0x1FD20]  }
0x87: {  	v62 =	vadd.s32 v62, v46;
	vm0 =	vmneg vm7;
	vm7 =	vgt.f32 v7, v50  }
0x88: {  	v50 =	vsel vm1, $0x1, v63;
	vm1 =	vgt.f32 v7, v5;
	v5 =	vsel vm10, $0x1, v63  }
0x89: {  	vm10 =	vmneg vm10;
	v58 =	vsel vm0, $0x1, v63;
	vm0 =	vgt.f32 v10, v7  }
0x8a: {  	v7 =	vadd.s32 v59, v57;
	v57 =	vsel vm15, $0x1, v2;
	vm15 =	vmneg vm15  }
0x8b: {  	v45 =	vsel vm10, $0x1, v63;
	v59 =	vsel vm15, $0x1, v2;
	vm15 =	vnez.u8 v1;
	v1 =	vld [tilespmem:$0x1FD30]  }
0x8c: {  	v63 =	vsel vm11, $0x1, v2;
	v10 =	vadd.s32 v60, v48;
	v0 =	vadd.s32 v5, v0  }
0x8d: {  	v60 =	vsel vm14, $0x1, v2;
	vm8 =	vmneg vm12;
	v0 =	vadd.s32 v63, v0  }
0x8e: {  	v45 =	vadd.s32 v45, v54;
	vm12 =	vmneg vm14;
	v0 =	vadd.s32 v40, v0  }
0x8f: {  	vm14 =	vmneg vm13;
	v61 =	vsel vm12, $0x1, v2;
	v0 =	vadd.s32 v57, v0  }
0x90: {  	v5 =	vadd.s32 v61, v62;
	v62 =	vsel vm13, $0x1, v2;
	vm12 =	vnez.u8 v1  }
0x91: {  	vm13 =	vmneg vm12;
	v54 =	vsel vm12, $0x1, v2;
	vm12 =	vmneg vm9  }
0x92: {  	v61 =	vsel vm12, $0x1, v2;
	vm12 =	vlt.u32 v0, $0x4;
	v0 =	vld [tilespmem:$0x1FD60];
	_ =	sdelay $0x2  }
0x93: {  	v10 =	vadd.s32 v60, v10  }
0x94: {  	vm11 =	vlt.u32 v7, $0x4;
	v55 =	vsel vm8, $0x1, v2;
	v40 =	vadd.s32 v59, v50  }
0x95: {  	v63 =	vsel vm14, $0x1, v2;
	v58 =	vadd.s32 v55, v58;
	v49 =	vnsel vm11, $0x0, v0;
	v0 =	vld [tilespmem:$0x1FD70]  }
0x96: {  	v10 =	vadd.s32 v62, v10;
	v4 =	vsel vm15, $0x1, v2;
	v1 =	vld [tilespmem:$0x1FD40];
	v55 =	vsel vm13, $0x1, v2  }
0x97: {  	v46 =	vadd.s32 v55, v58;
	v58 =	vsel vm3, $0x1, v2;
	vm3 =	vmneg vm3  }
0x98: {  	v45 =	vadd.s32 v63, v45;
	v10 =	vadd.s32 v4, v10;
	v59 =	vsel vm3, $0x1, v2  }
0x99: {  	v10 =	vadd.s32 v54, v10;
	v54 =	vsel vm6, $0x1, v2;
	v45 =	vadd.s32 v59, v45  }
0x9a: {  	v45 =	vadd.s32 v54, v45;
	v54 =	vnsel vm11, $0x0, v0;
	v0 =	vld [tilespmem:$0x1FD80]  }
0x9b: {  	vm8 =	vmneg vm15;
	vm14 =	vnez.u8 v1  }
0x9c: {  	v44 =	vadd.s32 v44, v56;
	v6 =	vsel vm8, $0x1, v2;
	vm15 =	vmneg vm14  }
0x9d: {  	v44 =	vadd.s32 v6, v44;
	v57 =	vsel vm15, $0x1, v2;
	vm15 =	vmneg vm6  }
0x9e: {  	v44 =	vadd.s32 v61, v44;
	v55 =	vsel vm15, $0x1, v2  }
0x9f: {  	v44 =	vadd.s32 v55, v44;
	v55 =	vnsel vm11, $0x0, v0;
	v0 =	vld [tilespmem:$0x1FD90];
	_ =	sdelay $0x2  }
0xa0: {  	v56 =	vsel vm14, $0x1, v2  }
0xa1: {  	v10 =	vadd.s32 v56, v10;
	v56 =	vsel vm1, $0x1, v2  }
0xa2: {  	v45 =	vadd.s32 v56, v45;
	v56 =	vnsel vm11, $0x0, v0;
	v0 =	vld [tilespmem:$0x1FDA0]  }
0xa3: {  	v1 =	vld [tilespmem:$0x1FD50]  }
0xa4: {  	v60 =	vsel vm9, $0x1, v2;
	vm13 =	vmneg vm7  }
0xa5: {  	vm10 =	vmneg vm0;
	v63 =	vsel vm13, $0x1, v2;
	vm6 =	vmneg vm1  }
0xa6: {  	v46 =	vadd.s32 v63, v46;
	v40 =	vadd.s32 v57, v40;
	v57 =	vsel vm6, $0x1, v2  }
0xa7: {  	v7 =	vnsel vm11, $0x0, v33;
	v46 =	vadd.s32 v57, v46;
	v57 =	vnsel vm11, $0x0, v0;
	v0 =	vld [tilespmem:$0x1FDB0]  }
0xa8: {  	v62 =	vsel vm7, $0x1, v2;
	vm14 =	vmneg vm5;
	vm7 =	vnez.u8 v1  }
0xa9: {  	vm8 =	vmneg vm4;
	v6 =	vsel vm14, $0x1, v2;
	vm1 =	vmneg vm7  }
0xaa: {  	vm9 =	vmneg vm2;
	v40 =	vadd.s32 v6, v40;
	v59 =	vsel vm1, $0x1, v2  }
0xab: {  	v5 =	vadd.s32 v58, v5;
	v63 =	vsel vm9, $0x1, v2;
	v40 =	vadd.s32 v59, v40  }
0xac: {  	v5 =	vadd.s32 v60, v5;
	v40 =	vadd.s32 v63, v40;
	v63 =	vnsel vm12, $0x0, v0;
	v0 =	vld [tilespmem:$0x1FDC0]  }
0xad: {  	v4 =	vsel vm5, $0x1, v2;
	v61 =	vsel vm8, $0x1, v2;
	v5 =	vadd.s32 v62, v5  }
0xae: {  	v60 =	vsel vm4, $0x1, v2;
	v62 =	vsel vm2, $0x1, v2;
	v5 =	vadd.s32 v4, v5  }
0xaf: {  	v4 =	vsel vm0, $0x1, v2;
	v6 =	vsel vm10, $0x1, v2;
	v1 =	vnsel vm11, $0x0, v32  }
0xb0: {  	v46 =	vadd.s32 v61, v46;
	v58 =	vsel vm7, $0x1, v2;
	vm13 =	vgt.f32 v7, v1  }
0xb1: {  	v50 =	vadd.s32 v4, v46;
	v4 =	vsel vm13, $0x1, v2;
	v2 =	vnsel vm12, $0x0, v0;
	v0 =	vld [tilespmem:$0x1FDD0];
	_ =	sdelay $0x4  }
0xb2: {  	v3 =	vnsel vm12, $0x0, v0;
	v0 =	vld [tilespmem:$0x1FDE0]  }
0xb3: {  	v47 =	vnsel vm12, $0x0, v47;
	v44 =	vadd.s32 v60, v44;
	v61 =	vnsel vm12, $0x0, v29  }
0xb4: {  	v48 =	vadd.s32 v62, v44;
	v62 =	vnsel vm12, $0x0, v31;
	vm14 =	vgt.f32 v54, v49  }
0xb5: {  	v45 =	vadd.s32 v58, v45;
	v32 =	vsel vm13, v7, v1;
	v33 =	vsel vm14, v54, v49  }
0xb6: {  	v40 =	vadd.s32 v6, v40;
	vm10 =	vgt.f32 v33, v32;
	v6 =	vsel vm14, $0x3, v11  }
0xb7: {  	v58 =	vnsel vm11, $0x0, v37;
	v46 =	vsel vm10, v6, v4;
	v4 =	vnsel vm12, $0x0, v0;
	v0 =	vld [tilespmem:$0x1FDF0]  }
0xb8: {  	vm1 =	vgt.f32 v62, v61;
	vm15 =	vgt.f32 v56, v55;
	vm9 =	vgt.f32 v58, v57  }
0xb9: {  	v44 =	vsel vm10, v33, v32;
	v59 =	vsel vm15, v56, v55;
	v37 =	vsel vm9, v58, v57  }
0xba: {  	v32 =	vsel vm15, $0x5, v12;
	v33 =	vsel vm9, $0x7, v16;
	vm11 =	vgt.f32 v37, v59  }
0xbb: {  	v29 =	vsel vm1, v62, v61;
	v59 =	vsel vm11, v37, v59;
	v60 =	vsel vm11, v33, v32  }
0xbc: {  	vm0 =	vgt.f32 v59, v44;
	vm3 =	vgt.f32 v2, v63;
	v6 =	vnsel vm12, $0x0, v0  }
0xbd: {  	v31 =	vsel vm3, v2, v63;
	vm4 =	vgt.f32 v4, v3;
	vm12 =	vgt.f32 v47, v6  }
0xbe: {  	vm13 =	vgt.f32 v31, v29;
	v32 =	vsel vm4, v4, v3;
	v37 =	vsel vm12, v47, v6  }
0xbf: {  	v29 =	vsel vm13, v31, v29;
	v0 =	vimm.s32 $0xC;
	vm14 =	vgt.f32 v37, v32  }
0xc0: {  	v31 =	vsel vm14, v37, v32;
	v37 =	vsel vm4, $0xD, v0;
	v0 =	vimm.s32 $0xE  }
0xc1: {  	v59 =	vsel vm0, v59, v44;
	v44 =	vsel vm0, v60, v46;
	v46 =	vsel vm12, $0xF, v0;
	v0 =	vld [tilespmem:$0x1FE00];
	_ =	sdelay $0x1  }
0xc2: {  	vm2 =	vlt.u32 v5, $0x4  }
0xc3: {  	vm15 =	vlt.u32 v10, $0x4;
	v60 =	vsel vm1, $0x9, v28;
	v10 =	vsel vm3, $0xB, v34  }
0xc4: {  	v5 =	vsel vm13, v10, v60;
	vm11 =	vgt.f32 v31, v29;
	v10 =	vsel vm14, v46, v37  }
0xc5: {  	v46 =	vsel vm11, v10, v5;
	v5 =	vnsel vm15, $0x0, v0;
	v0 =	vld [tilespmem:$0x1FE10];
	_ =	sdelay $0x4  }
0xc6: {  	v60 =	vsel vm11, v31, v29;
	v29 =	vnsel vm15, $0x0, v0;
	v0 =	vld [tilespmem:$0x1FE20];
	_ =	sdelay $0x4  }
0xc7: {  	v31 =	vnsel vm15, $0x0, v0;
	v0 =	vld [tilespmem:$0x1FE30];
	_ =	sdelay $0x4  }
0xc8: {  	v32 =	vnsel vm15, $0x0, v0;
	v0 =	vld [tilespmem:$0x1FE40];
	_ =	sdelay $0x4  }
0xc9: {  	v33 =	vnsel vm15, $0x0, v0;
	v0 =	vld [tilespmem:$0x1FE50];
	_ =	sdelay $0x4  }
0xca: {  	v11 =	vnsel vm15, $0x0, v0;
	v0 =	vld [tilespmem:$0x1FE60];
	_ =	sdelay $0x4  }
0xcb: {  	v37 =	vnsel vm15, $0x0, v0;
	v0 =	vld [tilespmem:$0x1FE70];
	_ =	sdelay $0x3  }
0xcc: {  	v8 =	vimm.s32 $0x10;
	vm6 =	vgt.f32 v29, v5;
	vm7 =	vgt.f32 v32, v31  }
0xcd: {  	[tilespmem:$0x4000] =	vst v1;
	v1 =	vld [tilespmem:$0x1FED0];
	v10 =	vsel vm6, v29, v5;
	v28 =	vsel vm7, v32, v31;
	v16 =	vnsel vm15, $0x0, v0  }
0xce: {  	vm10 =	vgt.f32 v28, v10;
	vm8 =	vgt.f32 v11, v33;
	vm9 =	vgt.f32 v16, v37  }
0xcf: {  	v10 =	vsel vm10, v28, v10;
	v34 =	vsel vm8, v11, v33;
	v0 =	vsel vm9, v16, v37  }
0xd0: {  	v28 =	vsel vm6, $0x11, v8;
	v8 =	vimm.s32 $0x12;
	vm11 =	vgt.f32 v0, v34  }
0xd1: {  	v0 =	vsel vm11, v0, v34;
	v34 =	vsel vm7, $0x13, v8  }
0xd2: {  	v12 =	vsel vm10, v34, v28;
	v28 =	vnsel vm2, $0x0, v1;
	v1 =	vld [tilespmem:$0x1FEE0];
	_ =	sdelay $0x4  }
0xd3: {  	[tilespmem:$0x4180] =	vst v54;
	v54 =	vnsel vm2, $0x0, v1;
	v1 =	vld [tilespmem:$0x1FEF0];
	_ =	sdelay $0x4  }
0xd4: {  	[tilespmem:$0x4080] =	vst v7;
	v7 =	vnsel vm2, $0x0, v1;
	v1 =	vld [tilespmem:$0x1FF00];
	_ =	sdelay $0x1  }
0xd5: {  	vm5 =	vlt.u32 v45, $0x4  }
0xd6: {  	vm13 =	vlt.u32 v50, $0x4;
	vm12 =	vlt.u32 v48, $0x4;
	vm15 =	vgt.f32 v0, v10  }
0xd7: {  	vm14 =	vlt.u32 v40, $0x4;
	v8 =	vimm.s32 $0x14;
	v40 =	vsel vm15, v0, v10;
	v0 =	vld [tilespmem:$0x1FE80]  }
0xd8: {  	v48 =	vsel vm8, $0x15, v8;
	v8 =	vimm.s32 $0x16;
	v10 =	vnsel vm5, $0x0, v1;
	v1 =	vld [tilespmem:$0x1FF10]  }
0xd9: {  	v50 =	vsel vm9, $0x17, v8;
	v8 =	vnsel vm5, $0x0, v41;
	v41 =	vnsel vm5, $0x0, v17;
	v17 =	vld [tilespmem:$0x1FF20];
	_ =	sdelay $0x2  }
0xda: {  	v45 =	vnsel vm2, $0x0, v0;
	v0 =	vld [tilespmem:$0x1FE90]  }
0xdb: {  	[tilespmem:$0x4200] =	vst v55;
	v55 =	vnsel vm5, $0x0, v1;
	v1 =	vnsel vm5, $0x0, v43;
	v43 =	vnsel vm5, $0x0, v36  }
0xdc: {  	v36 =	vnsel vm12, $0x0, v26;
	v26 =	vnsel vm12, $0x0, v21;
	v21 =	vnsel vm13, $0x0, v17;
	v17 =	vld [tilespmem:$0x1FF30]  }
0xdd: {  	[tilespmem:$0x1FF50] =	vst v9  }
0xde: {  	[tilespmem:$0x4780] =	vst v47  }
0xdf: {  	v9 =	vnsel vm5, $0x0, v38;
	[tilespmem:$0x4280] =	vst v56;
	v34 =	vsel vm11, v50, v48;
	v48 =	vnsel vm2, $0x0, v0;
	v0 =	vld [tilespmem:$0x1FEA0]  }
0xe0: {  	v56 =	vnsel vm5, $0x0, v39;
	[tilespmem:$0x4500] =	vst v63;
	v63 =	vimm.s32 $0x18;
	v23 =	vnsel vm13, $0x0, v23  }
0xe1: {  	[tilespmem:$0x4100] =	vst v49;
	v38 =	vnsel vm12, $0x0, v25;
	v25 =	vnsel vm12, $0x0, v20;
	v20 =	vnsel vm13, $0x0, v17;
	v17 =	vld [tilespmem:$0x1FF40]  }
0xe2: {  	[tilespmem:$0x4580] =	vst v2;
	v2 =	vld [tilespmem:$0x1FF50];
	v22 =	vnsel vm13, $0x0, v22;
	v18 =	vnsel vm13, $0x0, v18;
	v47 =	vimm.s32 $0x1E  }
0xe3: {  	[tilespmem:$0x4400] =	vst v61;
	vm4 =	vgt.f32 v9, v56;
	v39 =	vnsel vm12, $0x0, v35;
	v35 =	vnsel vm12, $0x0, v24  }
0xe4: {  	[tilespmem:$0x4300] =	vst v57;
	v30 =	vnsel vm12, $0x0, v30;
	v24 =	vnsel vm12, $0x0, v19;
	v50 =	vnsel vm2, $0x0, v0;
	v0 =	vld [tilespmem:$0x1FEB0]  }
0xe5: {  	[tilespmem:$0x4700] =	vst v6;
	v57 =	vnsel vm14, $0x0, v52;
	v53 =	vnsel vm14, $0x0, v53;
	v52 =	vnsel vm14, $0x0, v51  }
0xe6: {  	v51 =	vnsel vm14, $0x0, v27;
	v6 =	vnsel vm14, $0x0, v15;
	[tilespmem:$0x4880] =	vst v29;
	v19 =	vnsel vm13, $0x0, v17  }
0xe7: {  	[tilespmem:$0x4900] =	vst v31;
	v17 =	vnsel vm13, $0x0, v14;
	v14 =	vnsel vm13, $0x0, v13;
	v13 =	vnsel vm14, $0x0, v2;
	v2 =	vld [tilespmem:$0x1FF60]  }
0xe8: {  	v27 =	vimm.s32 $0x1C;
	v15 =	vimm.s32 $0x1A;
	v29 =	vimm.s32 $0x26;
	[tilespmem:$0x4980] =	vst v32  }
0xe9: {  	v32 =	vimm.s32 $0x2A;
	v31 =	vimm.s32 $0x28;
	[tilespmem:$0x4A00] =	vst v33;
	v49 =	vnsel vm2, $0x0, v0;
	v0 =	vld [tilespmem:$0x1FEC0]  }
0xea: {  	v33 =	vimm.s32 $0x2C;
	[tilespmem:$0x4B00] =	vst v37;
	v37 =	vimm.s32 $0x2E;
	vm8 =	vgt.f32 v48, v45  }
0xeb: {  	[tilespmem:$0x4600] =	vst v3;
	v34 =	vsel vm15, v34, v12;
	v3 =	vsel vm8, $0x19, v63;
	v63 =	vimm.s32 $0x20  }
0xec: {  	[tilespmem:$0x4A80] =	vst v11;
	vm15 =	vgt.f32 v8, v1;
	vm5 =	vgt.f32 v41, v43;
	v61 =	vnsel vm14, $0x0, v2;
	v2 =	vld [tilespmem:$0x1FF70]  }
0xed: {  	[tilespmem:$0x4B80] =	vst v16;
	vm9 =	vgt.f32 v49, v50;
	v11 =	vsel vm15, v8, v1;
	v16 =	vsel vm5, v41, v43  }
0xee: {  	[tilespmem:$0x4680] =	vst v4;
	v29 =	vsel vm5, $0x27, v29;
	v4 =	vsel vm9, v49, v50;
	v0 =	vnsel vm2, $0x0, v0  }
0xef: {  	[tilespmem:$0x4800] =	vst v5;
	vm2 =	vgt.f32 v7, v54;
	vm5 =	vgt.f32 v20, v21;
	vm10 =	vgt.f32 v28, v0  }
0xf0: {  	[tilespmem:$0x4E80] =	vst v28;
	v12 =	vsel vm2, v7, v54;
	v5 =	vsel vm10, v28, v0;
	v28 =	vimm.s32 $0x38  }
0xf1: {  	[tilespmem:$0x4380] =	vst v58;
	vm12 =	vgt.f32 v12, v5;
	v58 =	vnsel vm14, $0x0, v2;
	v2 =	vsel vm8, v48, v45  }
0xf2: {  	v5 =	vsel vm12, v12, v5;
	v12 =	vsel vm2, $0x1F, v47;
	vm11 =	vgt.f32 v4, v2  }
0xf3: {  	[tilespmem:$0x4C80] =	vst v48;
	vm14 =	vgt.f32 v55, v10;
	v48 =	vimm.s32 $0x4;
	v2 =	vsel vm11, v4, v2  }
0xf4: {  	v4 =	vsel vm9, $0x1B, v15;
	v15 =	vsel vm10, $0x1D, v27;
	v27 =	vimm.s32 $0x24  }
0xf5: {  	vm9 =	vgt.f32 v38, v39;
	vm10 =	vgt.f32 v35, v36;
	v3 =	vsel vm11, v4, v3  }
0xf6: {  	v47 =	vsel vm12, v12, v15;
	vm13 =	vgt.f32 v5, v2;
	v4 =	vsel vm14, v55, v10  }
0xf7: {  	[tilespmem:$0x5200] =	vst v56;
	v12 =	vimm.s32 $0x22;
	v15 =	vsel vm4, v9, v56;
	v27 =	vsel vm4, $0x25, v27  }
0xf8: {  	[tilespmem:$0x4E00] =	vst v0;
	v0 =	vsel vm9, v38, v39;
	vm11 =	vgt.f32 v26, v30;
	vm12 =	vgt.f32 v24, v25  }
0xf9: {  	[tilespmem:$0x4F00] =	vst v54;
	v54 =	vsel vm10, $0x2B, v32;
	vm4 =	vgt.f32 v22, v23;
	v56 =	vsel vm5, v20, v21  }
0xfa: {  	v2 =	vsel vm13, v5, v2;
	v3 =	vsel vm13, v47, v3;
	v5 =	vsel vm14, $0x21, v63  }
0xfb: {  	v63 =	vimm.s32 $0x32;
	v47 =	vimm.s32 $0x30;
	v12 =	vsel vm15, $0x23, v12  }
0xfc: {  	[tilespmem:$0x5000] =	vst v10;
	vm6 =	vgt.f32 v11, v4;
	vm7 =	vgt.f32 v16, v15;
	v10 =	vsel vm11, $0x2D, v33  }
0xfd: {  	v4 =	vsel vm6, v11, v4;
	v11 =	vsel vm7, v16, v15;
	v5 =	vsel vm6, v12, v5  }
0xfe: {  	v12 =	vsel vm7, v29, v27;
	v15 =	vsel vm11, v26, v30;
	v16 =	vsel vm12, v24, v25  }
0xff: {  	v27 =	vsel vm12, $0x2F, v37;
	vm6 =	vgt.f32 v18, v19;
	vm7 =	vgt.f32 v14, v17  }
0x100: {  	[tilespmem:$0x5180] =	vst v8;
	v8 =	vsel vm5, $0x33, v63;
	v63 =	vimm.s32 $0x0;
	v37 =	vimm.s32 $0x3E  }
0x101: {  	[tilespmem:$0x5280] =	vst v9;
	v29 =	vimm.s32 $0x3A;
	vm11 =	vgt.f32 v61, v13;
	vm12 =	vgt.f32 v57, v58  }
0x102: {  	[tilespmem:$0x5380] =	vst v41;
	vm8 =	vgt.f32 v11, v4;
	vm14 =	vgt.f32 v16, v15;
	v9 =	vsel vm6, v18, v19  }
0x103: {  	[tilespmem:$0x5A00] =	vst v19;
	v41 =	vsel vm12, v57, v58;
	v19 =	vimm.s32 $0x2;
	v4 =	vsel vm8, v11, v4  }
0x104: {  	[tilespmem:$0x4480] =	vst v62;
	v5 =	vsel vm8, v12, v5;
	v11 =	vsel vm9, $0x29, v31;
	v12 =	vsel vm10, v35, v36  }
0x105: {  	[tilespmem:$0x5080] =	vst v55;
	v55 =	vsel vm14, v27, v10;
	v31 =	vimm.s32 $0x3C;
	v10 =	vsel vm7, v14, v17  }
0x106: {  	[tilespmem:$0x5B80] =	vst v14;
	v14 =	vimm.s32 $0x6;
	vm13 =	vgt.f32 v12, v0;
	vm9 =	vgt.f32 v10, v9  }
0x107: {  	[tilespmem:$0x5100] =	vst v1;
	v0 =	vsel vm13, v12, v0;
	v12 =	vsel vm14, v16, v15;
	v1 =	vsel vm13, v54, v11  }
0x108: {  	[tilespmem:$0x5400] =	vst v39;
	v16 =	vimm.s32 $0x36;
	v39 =	vsel vm9, v10, v9;
	vm13 =	vgt.f32 v52, v53  }
0x109: {  	[tilespmem:$0x5800] =	vst v23;
	vm14 =	vgt.f32 v6, v51;
	vm15 =	vgt.f32 v12, v0;
	v16 =	vsel vm7, $0x37, v16  }
0x10a: {  	[tilespmem:$0x5300] =	vst v43;
	v9 =	vsel vm13, v52, v53;
	v10 =	vsel vm14, v6, v51;
	v43 =	vsel vm14, $0x3F, v37  }
0x10b: {  	[tilespmem:$0x5880] =	vst v22;
	vm7 =	vgt.f32 v2, v40;
	v15 =	vsel vm15, v12, v0;
	v11 =	vsel vm15, v55, v1  }
0x10c: {  	[tilespmem:$0x5A80] =	vst v18;
	v0 =	vsel vm4, v22, v23;
	v1 =	vsel vm4, $0x31, v47;
	v12 =	vimm.s32 $0x34  }
0x10d: {  	[tilespmem:$0x5480] =	vst v38;
	vm4 =	vgt.f32 v10, v9;
	v19 =	vsel vm7, $0x3, v19;
	v12 =	vsel vm6, $0x35, v12  }
0x10e: {  	[tilespmem:$0x4C00] =	vst v45;
	vm8 =	vgt.f32 v56, v0;
	v45 =	vsel vm4, v10, v9;
	vm6 =	vgt.f32 v60, v59  }
0x10f: {  	[tilespmem:$0x5580] =	vst v35;
	v10 =	vsel vm7, v2, v40;
	v0 =	vsel vm8, v56, v0;
	v1 =	vsel vm8, v8, v1  }
0x110: {  	[tilespmem:$0x5600] =	vst v30;
	v8 =	vsel vm9, v16, v12;
	v12 =	vsel vm13, $0x3D, v31;
	vm8 =	vgt.f32 v15, v4  }
0x111: {  	[tilespmem:$0x5700] =	vst v25;
	v9 =	vsel vm6, $0x1, v63;
	vm10 =	vgt.f32 v39, v0;
	v47 =	vsel vm8, v15, v4  }
0x112: {  	[tilespmem:$0x5780] =	vst v24;
	v18 =	vsel vm8, v11, v5;
	v27 =	vsel vm10, v39, v0;
	v0 =	vsel vm11, v61, v13  }
0x113: {  	[tilespmem:$0x4D80] =	vst v49;
	v49 =	vsel vm8, $0x5, v48;
	v16 =	vsel vm10, v8, v1;
	vm15 =	vgt.f32 v41, v0  }
0x114: {  	[tilespmem:$0x5D80] =	vst v57;
	v1 =	vsel vm11, $0x39, v28;
	v8 =	vsel vm12, $0x3B, v29;
	v0 =	vsel vm15, v41, v0  }
0x115: {  	[tilespmem:$0x5E00] =	vst v53;
	v1 =	vsel vm15, v8, v1;
	v8 =	vsel vm4, v43, v12;
	vm5 =	vgt.f32 v45, v0  }
0x116: {  	[tilespmem:$0x4F80] =	vst v7;
	v12 =	vsel vm7, v3, v34;
	v7 =	vsel vm5, v45, v0;
	v1 =	vsel vm5, v8, v1  }
0x117: {  	[tilespmem:$0x4D00] =	vst v50;
	v0 =	vsel vm6, v60, v59;
	v8 =	vsel vm6, v46, v44;
	vm9 =	vgt.f32 v7, v27  }
0x118: {  	[tilespmem:$0x5B00] =	vst v17;
	vm10 =	vgt.f32 v10, v0;
	v17 =	vsel vm9, v7, v27;
	v50 =	vsel vm9, v1, v16  }
0x119: {  	[tilespmem:$0x5E80] =	vst v52;
	v14 =	vsel vm9, $0x7, v14;
	v22 =	vsel vm10, v10, v0;
	vm11 =	vgt.f32 v17, v47  }
0x11a: {  	[tilespmem:$0x5900] =	vst v21;
	v0 =	vsel vm10, v12, v8;
	v8 =	vsel vm10, v19, v9;
	v21 =	vsel vm11, v17, v47  }
0x11b: {  	[tilespmem:$0x5F00] =	vst v51;
	v9 =	vsel vm11, v50, v18;
	v10 =	vsel vm11, v14, v49;
	vm0 =	vgt.f32 v21, v22  }
0x11c: {  	[tilespmem:$0x5F80] =	vst v6;
	v43 =	vsel vm0, v9, v0;
	v8 =	vsel vm0, v10, v8  }
0x11d: {  	[tilespmem:$0x5C80] =	vst v61;
	v61 =	vlaneseq.u32;
	v0 =	vshll.u32 v43, $0x7;
	v9 =	vshll.u32 v8, $0x3  }
0x11e: {  	[tilespmem:$0x5500] =	vst v36;
	v10 =	vor.u32 v61, v0;
	v0 =	vshll.u32 v8, $0xA;
	v12 =	vor.u32 $0x1, v9  }
0x11f: {  	[tilespmem:$0x5C00] =	vst v13;
	v13 =	vor.u32 v61, v0;
	v0 =	vshll.u32 v12, $0x7  }
0x120: {  	[tilespmem:$0x5680] =	vst v26;
	v17 =	vor.u32 $0x2, v9;
	v14 =	vor.u32 v61, v0  }
0x121: {  	[tilespmem:$0x5980] =	vst v20;
	v52 =	vshll.u32 v17, $0x7  }
0x122: {  	v62 =	vimm.f32 $-1.000000020e+30;
	[tilespmem:$0x5D00] =	vst v58;
	v18 =	vor.u32 $0x3, v9;
	v6 =	vor.u32 v61, v52  }
0x123: {  	v0 =	vld.idx.msk [tilespmem:v43+s9+$0x0], $0xffff;
	[tilespmem:v10+s11+$0x0] =	vst.idx.msk $0xffff, v62;
	v10 =	vshll.u32 v18, $0x7  }
0x124: {  	v19 =	vor.u32 $0x4, v9;
	v13 =	vld.idx.msk [tilespmem:v13+s11+$0x0], $0xffff;
	v10 =	vor.u32 v61, v10  }
0x125: {  	v53 =	vshll.u32 v19, $0x7;
	v14 =	vld.idx.msk [tilespmem:v14+s11+$0x0], $0xffff  }
0x126: {  	v54 =	vor.u32 $0x5, v9;
	v20 =	vor.u32 v61, v53  }
0x127: {  	v55 =	vshll.u32 v54, $0x7;
	v6 =	vld.idx.msk [tilespmem:v6+s11+$0x0], $0xffff  }
0x128: {  	v56 =	vor.u32 $0x6, v9;
	v24 =	vor.u32 v61, v55  }
0x129: {  	v57 =	vshll.u32 v56, $0x7;
	v10 =	vld.idx.msk [tilespmem:v10+s11+$0x0], $0xffff  }
0x12a: {  	v28 =	vor.u32 $0x7, v9;
	v26 =	vor.u32 v61, v57;
	vm12 =	vgt.f32 v14, v13  }
0x12b: {  	v58 =	vshll.u32 v28, $0x7;
	v13 =	vsel vm12, v14, v13;
	v14 =	vld.idx.msk [tilespmem:v20+s11+$0x0], $0xffff  }
0x12c: {  	v20 =	vor.u32 v61, v58;
	vm13 =	vgt.f32 v6, v13  }
0x12d: {  	v6 =	vsel vm13, v6, v13;
	v13 =	vld.idx.msk [tilespmem:v24+s11+$0x0], $0xffff  }
0x12e: {  	vm14 =	vgt.f32 v10, v6  }
0x12f: {  	v30 =	vimm.s32 $0x6;
	v6 =	vsel vm14, v10, v6;
	v10 =	vld.idx.msk [tilespmem:v26+s11+$0x0], $0xffff  }
0x130: {  	v36 =	vimm.s32 $0x2;
	vm10 =	veq.s32 v8, $0x0;
	vm15 =	vgt.f32 v14, v6  }
0x131: {  	vm11 =	veq.s32 v8, $0x1;
	v9 =	vsel vm12, v12, v9;
	v12 =	vld.idx.msk [tilespmem:v20+s11+$0x0], $0xffff;
	v6 =	vsel vm15, v14, v6  }
0x132: {  	vm4 =	veq.s32 v8, $0x6;
	v9 =	vsel vm13, v17, v9;
	vm7 =	vgt.f32 v13, v6  }
0x133: {  	vm5 =	veq.s32 v8, $0x7;
	v9 =	vsel vm14, v18, v9;
	v6 =	vsel vm7, v13, v6  }
0x134: {  	vm12 =	veq.s32 v8, $0x2;
	v9 =	vsel vm15, v19, v9;
	vm8 =	vgt.f32 v10, v6  }
0x135: {  	vm13 =	veq.s32 v8, $0x3;
	v9 =	vsel vm7, v54, v9;
	v6 =	vsel vm8, v10, v6  }
0x136: {  	vm14 =	veq.s32 v8, $0x4;
	v9 =	vsel vm8, v56, v9;
	vm9 =	vgt.f32 v12, v6  }
0x137: {  	vm15 =	veq.s32 v8, $0x5;
	v6 =	vsel vm9, v12, v6;
	v9 =	vsel vm9, v28, v9  }
0x138: {  	v10 =	vsel vm10, v6, v59;
	v14 =	vsel vm10, v9, v44;
	v17 =	vsel vm11, v6, v60  }
0x139: {  	v18 =	vsel vm11, v9, v46;
	v19 =	vsel vm12, v6, v40;
	v59 =	vsel vm12, v9, v34  }
0x13a: {  	v2 =	vsel vm13, v6, v2;
	v3 =	vsel vm13, v9, v3;
	v4 =	vsel vm14, v6, v4  }
0x13b: {  	v5 =	vsel vm14, v9, v5;
	v15 =	vsel vm15, v6, v15;
	v11 =	vsel vm15, v9, v11  }
0x13c: {  	v60 =	vsel vm4, v6, v27;
	v16 =	vsel vm4, v9, v16;
	v6 =	vsel vm5, v6, v7  }
0x13d: {  	v1 =	vsel vm5, v9, v1;
	v27 =	vimm.s32 $0x4;
	vm6 =	vgt.f32 v17, v10  }
0x13e: {  	vm7 =	vgt.f32 v2, v19;
	vm8 =	vgt.f32 v15, v4;
	vm9 =	vgt.f32 v6, v60  }
0x13f: {  	v35 =	vsel vm6, v17, v10;
	v8 =	vsel vm6, v18, v14;
	v9 =	vsel vm6, $0x1, v63  }
0x140: {  	v12 =	vsel vm7, v2, v19;
	v13 =	vsel vm7, v3, v59;
	v20 =	vsel vm7, $0x3, v36  }
0x141: {  	v37 =	vsel vm8, v15, v4;
	v38 =	vsel vm8, v11, v5;
	v27 =	vsel vm8, $0x5, v27  }
0x142: {  	v28 =	vsel vm9, v6, v60;
	v29 =	vsel vm9, v1, v16;
	vm10 =	vgt.f32 v12, v35  }
0x143: {  	v30 =	vsel vm9, $0x7, v30;
	vm11 =	vgt.f32 v28, v37;
	v12 =	vsel vm10, v12, v35  }
0x144: {  	v39 =	vsel vm10, v13, v8;
	v8 =	vsel vm10, v20, v9;
	v20 =	vsel vm11, v28, v37  }
0x145: {  	v9 =	vsel vm11, v29, v38;
	v13 =	vsel vm11, v30, v27;
	vm1 =	vgt.f32 v20, v12  }
0x146: {  	v47 =	vsel vm1, v9, v39;
	v40 =	vsel vm1, v13, v8  }
0x147: {  	v8 =	vshll.u32 v47, $0x7;
	v9 =	vshll.u32 v40, $0x3  }
0x148: {  	v13 =	vshll.u32 v40, $0xA;
	v8 =	vor.u32 v61, v8;
	v41 =	vor.u32 $0x1, v9  }
0x149: {  	v44 =	vor.u32 v61, v13;
	v13 =	vshll.u32 v41, $0x7  }
0x14a: {  	v28 =	vor.u32 $0x2, v9;
	v27 =	vor.u32 v61, v13  }
0x14b: {  	v29 =	vshll.u32 v28, $0x7  }
0x14c: {  	v30 =	vor.u32 $0x3, v9;
	v29 =	vor.u32 v61, v29  }
0x14d: {  	v13 =	vld.idx.msk [tilespmem:v47+s9+$0x0], $0xffff;
	[tilespmem:v8+s11+$0x0] =	vst.idx.msk $0xffff, v62;
	v8 =	vshll.u32 v30, $0x7  }
0x14e: {  	v31 =	vor.u32 $0x4, v9;
	v26 =	vld.idx.msk [tilespmem:v44+s11+$0x0], $0xffff;
	v8 =	vor.u32 v61, v8  }
0x14f: {  	v45 =	vshll.u32 v31, $0x7;
	v27 =	vld.idx.msk [tilespmem:v27+s11+$0x0], $0xffff  }
0x150: {  	v46 =	vor.u32 $0x5, v9;
	v32 =	vor.u32 v61, v45  }
0x151: {  	v48 =	vshll.u32 v46, $0x7;
	v29 =	vld.idx.msk [tilespmem:v29+s11+$0x0], $0xffff  }
0x152: {  	v49 =	vor.u32 $0x6, v9;
	v34 =	vor.u32 v61, v48  }
0x153: {  	v50 =	vshll.u32 v49, $0x7;
	v8 =	vld.idx.msk [tilespmem:v8+s11+$0x0], $0xffff  }
0x154: {  	v51 =	vor.u32 $0x7, v9;
	v36 =	vor.u32 v61, v50;
	vm12 =	vgt.f32 v27, v26  }
0x155: {  	v52 =	vshll.u32 v51, $0x7;
	v26 =	vsel vm12, v27, v26;
	v27 =	vld.idx.msk [tilespmem:v32+s11+$0x0], $0xffff  }
0x156: {  	v32 =	vor.u32 v61, v52;
	vm13 =	vgt.f32 v29, v26  }
0x157: {  	v26 =	vsel vm13, v29, v26;
	v29 =	vld.idx.msk [tilespmem:v34+s11+$0x0], $0xffff  }
0x158: {  	vm14 =	vgt.f32 v8, v26  }
0x159: {  	v53 =	vld.idx.msk [tilespmem:v36+s11+$0x0], $0xffff;
	v8 =	vsel vm14, v8, v26  }
0x15a: {  	vm15 =	vgt.f32 v27, v8  }
0x15b: {  	vm11 =	veq.s32 v40, $0x0;
	v9 =	vsel vm12, v41, v9;
	v54 =	vld.idx.msk [tilespmem:v32+s11+$0x0], $0xffff;
	v8 =	vsel vm15, v27, v8  }
0x15c: {  	vm4 =	veq.s32 v40, $0x5;
	v9 =	vsel vm13, v28, v9;
	vm8 =	vgt.f32 v29, v8  }
0x15d: {  	vm5 =	veq.s32 v40, $0x6;
	v9 =	vsel vm14, v30, v9;
	v8 =	vsel vm8, v29, v8  }
0x15e: {  	vm6 =	veq.s32 v40, $0x7;
	v9 =	vsel vm15, v31, v9;
	vm9 =	vgt.f32 v53, v8  }
0x15f: {  	vm12 =	veq.s32 v40, $0x1;
	v9 =	vsel vm8, v46, v9;
	v8 =	vsel vm9, v53, v8  }
0x160: {  	vm13 =	veq.s32 v40, $0x2;
	v9 =	vsel vm9, v49, v9;
	vm10 =	vgt.f32 v54, v8  }
0x161: {  	vm14 =	veq.s32 v40, $0x3;
	v8 =	vsel vm10, v54, v8;
	v9 =	vsel vm10, v51, v9  }
0x162: {  	vm15 =	veq.s32 v40, $0x4;
	v10 =	vsel vm11, v8, v10;
	v25 =	vsel vm11, v9, v14  }
0x163: {  	v26 =	vsel vm12, v8, v17;
	v27 =	vsel vm12, v9, v18;
	v19 =	vsel vm13, v8, v19  }
0x164: {  	v23 =	vsel vm13, v9, v59;
	v2 =	vsel vm14, v8, v2;
	v3 =	vsel vm14, v9, v3  }
0x165: {  	v4 =	vsel vm15, v8, v4;
	v5 =	vsel vm15, v9, v5;
	v15 =	vsel vm4, v8, v15  }
0x166: {  	v28 =	vsel vm4, v9, v11;
	v24 =	vsel vm5, v8, v60;
	v16 =	vsel vm5, v9, v16  }
0x167: {  	v6 =	vsel vm6, v8, v6;
	v1 =	vsel vm6, v9, v1;
	v17 =	vimm.s32 $0x2  }
0x168: {  	vm7 =	vgt.f32 v26, v10;
	vm8 =	vgt.f32 v2, v19;
	vm9 =	vgt.f32 v15, v4  }
0x169: {  	vm10 =	vgt.f32 v6, v24;
	v55 =	vsel vm7, v26, v10;
	v8 =	vsel vm7, v27, v25  }
0x16a: {  	v9 =	vsel vm7, $0x1, v63;
	v11 =	vsel vm8, v2, v19;
	v14 =	vsel vm8, v3, v23  }
0x16b: {  	v18 =	vsel vm8, $0x3, v17;
	v29 =	vsel vm9, v15, v4;
	v30 =	vsel vm9, v28, v5  }
0x16c: {  	v17 =	vimm.s32 $0x4;
	v56 =	vsel vm10, v6, v24;
	v57 =	vsel vm10, v1, v16  }
0x16d: {  	v31 =	vsel vm9, $0x5, v17;
	vm11 =	vgt.f32 v11, v55;
	v17 =	vimm.s32 $0x6  }
0x16e: {  	vm12 =	vgt.f32 v56, v29;
	v58 =	vsel vm10, $0x7, v17;
	v17 =	vsel vm11, v11, v55  }
0x16f: {  	v59 =	vsel vm11, v14, v8;
	v8 =	vsel vm11, v18, v9;
	v18 =	vsel vm12, v56, v29  }
0x170: {  	v9 =	vsel vm12, v57, v30;
	v11 =	vsel vm12, v58, v31;
	vm2 =	vgt.f32 v18, v17  }
0x171: {  	v14 =	vsel vm2, v9, v59;
	v60 =	vsel vm2, v11, v8  }
0x172: {  	v8 =	vshll.u32 v14, $0x7;
	v9 =	vshll.u32 v60, $0x3  }
0x173: {  	v11 =	vshll.u32 v60, $0xA;
	v8 =	vor.u32 v61, v8;
	v29 =	vor.u32 $0x1, v9  }
0x174: {  	v30 =	vor.u32 v61, v11;
	v11 =	vshll.u32 v29, $0x7  }
0x175: {  	v44 =	vor.u32 $0x2, v9;
	v31 =	vor.u32 v61, v11  }
0x176: {  	v45 =	vshll.u32 v44, $0x7  }
0x177: {  	v46 =	vor.u32 $0x3, v9;
	v33 =	vor.u32 v61, v45  }
0x178: {  	v11 =	vld.idx.msk [tilespmem:v14+s9+$0x0], $0xffff;
	[tilespmem:v8+s11+$0x0] =	vst.idx.msk $0xffff, v62;
	v8 =	vshll.u32 v46, $0x7  }
0x179: {  	v48 =	vor.u32 $0x4, v9;
	v30 =	vld.idx.msk [tilespmem:v30+s11+$0x0], $0xffff;
	v8 =	vor.u32 v61, v8  }
0x17a: {  	v49 =	vshll.u32 v48, $0x7;
	v31 =	vld.idx.msk [tilespmem:v31+s11+$0x0], $0xffff  }
0x17b: {  	v50 =	vor.u32 $0x5, v9;
	v36 =	vor.u32 v61, v49  }
0x17c: {  	v51 =	vshll.u32 v50, $0x7;
	v33 =	vld.idx.msk [tilespmem:v33+s11+$0x0], $0xffff  }
0x17d: {  	v52 =	vor.u32 $0x6, v9;
	v38 =	vor.u32 v61, v51  }
0x17e: {  	v53 =	vshll.u32 v52, $0x7;
	v8 =	vld.idx.msk [tilespmem:v8+s11+$0x0], $0xffff  }
0x17f: {  	v54 =	vor.u32 $0x7, v9;
	v40 =	vor.u32 v61, v53;
	vm13 =	vgt.f32 v31, v30  }
0x180: {  	v55 =	vshll.u32 v54, $0x7;
	v30 =	vsel vm13, v31, v30;
	v31 =	vld.idx.msk [tilespmem:v36+s11+$0x0], $0xffff  }
0x181: {  	v36 =	vor.u32 v61, v55;
	vm14 =	vgt.f32 v33, v30  }
0x182: {  	v56 =	vld.idx.msk [tilespmem:v38+s11+$0x0], $0xffff;
	v30 =	vsel vm14, v33, v30  }
0x183: {  	vm15 =	vgt.f32 v8, v30  }
0x184: {  	vm6 =	veq.s32 v60, $0x3;
	v8 =	vsel vm15, v8, v30;
	v30 =	vld.idx.msk [tilespmem:v40+s11+$0x0], $0xffff  }
0x185: {  	vm7 =	veq.s32 v60, $0x4;
	vm8 =	veq.s32 v60, $0x5;
	vm9 =	vgt.f32 v31, v8  }
0x186: {  	v45 =	vimm.s32 $0x6;
	v9 =	vsel vm13, v29, v9;
	v29 =	vld.idx.msk [tilespmem:v36+s11+$0x0], $0xffff;
	v8 =	vsel vm9, v31, v8  }
0x187: {  	vm13 =	veq.s32 v60, $0x0;
	v9 =	vsel vm14, v44, v9;
	vm10 =	vgt.f32 v56, v8  }
0x188: {  	vm14 =	veq.s32 v60, $0x1;
	v9 =	vsel vm15, v46, v9;
	v8 =	vsel vm10, v56, v8  }
0x189: {  	vm15 =	veq.s32 v60, $0x2;
	v9 =	vsel vm9, v48, v9;
	vm11 =	vgt.f32 v30, v8  }
0x18a: {  	v40 =	vimm.s32 $0x4;
	v9 =	vsel vm10, v50, v9;
	v8 =	vsel vm11, v30, v8  }
0x18b: {  	vm9 =	veq.s32 v60, $0x6;
	v9 =	vsel vm11, v52, v9;
	vm12 =	vgt.f32 v29, v8  }
0x18c: {  	v31 =	vimm.s32 $0x2;
	v8 =	vsel vm12, v29, v8;
	v9 =	vsel vm12, v54, v9  }
0x18d: {  	vm10 =	veq.s32 v60, $0x7;
	v10 =	vsel vm13, v8, v10;
	v25 =	vsel vm13, v9, v25  }
0x18e: {  	v26 =	vsel vm14, v8, v26;
	v27 =	vsel vm14, v9, v27;
	v29 =	vsel vm15, v8, v19  }
0x18f: {  	v23 =	vsel vm15, v9, v23;
	v2 =	vsel vm6, v8, v2;
	v3 =	vsel vm6, v9, v3  }
0x190: {  	v4 =	vsel vm7, v8, v4;
	v5 =	vsel vm7, v9, v5;
	v15 =	vsel vm8, v8, v15  }
0x191: {  	v28 =	vsel vm8, v9, v28;
	v24 =	vsel vm9, v8, v24;
	v16 =	vsel vm9, v9, v16  }
0x192: {  	v30 =	vsel vm10, v8, v6;
	v1 =	vsel vm10, v9, v1;
	vm11 =	vgt.f32 v26, v10  }
0x193: {  	vm12 =	vgt.f32 v2, v29;
	vm13 =	vgt.f32 v15, v4;
	vm14 =	vgt.f32 v30, v24  }
0x194: {  	v57 =	vsel vm11, v26, v10;
	v58 =	vsel vm11, v27, v25;
	v8 =	vsel vm11, $0x1, v63  }
0x195: {  	v9 =	vsel vm12, v2, v29;
	v19 =	vsel vm12, v3, v23;
	v31 =	vsel vm12, $0x3, v31  }
0x196: {  	v59 =	vsel vm13, v15, v4;
	v60 =	vsel vm13, v28, v5;
	v34 =	vsel vm13, $0x5, v40  }
0x197: {  	v41 =	vsel vm14, v30, v24;
	v44 =	vsel vm14, v1, v16;
	vm15 =	vgt.f32 v9, v57  }
0x198: {  	v37 =	vsel vm14, $0x7, v45;
	vm8 =	vgt.f32 v41, v59;
	v6 =	vsel vm15, v9, v57  }
0x199: {  	v9 =	vsel vm15, v19, v58;
	v8 =	vsel vm15, v31, v8;
	v7 =	vsel vm8, v41, v59  }
0x19a: {  	v19 =	vsel vm8, v44, v60;
	v31 =	vsel vm8, v37, v34;
	vm3 =	vgt.f32 v7, v6  }
0x19b: {  	v19 =	vsel vm3, v19, v9;
	v9 =	vsel vm3, v31, v8  }
0x19c: {  	v8 =	vshll.u32 v19, $0x7;
	v31 =	vshll.u32 v9, $0x3  }
0x19d: {  	v46 =	vor.u32 v61, v8;
	v8 =	vshll.u32 v9, $0xA;
	v33 =	vor.u32 $0x1, v31  }
0x19e: {  	v48 =	vor.u32 v61, v8;
	v8 =	vshll.u32 v33, $0x7  }
0x19f: {  	v36 =	vor.u32 $0x2, v31;
	v49 =	vor.u32 v61, v8  }
0x1a0: {  	v50 =	vshll.u32 v36, $0x7  }
0x1a1: {  	v38 =	vor.u32 $0x3, v31;
	v37 =	vor.u32 v61, v50  }
0x1a2: {  	v51 =	vshll.u32 v38, $0x7;
	v8 =	vld.idx.msk [tilespmem:v19+s9+$0x0], $0xffff;
	[tilespmem:v46+s11+$0x0] =	vst.idx.msk $0xffff, v62  }
0x1a3: {  	v52 =	vor.u32 $0x4, v31;
	v32 =	vor.u32 v61, v51;
	v34 =	vld.idx.msk [tilespmem:v48+s11+$0x0], $0xffff  }
0x1a4: {  	v53 =	vshll.u32 v52, $0x7;
	v35 =	vld.idx.msk [tilespmem:v49+s11+$0x0], $0xffff  }
0x1a5: {  	v54 =	vor.u32 $0x5, v31;
	v40 =	vor.u32 v61, v53  }
0x1a6: {  	v55 =	vshll.u32 v54, $0x7;
	v37 =	vld.idx.msk [tilespmem:v37+s11+$0x0], $0xffff  }
0x1a7: {  	v56 =	vor.u32 $0x6, v31;
	v44 =	vor.u32 v61, v55  }
0x1a8: {  	v57 =	vshll.u32 v56, $0x7;
	v32 =	vld.idx.msk [tilespmem:v32+s11+$0x0], $0xffff  }
0x1a9: {  	v58 =	vor.u32 $0x7, v31;
	v46 =	vor.u32 v61, v57;
	vm9 =	vgt.f32 v35, v34  }
0x1aa: {  	v60 =	vshll.u32 v58, $0x7;
	v59 =	vld.idx.msk [tilespmem:v40+s11+$0x0], $0xffff;
	v34 =	vsel vm9, v35, v34  }
0x1ab: {  	v40 =	vor.u32 v61, v60;
	vm10 =	vgt.f32 v37, v34  }
0x1ac: {  	v44 =	vld.idx.msk [tilespmem:v44+s11+$0x0], $0xffff;
	v34 =	vsel vm10, v37, v34  }
0x1ad: {  	vm11 =	vgt.f32 v32, v34  }
0x1ae: {  	vm8 =	veq.s32 v9, $0x0;
	v46 =	vld.idx.msk [tilespmem:v46+s11+$0x0], $0xffff;
	v32 =	vsel vm11, v32, v34  }
0x1af: {  	v51 =	vimm.s32 $0x2;
	v57 =	vimm.s32 $0x6;
	vm12 =	vgt.f32 v59, v32  }
0x1b0: {  	v49 =	vld.idx.msk [tilespmem:v40+s11+$0x0], $0xffff;
	v31 =	vsel vm9, v33, v31;
	vm9 =	veq.s32 v9, $0x1;
	v32 =	vsel vm12, v59, v32  }
0x1b1: {  	v31 =	vsel vm10, v36, v31;
	vm10 =	veq.s32 v9, $0x2;
	vm13 =	vgt.f32 v44, v32  }
0x1b2: {  	v31 =	vsel vm11, v38, v31;
	vm11 =	veq.s32 v9, $0x3;
	v32 =	vsel vm13, v44, v32  }
0x1b3: {  	v31 =	vsel vm12, v52, v31;
	vm12 =	veq.s32 v9, $0x4;
	vm14 =	vgt.f32 v46, v32  }
0x1b4: {  	v31 =	vsel vm13, v54, v31;
	vm13 =	veq.s32 v9, $0x5;
	v32 =	vsel vm14, v46, v32  }
0x1b5: {  	v54 =	vimm.s32 $0x4;
	v31 =	vsel vm14, v56, v31;
	vm15 =	vgt.f32 v49, v32  }
0x1b6: {  	vm14 =	veq.s32 v9, $0x6;
	v32 =	vsel vm15, v49, v32;
	v31 =	vsel vm15, v58, v31  }
0x1b7: {  	vm15 =	veq.s32 v9, $0x7;
	v10 =	vsel vm8, v32, v10;
	v25 =	vsel vm8, v31, v25  }
0x1b8: {  	v26 =	vsel vm9, v32, v26;
	v27 =	vsel vm9, v31, v27;
	v29 =	vsel vm10, v32, v29  }
0x1b9: {  	v23 =	vsel vm10, v31, v23;
	v33 =	vsel vm11, v32, v2;
	v34 =	vsel vm11, v31, v3  }
0x1ba: {  	v35 =	vsel vm12, v32, v4;
	v5 =	vsel vm12, v31, v5;
	v15 =	vsel vm13, v32, v15  }
0x1bb: {  	v28 =	vsel vm13, v31, v28;
	v24 =	vsel vm14, v32, v24;
	v16 =	vsel vm14, v31, v16  }
0x1bc: {  	v9 =	vsel vm15, v32, v30;
	v30 =	vsel vm15, v31, v1;
	vm8 =	vgt.f32 v26, v10  }
0x1bd: {  	vm9 =	vgt.f32 v33, v29;
	vm10 =	vgt.f32 v15, v35;
	vm11 =	vgt.f32 v9, v24  }
0x1be: {  	v1 =	vsel vm8, v26, v10;
	v3 =	vsel vm8, v27, v25;
	v50 =	vsel vm8, $0x1, v63  }
0x1bf: {  	v2 =	vsel vm9, v33, v29;
	v31 =	vsel vm9, v34, v23;
	v32 =	vsel vm9, $0x3, v51  }
0x1c0: {  	v52 =	vsel vm10, v15, v35;
	v53 =	vsel vm10, v28, v5;
	v38 =	vsel vm10, $0x5, v54  }
0x1c1: {  	v55 =	vsel vm11, v9, v24;
	v56 =	vsel vm11, v30, v16;
	vm12 =	vgt.f32 v2, v1  }
0x1c2: {  	v41 =	vsel vm11, $0x7, v57;
	vm13 =	vgt.f32 v55, v52;
	v2 =	vsel vm12, v2, v1  }
0x1c3: {  	v1 =	vsel vm12, v31, v3;
	v4 =	vsel vm12, v32, v50;
	v3 =	vsel vm13, v55, v52  }
0x1c4: {  	v31 =	vsel vm13, v56, v53;
	v58 =	vsel vm13, v41, v38;
	vm4 =	vgt.f32 v3, v2  }
0x1c5: {  	v1 =	vsel vm4, v31, v1;
	v31 =	vsel vm4, v58, v4  }
0x1c6: {  	v59 =	vshll.u32 v1, $0x7;
	v32 =	vshll.u32 v31, $0x3  }
0x1c7: {  	v48 =	vshll.u32 v31, $0xA;
	v60 =	vor.u32 v61, v59;
	v37 =	vor.u32 $0x1, v32  }
0x1c8: {  	v49 =	vor.u32 v61, v48;
	v50 =	vshll.u32 v37, $0x7  }
0x1c9: {  	v40 =	vor.u32 $0x2, v32;
	v51 =	vor.u32 v61, v50  }
0x1ca: {  	v52 =	vshll.u32 v40, $0x7  }
0x1cb: {  	v44 =	vor.u32 $0x3, v32;
	v41 =	vor.u32 v61, v52  }
0x1cc: {  	v53 =	vshll.u32 v44, $0x7;
	v4 =	vld.idx.msk [tilespmem:v1+s9+$0x0], $0xffff;
	[tilespmem:v60+s11+$0x0] =	vst.idx.msk $0xffff, v62  }
0x1cd: {  	v45 =	vor.u32 $0x4, v32;
	v36 =	vor.u32 v61, v53;
	v38 =	vld.idx.msk [tilespmem:v49+s11+$0x0], $0xffff  }
0x1ce: {  	v54 =	vshll.u32 v45, $0x7;
	v39 =	vld.idx.msk [tilespmem:v51+s11+$0x0], $0xffff  }
0x1cf: {  	v48 =	vor.u32 $0x5, v32;
	v46 =	vor.u32 v61, v54  }
0x1d0: {  	v55 =	vshll.u32 v48, $0x7;
	v41 =	vld.idx.msk [tilespmem:v41+s11+$0x0], $0xffff  }
0x1d1: {  	v56 =	vor.u32 $0x6, v32;
	v49 =	vor.u32 v61, v55  }
0x1d2: {  	v57 =	vshll.u32 v56, $0x7;
	v36 =	vld.idx.msk [tilespmem:v36+s11+$0x0], $0xffff  }
0x1d3: {  	v58 =	vor.u32 $0x7, v32;
	v51 =	vor.u32 v61, v57;
	vm14 =	vgt.f32 v39, v38  }
0x1d4: {  	v60 =	vshll.u32 v58, $0x7;
	v59 =	vld.idx.msk [tilespmem:v46+s11+$0x0], $0xffff;
	v38 =	vsel vm14, v39, v38  }
0x1d5: {  	v46 =	vor.u32 v61, v60;
	vm15 =	vgt.f32 v41, v38  }
0x1d6: {  	v53 =	vld.idx.msk [tilespmem:v49+s11+$0x0], $0xffff;
	v38 =	vsel vm15, v41, v38  }
0x1d7: {  	vm12 =	vgt.f32 v36, v38  }
0x1d8: {  	v54 =	vld.idx.msk [tilespmem:v51+s11+$0x0], $0xffff;
	v36 =	vsel vm12, v36, v38  }
0x1d9: {  	vm13 =	vgt.f32 v59, v36  }
0x1da: {  	vm9 =	veq.s32 v31, $0x0;
	vm10 =	veq.s32 v31, $0x1;
	v55 =	vld.idx.msk [tilespmem:v46+s11+$0x0], $0xffff;
	v36 =	vsel vm13, v59, v36  }
0x1db: {  	vm11 =	veq.s32 v31, $0x2;
	v32 =	vsel vm14, v37, v32;
	vm14 =	vgt.f32 v53, v36  }
0x1dc: {  	v52 =	vimm.s32 $0x4;
	v32 =	vsel vm15, v40, v32;
	v36 =	vsel vm14, v53, v36  }
0x1dd: {  	v32 =	vsel vm12, v44, v32;
	vm12 =	veq.s32 v31, $0x3;
	vm15 =	vgt.f32 v54, v36  }
0x1de: {  	v32 =	vsel vm13, v45, v32;
	vm13 =	veq.s32 v31, $0x4;
	v36 =	vsel vm15, v54, v36  }
0x1df: {  	v32 =	vsel vm14, v48, v32;
	vm14 =	veq.s32 v31, $0x5;
	vm8 =	vgt.f32 v55, v36  }
0x1e0: {  	v32 =	vsel vm15, v56, v32;
	vm15 =	veq.s32 v31, $0x6;
	v36 =	vsel vm8, v55, v36  }
0x1e1: {  	v32 =	vsel vm8, v58, v32;
	vm8 =	veq.s32 v31, $0x7;
	v58 =	vimm.s32 $0x2  }
0x1e2: {  	v55 =	vimm.s32 $0x6;
	v37 =	vsel vm9, v36, v10;
	v25 =	vsel vm9, v32, v25  }
0x1e3: {  	v26 =	vsel vm10, v36, v26;
	v27 =	vsel vm10, v32, v27;
	v29 =	vsel vm11, v36, v29  }
0x1e4: {  	v38 =	vsel vm11, v32, v23;
	v33 =	vsel vm12, v36, v33;
	v34 =	vsel vm12, v32, v34  }
0x1e5: {  	v35 =	vsel vm13, v36, v35;
	v39 =	vsel vm13, v32, v5;
	v15 =	vsel vm14, v36, v15  }
0x1e6: {  	v28 =	vsel vm14, v32, v28;
	v24 =	vsel vm15, v36, v24;
	v16 =	vsel vm15, v32, v16  }
0x1e7: {  	v31 =	vsel vm8, v36, v9;
	v30 =	vsel vm8, v32, v30;
	vm9 =	vgt.f32 v26, v37  }
0x1e8: {  	vm10 =	vgt.f32 v33, v29;
	vm11 =	vgt.f32 v15, v35;
	vm12 =	vgt.f32 v31, v24  }
0x1e9: {  	v56 =	vsel vm9, v26, v37;
	v10 =	vsel vm9, v27, v25;
	v23 =	vsel vm9, $0x1, v63  }
0x1ea: {  	v9 =	vsel vm10, v33, v29;
	v57 =	vsel vm10, v34, v38;
	v36 =	vsel vm10, $0x3, v58  }
0x1eb: {  	v59 =	vsel vm11, v15, v35;
	v60 =	vsel vm11, v28, v39;
	v44 =	vsel vm11, $0x5, v52  }
0x1ec: {  	v53 =	vsel vm12, v31, v24;
	v54 =	vsel vm12, v30, v16;
	vm13 =	vgt.f32 v9, v56  }
0x1ed: {  	v48 =	vsel vm12, $0x7, v55;
	vm14 =	vgt.f32 v53, v59;
	v9 =	vsel vm13, v9, v56  }
0x1ee: {  	v56 =	vsel vm13, v57, v10;
	v23 =	vsel vm13, v36, v23;
	v10 =	vsel vm14, v53, v59  }
0x1ef: {  	v57 =	vsel vm14, v54, v60;
	v58 =	vsel vm14, v48, v44;
	vm5 =	vgt.f32 v10, v9  }
0x1f0: {  	v5 =	vsel vm5, v57, v56;
	v32 =	vsel vm5, v58, v23  }
0x1f1: {  	v59 =	vshll.u32 v5, $0x7;
	v36 =	vshll.u32 v32, $0x3  }
0x1f2: {  	v52 =	vshll.u32 v32, $0xA;
	v60 =	vor.u32 v61, v59;
	v41 =	vor.u32 $0x1, v36  }
0x1f3: {  	v53 =	vor.u32 v61, v52;
	v54 =	vshll.u32 v41, $0x7  }
0x1f4: {  	v46 =	vor.u32 $0x2, v36;
	v55 =	vor.u32 v61, v54  }
0x1f5: {  	v56 =	vshll.u32 v46, $0x7  }
0x1f6: {  	v49 =	vor.u32 $0x3, v36;
	v48 =	vor.u32 v61, v56  }
0x1f7: {  	v57 =	vshll.u32 v49, $0x7;
	v23 =	vld.idx.msk [tilespmem:v5+s9+$0x0], $0xffff;
	[tilespmem:v60+s11+$0x0] =	vst.idx.msk $0xffff, v62  }
0x1f8: {  	v50 =	vor.u32 $0x4, v36;
	v40 =	vor.u32 v61, v57;
	v44 =	vld.idx.msk [tilespmem:v53+s11+$0x0], $0xffff  }
0x1f9: {  	v58 =	vshll.u32 v50, $0x7;
	v45 =	vld.idx.msk [tilespmem:v55+s11+$0x0], $0xffff  }
0x1fa: {  	v52 =	vor.u32 $0x5, v36;
	v51 =	vor.u32 v61, v58  }
0x1fb: {  	v59 =	vshll.u32 v52, $0x7;
	v48 =	vld.idx.msk [tilespmem:v48+s11+$0x0], $0xffff  }
0x1fc: {  	v54 =	vor.u32 $0x6, v36;
	v53 =	vor.u32 v61, v59  }
0x1fd: {  	v60 =	vshll.u32 v54, $0x7;
	v40 =	vld.idx.msk [tilespmem:v40+s11+$0x0], $0xffff  }
0x1fe: {  	v56 =	vor.u32 $0x7, v36;
	v55 =	vor.u32 v61, v60;
	vm15 =	vgt.f32 v45, v44  }
0x1ff: {  	v58 =	vshll.u32 v56, $0x7;
	v57 =	vld.idx.msk [tilespmem:v51+s11+$0x0], $0xffff;
	v44 =	vsel vm15, v45, v44  }
0x200: {  	v51 =	vor.u32 v61, v58;
	vm12 =	vgt.f32 v48, v44  }
0x201: {  	v59 =	vld.idx.msk [tilespmem:v53+s11+$0x0], $0xffff;
	v44 =	vsel vm12, v48, v44  }
0x202: {  	vm13 =	vgt.f32 v40, v44  }
0x203: {  	vm9 =	veq.s32 v32, $0x4;
	v60 =	vld.idx.msk [tilespmem:v55+s11+$0x0], $0xffff;
	v40 =	vsel vm13, v40, v44  }
0x204: {  	v55 =	vimm.s32 $0x2;
	v36 =	vsel vm15, v41, v36;
	vm14 =	vgt.f32 v57, v40  }
0x205: {  	v53 =	vld.idx.msk [tilespmem:v51+s11+$0x0], $0xffff;
	v36 =	vsel vm12, v46, v36;
	vm12 =	veq.s32 v32, $0x0;
	v40 =	vsel vm14, v57, v40  }
0x206: {  	v36 =	vsel vm13, v49, v36;
	vm13 =	veq.s32 v32, $0x1;
	vm15 =	vgt.f32 v59, v40  }
0x207: {  	v36 =	vsel vm14, v50, v36;
	vm14 =	veq.s32 v32, $0x2;
	v40 =	vsel vm15, v59, v40  }
0x208: {  	v57 =	vimm.s32 $0x4;
	v36 =	vsel vm15, v52, v36;
	vm10 =	vgt.f32 v60, v40  }
0x209: {  	vm15 =	veq.s32 v32, $0x3;
	v40 =	vsel vm10, v60, v40;
	v36 =	vsel vm10, v54, v36  }
0x20a: {  	vm10 =	veq.s32 v32, $0x5;
	v60 =	vimm.s32 $0x6;
	vm11 =	vgt.f32 v53, v40  }
0x20b: {  	v40 =	vsel vm11, v53, v40;
	v36 =	vsel vm11, v56, v36;
	vm11 =	veq.s32 v32, $0x6  }
0x20c: {  	v37 =	vsel vm12, v40, v37;
	v25 =	vsel vm12, v36, v25;
	v26 =	vsel vm13, v40, v26  }
0x20d: {  	v27 =	vsel vm13, v36, v27;
	v29 =	vsel vm14, v40, v29;
	v38 =	vsel vm14, v36, v38  }
0x20e: {  	v33 =	vsel vm15, v40, v33;
	v34 =	vsel vm15, v36, v34;
	v35 =	vsel vm9, v40, v35  }
0x20f: {  	v39 =	vsel vm9, v36, v39;
	v41 =	vsel vm10, v40, v15;
	v28 =	vsel vm10, v36, v28  }
0x210: {  	v24 =	vsel vm11, v40, v24;
	v16 =	vsel vm11, v36, v16;
	vm12 =	veq.s32 v32, $0x7  }
0x211: {  	v31 =	vsel vm12, v40, v31;
	v30 =	vsel vm12, v36, v30;
	vm13 =	vgt.f32 v26, v37  }
0x212: {  	vm14 =	vgt.f32 v33, v29;
	vm15 =	vgt.f32 v41, v35;
	v15 =	vsel vm13, v26, v37  }
0x213: {  	v32 =	vsel vm13, v27, v25;
	v36 =	vsel vm13, $0x1, v63;
	v40 =	vsel vm14, v33, v29  }
0x214: {  	v44 =	vsel vm14, v34, v38;
	v45 =	vsel vm14, $0x3, v55;
	v46 =	vsel vm15, v41, v35  }
0x215: {  	v56 =	vsel vm15, v28, v39;
	v49 =	vsel vm15, $0x5, v57;
	vm9 =	vgt.f32 v31, v24  }
0x216: {  	v58 =	vsel vm9, v31, v24;
	v59 =	vsel vm9, v30, v16;
	vm10 =	vgt.f32 v40, v15  }
0x217: {  	v52 =	vsel vm9, $0x7, v60;
	v40 =	vsel vm10, v40, v15;
	vm11 =	vgt.f32 v58, v46  }
0x218: {  	v15 =	vsel vm10, v44, v32;
	v53 =	vsel vm10, v45, v36;
	v36 =	vsel vm11, v58, v46  }
0x219: {  	v54 =	vsel vm11, v59, v56;
	v55 =	vsel vm11, v52, v49;
	vm6 =	vgt.f32 v36, v40  }
0x21a: {  	v15 =	vsel vm6, v54, v15;
	v32 =	vsel vm6, v55, v53  }
0x21b: {  	v44 =	vshll.u32 v15, $0x7;
	v45 =	vshll.u32 v32, $0x3  }
0x21c: {  	v56 =	vshll.u32 v32, $0xA;
	v44 =	vor.u32 v61, v44;
	v48 =	vor.u32 $0x1, v45  }
0x21d: {  	v46 =	vor.u32 v61, v56;
	v57 =	vshll.u32 v48, $0x7  }
0x21e: {  	v50 =	vor.u32 $0x2, v45;
	v49 =	vor.u32 v61, v57  }
0x21f: {  	v58 =	vshll.u32 v50, $0x7  }
0x220: {  	v53 =	vor.u32 $0x3, v45;
	v51 =	vor.u32 v61, v58  }
0x221: {  	v59 =	vshll.u32 v53, $0x7;
	v52 =	vld.idx.msk [tilespmem:v15+s9+$0x0], $0xffff;
	[tilespmem:v44+s11+$0x0] =	vst.idx.msk $0xffff, v62  }
0x222: {  	v54 =	vor.u32 $0x4, v45;
	v44 =	vor.u32 v61, v59;
	v46 =	vld.idx.msk [tilespmem:v46+s11+$0x0], $0xffff  }
0x223: {  	v60 =	vshll.u32 v54, $0x7;
	v49 =	vld.idx.msk [tilespmem:v49+s11+$0x0], $0xffff  }
0x224: {  	v56 =	vor.u32 $0x5, v45;
	v55 =	vor.u32 v61, v60  }
0x225: {  	v62 =	vshll.u32 v56, $0x7;
	v51 =	vld.idx.msk [tilespmem:v51+s11+$0x0], $0xffff  }
0x226: {  	v58 =	vor.u32 $0x6, v45;
	v57 =	vor.u32 v61, v62  }
0x227: {  	v60 =	vshll.u32 v58, $0x7;
	v44 =	vld.idx.msk [tilespmem:v44+s11+$0x0], $0xffff  }
0x228: {  	v59 =	vor.u32 v61, v60;
	v60 =	vor.u32 $0x7, v45;
	vm12 =	vgt.f32 v49, v46  }
0x229: {  	v62 =	vshll.u32 v60, $0x7;
	v46 =	vsel vm12, v49, v46;
	v49 =	vld.idx.msk [tilespmem:v55+s11+$0x0], $0xffff  }
0x22a: {  	v55 =	vor.u32 v61, v62;
	vm13 =	vgt.f32 v51, v46  }
0x22b: {  	v61 =	vld.idx.msk [tilespmem:v57+s11+$0x0], $0xffff;
	v46 =	vsel vm13, v51, v46  }
0x22c: {  	v21 =	vsel vm0, v21, v22;
	vm14 =	vgt.f32 v44, v46  }
0x22d: {  	v0 =	vsub.f32 v21, v0;
	v12 =	vsel vm1, v20, v12;
	v62 =	vld.idx.msk [tilespmem:v59+s11+$0x0], $0xffff;
	v44 =	vsel vm14, v44, v46  }
0x22e: {  	v12 =	vsub.f32 v12, v13;
	v17 =	vsel vm2, v18, v17;
	vm15 =	vgt.f32 v49, v44  }
0x22f: {  	vm0 =	veq.s32 v32, $0x0;
	v45 =	vsel vm12, v48, v45;
	v48 =	vld.idx.msk [tilespmem:v55+s11+$0x0], $0xffff;
	v44 =	vsel vm15, v49, v44  }
0x230: {  	vm1 =	veq.s32 v32, $0x1;
	vm2 =	veq.s32 v32, $0x2;
	vm8 =	vgt.f32 v61, v44  }
0x231: {  	vm7 =	veq.s32 v32, $0x3;
	v55 =	vsel vm13, v50, v45;
	v59 =	vsel vm8, v61, v44  }
0x232: {  	vm12 =	veq.s32 v32, $0x4;
	v57 =	vsel vm14, v53, v55;
	vm10 =	vgt.f32 v62, v59  }
0x233: {  	vm13 =	veq.s32 v32, $0x5;
	v61 =	vsel vm15, v54, v57;
	v62 =	vsel vm10, v62, v59  }
0x234: {  	vm14 =	veq.s32 v32, $0x6;
	v13 =	vsel vm8, v56, v61;
	vm11 =	vgt.f32 v48, v62  }
0x235: {  	vm15 =	veq.s32 v32, $0x7;
	v13 =	vsel vm10, v58, v13;
	v18 =	vsel vm11, v48, v62  }
0x236: {  	v13 =	vsel vm11, v60, v13;
	v20 =	vsel vm0, v18, v37;
	v44 =	vsel vm1, v18, v26  }
0x237: {  	v45 =	vsel vm2, v18, v29;
	v46 =	vsel vm7, v18, v33;
	v29 =	vsel vm12, v18, v35  }
0x238: {  	v48 =	vsel vm13, v18, v41;
	v24 =	vsel vm14, v18, v24;
	v18 =	vsel vm15, v18, v31  }
0x239: {  	v25 =	vsel vm0, v13, v25;
	v27 =	vsel vm1, v13, v27;
	v31 =	vsel vm2, v13, v38  }
0x23a: {  	v49 =	vsel vm7, v13, v34;
	v50 =	vsel vm12, v13, v39;
	v28 =	vsel vm13, v13, v28  }
0x23b: {  	v16 =	vsel vm14, v13, v16;
	v13 =	vsel vm15, v13, v30;
	vm9 =	vgt.f32 v44, v20  }
0x23c: {  	vm10 =	vgt.f32 v46, v45;
	vm11 =	vgt.f32 v48, v29;
	vm12 =	vgt.f32 v18, v24  }
0x23d: {  	v20 =	vsel vm9, v44, v20;
	v51 =	vsel vm9, v27, v25;
	v22 =	vsel vm10, v46, v45  }
0x23e: {  	v53 =	vsel vm10, v49, v31;
	v54 =	vsel vm11, v48, v29;
	v18 =	vsel vm12, v18, v24  }
0x23f: {  	v55 =	vsel vm11, v28, v50;
	vm13 =	vgt.f32 v22, v20;
	vm14 =	vgt.f32 v18, v54  }
0x240: {  	v13 =	vsel vm12, v13, v16;
	v16 =	vsel vm13, v22, v20;
	v18 =	vsel vm14, v18, v54  }
0x241: {  	v56 =	vsel vm13, v53, v51;
	v13 =	vsel vm14, v13, v55;
	vm15 =	vgt.f32 v18, v16  }
0x242: {  	v11 =	vsub.f32 v17, v11;
	v17 =	vadd.f32 v12, v0;
	v13 =	vsel vm15, v13, v56  }
0x243: {  	v6 =	vsel vm3, v7, v6  }
0x244: {  	v6 =	vsub.f32 v6, v8;
	v57 =	vadd.f32 v11, v17  }
0x245: {  	v2 =	vsel vm4, v3, v2  }
0x246: {  	v2 =	vsub.f32 v2, v4;
	v3 =	vadd.f32 v6, v57  }
0x247: {  	v58 =	vsel vm5, v10, v9;
	v59 =	vld.idx.msk [tilespmem:v13+s9+$0x0], $0xffff  }
0x248: {  	v4 =	vsub.f32 v58, v23;
	v3 =	vadd.f32 v2, v3  }
0x249: {  	v8 =	vsel vm6, v36, v40  }
0x24a: {  	v8 =	vsub.f32 v8, v52;
	v3 =	vadd.f32 v4, v3  }
0x24b: {  	v9 =	vsel vm15, v18, v16  }
0x24c: {  	v3 =	vadd.f32 v8, v3;
	v7 =	vsub.f32 v9, v59;
	_ =	sdelay $0x1  }
0x24d: {  	v3 =	vadd.f32 v7, v3;
	_ =	sdelay $0x1  }
0x24e: {  	v3 =	vadd.f32 $9.999999680e-21, v3;
	_ =	sdelay $0x1  }
0x24f: {  	(erf) = vrcp.f32 v3;
	_ =	sdelay $0x7  }
0x250: {  	v10 =	vld [tilespmem:$0x1FF80]  }
0x251: {  	v3 =	vpop (erf)  }
0x252: {  	v0 =	vmul.f32 v3, v0;
	_ =	sdelay $0x1  }
0x253: {  	v9 =	vmul.f32 v3, v12;
	v0 =	vmul.f32 $2.500000000e+00, v0;
	_ =	sdelay $0x1  }
0x254: {  	[tilespmem:v42+s12+$0x0] =	vst.idx.msk $0xffff, v0;
	v0 =	vmul.f32 $2.500000000e+00, v9;
	v9 =	vmul.f32 v3, v11  }
0x255: {  	[tilespmem:v42+s13+$0x0] =	vst.idx.msk $0xffff, v43  }
0x256: {  	[tilespmem:v10+s12+$0x0] =	vst.idx.msk $0xffff, v0;
	v0 =	vmul.f32 $2.500000000e+00, v9;
	v9 =	vld [tilespmem:$0x1FF90];
	_ =	sdelay $0x1  }
0x257: {  	v60 =	vld [tilespmem:$0x1FFA0];
	_ =	sdelay $0x1  }
0x258: {  	v61 =	vld [tilespmem:$0x1FFB0];
	_ =	sdelay $0x1  }
0x259: {  	v6 =	vmul.f32 v3, v6  }
0x25a: {  	[tilespmem:v10+s13+$0x0] =	vst.idx.msk $0xffff, v47  }
0x25b: {  	v2 =	vmul.f32 v3, v2;
	[tilespmem:v9+s12+$0x0] =	vst.idx.msk $0xffff, v0;
	v0 =	vmul.f32 $2.500000000e+00, v6  }
0x25c: {  	[tilespmem:v9+s13+$0x0] =	vst.idx.msk $0xffff, v14  }
0x25d: {  	[tilespmem:v60+s12+$0x0] =	vst.idx.msk $0xffff, v0;
	v0 =	vmul.f32 $2.500000000e+00, v2;
	v2 =	vmul.f32 v3, v4  }
0x25e: {  	[tilespmem:v60+s13+$0x0] =	vst.idx.msk $0xffff, v19  }
0x25f: {  	v62 =	vld [tilespmem:$0x1FFC0];
	[tilespmem:v61+s12+$0x0] =	vst.idx.msk $0xffff, v0;
	v0 =	vmul.f32 $2.500000000e+00, v2;
	v2 =	vmul.f32 v3, v8;
	_ =	sdelay $0x1  }
0x260: {  	[tilespmem:v61+s13+$0x0] =	vst.idx.msk $0xffff, v1;
	v1 =	vmul.f32 $2.500000000e+00, v2;
	v2 =	vld [tilespmem:$0x1FFD0];
	_ =	sdelay $0x5  }
0x261: {  	[tilespmem:v62+s12+$0x0] =	vst.idx.msk $0xffff, v0  }
0x262: {  	[tilespmem:v62+s13+$0x0] =	vst.idx.msk $0xffff, v5  }
0x263: {  	[tilespmem:v2+s12+$0x0] =	vst.idx.msk $0xffff, v1  }
0x264: {  	[tilespmem:v2+s13+$0x0] =	vst.idx.msk $0xffff, v15;
	v2 =	vld [tilespmem:$0x1FFE0];
	_ =	sdelay $0x3  }
0x265: {  	p0 =	sne.s32 s17, $0x70;
	v0 =	vmul.f32 v3, v7  }
.Ltmp0:
0x266: {  	_ = 	snop;
	(pc) =	sbr.rel @p0 .LBB2_3-.Ltmp0, $3  }
0x267: {  	v0 =	vmul.f32 $2.500000000e+00, v0;
	_ =	sdelay $0x1  }
0x268: {  	v34 =	vimm.s32 $0xA;
	v28 =	vimm.s32 $0x8;
	[tilespmem:v2+s12+$0x0] =	vst.idx.msk $0xffff, v0  }
0x269: {  	s17 =	sadd.s32 $0x10, s17;
	v16 =	vimm.s32 $0x6;
	v12 =	vimm.s32 $0x4;
	v11 =	vimm.s32 $0x2;
	v1 =	vld [tilespmem:$0x1FFF0];
	[tilespmem:v2+s13+$0x0] =	vst.idx.msk $0xffff, v13  }
0x26a: {  	s17 =	sadd.s32 s5, s16  }
0x26b: {  	[hbm4b:s17+s2] =	stream.linear.scatter [tilespmem:s12], [sflag:$0x1], $0x4000, $0x38;
	[tilespmem:$0xE080] =	vst v63  }
0x26c: {  	s15 =	sadd.s32 $0x1, s15;
	_ =	swait.ge [sflag:s10], $0x4000  }
0x26d: {  	p0 =	sne.s32 s15, $0x4;
	[sflag:s10] =	ssyncset.done $0x0  }
.Ltmp1:
0x26e: {  	s31 =	sadd.s32 s6, s16;
	[sflag:s10] =	ssyncadd.s32 $0xFFFFC000;
	(pc) =	sbr.rel @p0 .LBB2_2-.Ltmp1, $4  }
0x26f: {  	[hbm4b:s31+s2] =	stream.linear.scatter [tilespmem:s13], [sflag:$0x1], $0x4000, $0x38;
	[tilespmem:$0xE080] =	vst v63  }
0x270: {  	_ =	swait.ge [sflag:s10], $0x4000  }
0x271: {  	[sflag:s10] =	ssyncset.done $0x0  }
0x272: {  	[sflag:s10] =	ssyncadd.s32 $0xFFFFC000  }
0x273: {  	s14 =	sadd.s32 $0x1, s14  }
0x274: {  	p0 =	sne.s32 s14, s8  }
.Ltmp2:
0x275: {  	_ = 	snop;
	(pc) =	sbr.rel @p0 .LBB2_1-.Ltmp2, $1  }
0x276: {  	_ =	sdelay $0x3  }
0x277: {  	_ =	sfence.sel $0x180000  }
0x278: {  	[bflag:$0x0] =	sbarrier.arrive $0xFFFF  }
0x279: {  	p0 =	sne.s32 s4, $0x0;
	_ =	strace $0x90000047  }
0x27a: {  	s0 =	sadd.s32 @!p0 $0x100000, s0;
	[bflag:$0x2] =	sbarrier.arrive $0xFFFF  }
0x27b: {  	[sflag:s0] =	ssyncadd.tile.s32 @!p0 $0x1;
	_ =	shalt  }
.Lfunc_end2:
_tile_overlayer_lowered:
.L_overlay_start_2:
0x27c: {  	(tag) =	ssettag $0x2  }
0x27d: {  	s0 =	rddreg [dreg:$0x0];
	s2 =	stileid.u32  }
0x27e: {  	s1 =	rddreg [dreg:$0x1];
	p0 =	sne.s32 s2, $0x0  }
0x27f: {  	s3 =	rddreg [dreg:$0x2];
	[bflag:$0x3] =	sbarrier.arrive $0xFFFF;
	s2 =	simm.s32 @!p0 $0x1C01  }
0x280: {  	[timem:s3], [sflag:s2] =	dma.local @!p0 [hbm:s0], s1  }
0x281: {  	s0 =	simm.s32 @!p0 $0x1  }
0x282: {  	_ =	swait.ge @!p0 [sflag:s0], s1  }
0x283: {  	s1 =	ssub.s32 @!p0 $0x0, s1;
	[sflag:s0] =	ssyncset.done @!p0 $0x0  }
0x284: {  	[sflag:s0] =	ssyncadd.s32 @!p0 s1  }
0x285: {  	[bflag:$0x3] =	sbarrier.arrive $0xFFFF  }
0x286: {  	_ =	shalt  }

</sc_bundles>
